<compile_context>
chip_gen: v7x
topology: tpu7x:2x2x1
jax: 0.10.2.dev20260603
libtpu: 0.0.44.dev20260713+nightly
codegen_flags: <defaults>
</compile_context>

<pallas_src>
import functools

import jax
import jax.numpy as jnp
from jax import lax
from jax.experimental import pallas as pl
from jax.experimental.pallas import tpu as pltpu
from jax.experimental.pallas import tpu_sc as plsc

_N = 10000
_E = 320000
_D = 128
_THR = 0.1
_EPS = 1e-8

_NC, _NS, _L = 2, 16, 16
_NW = _NC * _NS
_EW = _E // _NW
_EBLK = 80
_NCHUNK = _EW // _EBLK
_NGRP = _EBLK // _L

_mesh = plsc.VectorSubcoreMesh(core_axis_name="c", subcore_axis_name="s")


def _norm_body(x_ref, xn_ref):
    x = x_ref[...]
    ssq = jnp.sum(x * x, axis=1, keepdims=True)
    inv = 1.0 / jnp.maximum(jnp.sqrt(ssq), _EPS)
    xn_ref[...] = x * inv


def _normalize(x):
    blk = 2000
    return pl.pallas_call(
        _norm_body,
        grid=(_N // blk,),
        in_specs=[pl.BlockSpec((blk, _D), lambda i: (i, 0))],
        out_specs=pl.BlockSpec((blk, _D), lambda i: (i, 0)),
        out_shape=jax.ShapeDtypeStruct((_N, _D), jnp.float32),
    )(x)


_DUNROLL = 16


_NB = 3


def _score_body(xn_hbm, row_hbm, col_hbm, att_hbm, part_hbm,
                ridx_v, cidx_v, a_v, b_v, att_v, part_v,
                sa0, sa1, sa2, sb0, sb1, sb2):
    wid = lax.axis_index("s") * _NC + lax.axis_index("c")
    ebase = wid * _EW
    sems_a = (sa0, sa1, sa2)
    sems_b = (sb0, sb1, sb2)

    def zero_body(i, c):
        part_v[pl.ds(i * _L, _L)] = jnp.zeros((_L,), jnp.float32)
        return c
    lax.fori_loop(0, _N // _L, zero_body, 0)

    iota = lax.iota(jnp.int32, _L)

    pltpu.sync_copy(row_hbm.at[pl.ds(ebase, _EW)], ridx_v)
    pltpu.sync_copy(col_hbm.at[pl.ds(ebase, _EW)], cidx_v)

    def fire(ci, b):
        sl = pl.ds(ci * _EBLK, _EBLK)
        pltpu.async_copy(xn_hbm.at[ridx_v.at[sl]], a_v.at[b], sems_a[b])
        pltpu.async_copy(xn_hbm.at[cidx_v.at[sl]], b_v.at[b], sems_b[b])

    def wait(ci, b):
        sl = pl.ds(ci * _EBLK, _EBLK)
        pltpu.make_async_copy(xn_hbm.at[ridx_v.at[sl]], a_v.at[b], sems_a[b]).wait()
        pltpu.make_async_copy(xn_hbm.at[cidx_v.at[sl]], b_v.at[b], sems_b[b]).wait()

    def compute(ci, b):
        av = a_v.at[b]
        bv = b_v.at[b]

        def grp_body(g, c2):
            lanes = g * _L + iota

            def d_body(k, carry):
                accs = list(carry[:4])
                dv = carry[4]
                for j in range(_DUNROLL):
                    ai = plsc.load_gather(av, [lanes, dv])
                    bi = plsc.load_gather(bv, [lanes, dv])
                    accs[j % 4] = accs[j % 4] + ai * bi
                    dv = jnp.bitwise_and(dv + 1, _D - 1)
                return (*accs, dv)
            z = jnp.zeros((_L,), jnp.float32)
            a0, a1, a2, a3, _unused = lax.fori_loop(
                0, _D // _DUNROLL, d_body, (z, z, z, z, iota))
            dot = (a0 + a1) + (a2 + a3)
            att = jnp.where(dot < _THR, 0.0, dot)
            att_v[pl.ds(ci * _EBLK + g * _L, _L)] = att
            ridx_vec = ridx_v[pl.ds(ci * _EBLK + g * _L, _L)]
            plsc.addupdate_scatter(part_v, [ridx_vec], att)
            return c2
        lax.fori_loop(0, _NGRP, grp_body, 0)

    for b in range(_NB):
        fire(b, b)

    _NSTEADY = ((_NCHUNK - _NB + 1) // _NB) * _NB

    def ring_body(q, c):
        for b in range(_NB):
            ci = _NB * q + b
            wait(ci, b)
            compute(ci, b)
            nxt = ci + _NB

            @pl.when(nxt <= _NCHUNK - 1)
            def _():
                fire(nxt, b)
        return c
    lax.fori_loop(0, _NSTEADY // _NB, ring_body, 0)
    for ci in range(_NSTEADY, _NCHUNK):
        wait(ci, ci % _NB)
        compute(ci, ci % _NB)

    pltpu.sync_copy(att_v, att_hbm.at[pl.ds(ebase, _EW)])
    pltpu.sync_copy(part_v, part_hbm.at[wid])


_score_kernel = functools.partial(
    pl.kernel,
    out_type=(
        jax.ShapeDtypeStruct((_E,), jnp.float32),
        jax.ShapeDtypeStruct((_NW, _N), jnp.float32),
    ),
    mesh=_mesh,
    compiler_params=pltpu.CompilerParams(needs_layout_passes=False),
    scratch_types=[
        pltpu.VMEM((_EW,), jnp.int32),
        pltpu.VMEM((_EW,), jnp.int32),
        pltpu.VMEM((_NB, _EBLK, _D), jnp.float32),
        pltpu.VMEM((_NB, _EBLK, _D), jnp.float32),
        pltpu.VMEM((_EW,), jnp.float32),
        pltpu.VMEM((_N,), jnp.float32),
        pltpu.SemaphoreType.DMA,
        pltpu.SemaphoreType.DMA,
        pltpu.SemaphoreType.DMA,
        pltpu.SemaphoreType.DMA,
        pltpu.SemaphoreType.DMA,
        pltpu.SemaphoreType.DMA,
    ],
)(_score_body)


def _denom_body(part_ref, den_ref):
    s = jnp.sum(part_ref[...], axis=0, keepdims=True)
    den_ref[...] = jnp.where(s == 0.0, 1.0, s)


def _denoms(partials):
    return pl.pallas_call(
        _denom_body,
        out_shape=jax.ShapeDtypeStruct((1, _N), jnp.float32),
    )(partials)


def _final_body(att_hbm, row_hbm, den_hbm, out_hbm,
                den_v, ridx_v, att_v, out_v):
    wid = lax.axis_index("s") * _NC + lax.axis_index("c")
    ebase = wid * _EW
    pltpu.sync_copy(den_hbm, den_v)
    pltpu.sync_copy(row_hbm.at[pl.ds(ebase, _EW)], ridx_v)
    pltpu.sync_copy(att_hbm.at[pl.ds(ebase, _EW)], att_v)

    def grp_body(g, c):
        sl = pl.ds(g * _L, _L)
        ridx_vec = ridx_v[sl]
        den = plsc.load_gather(den_v, [ridx_vec])
        out_v[sl] = jnp.exp(att_v[sl] / den)
        return c
    lax.fori_loop(0, _EW // _L, grp_body, 0)
    pltpu.sync_copy(out_v, out_hbm.at[pl.ds(ebase, _EW)])


_final_kernel = functools.partial(
    pl.kernel,
    out_type=jax.ShapeDtypeStruct((_E,), jnp.float32),
    mesh=_mesh,
    compiler_params=pltpu.CompilerParams(needs_layout_passes=False),
    scratch_types=[
        pltpu.VMEM((_N,), jnp.float32),
        pltpu.VMEM((_EW,), jnp.int32),
        pltpu.VMEM((_EW,), jnp.float32),
        pltpu.VMEM((_EW,), jnp.float32),
    ],
)(_final_body)


def kernel(x, edge_index):
    row = edge_index[0]
    col = edge_index[1]
    xn = _normalize(x)
    att, partials = _score_kernel(xn, row, col)
    den = _denoms(partials).reshape(_N)
    return _final_kernel(att, row, den)

# --- scband reference (transcript-rebuilt; emitter-appended) ---
"""Pipeline reference for scband-gnnguard-38628935860954 (READ-ONLY COPY).

The authoritative reference and input builder live on the scoring server;
editing this copy changes nothing except your own understanding.
"""

import jax, jax.numpy as jnp
import numpy as np

N_NODES = 10000
N_EDGES = 320000
D_FEAT = 128
THRESHOLD = 0.1


def setup_inputs(seed: int = 0) -> dict:
    key = jax.random.key(seed)
    k1, k2 = jax.random.split(key)
    x = jax.random.normal(k1, (N_NODES, D_FEAT), dtype=jnp.float32)
    edge_index = jax.random.randint(k2, (2, N_EDGES), 0, N_NODES, dtype=jnp.int32)
    return {"x": x, "edge_index": edge_index}


def reference(x, edge_index):
    # GNNGUARD forward: cosine-similarity edge attention, threshold,
    # row-wise L1 normalization over source node, then exp.
    row = edge_index[0]
    col = edge_index[1]
    A = jnp.take(x, row, axis=0)
    B = jnp.take(x, col, axis=0)
    eps = 1e-8  # F.cosine_similarity eps
    dot = jnp.sum(A * B, axis=-1)
    na = jnp.maximum(jnp.sqrt(jnp.sum(A * A, axis=-1)), eps)
    nb = jnp.maximum(jnp.sqrt(jnp.sum(B * B, axis=-1)), eps)
    att_score = dot / (na * nb)
    # att_score[att_score < threshold] = 0.0
    att_score = jnp.where(att_score < THRESHOLD, 0.0, att_score)
    # sklearn normalize(adj, axis=1, norm='l1'): divide each source row by its L1 sum
    # (scores are >= 0 after threshold, so L1 sum == plain sum); zero rows stay zero.
    row_sum = jax.ops.segment_sum(att_score, row, num_segments=N_NODES)
    denom = jnp.where(row_sum == 0.0, 1.0, row_sum)
    att_score_norm = att_score / jnp.take(denom, row, axis=0)
    # att_score_norm = att_score_norm.exp()
    att_score_norm = jnp.exp(att_score_norm)
    return att_score_norm

if __name__ == "__main__":
    import jax
    _d = setup_inputs()
    print(jax.jit(kernel)(*tuple(_d.values())))

</pallas_src>

<mosaic_0001>
#map = affine_map<(d0, d1) -> (0)>
module attributes {stable_mosaic.version = 14 : i64} {
  func.func @_final_body(%arg0: i32, %arg1: i32, %arg2: memref<320000xf32, #tpu.memory_space<hbm>>, %arg3: memref<320000xi32, #tpu.memory_space<hbm>>, %arg4: memref<10000xf32, #tpu.memory_space<hbm>>, %arg5: memref<320000xf32, #tpu.memory_space<hbm>>, %arg6: memref<10000xf32, #tpu.memory_space<vmem>>, %arg7: memref<10000xi32, #tpu.memory_space<vmem>>, %arg8: memref<10000xf32, #tpu.memory_space<vmem>>, %arg9: memref<10000xf32, #tpu.memory_space<vmem>>) attributes {dimension_semantics = [#tpu.dimension_semantics<core_parallel>, #tpu.dimension_semantics<subcore_parallel>], iteration_bounds = array<i64: 2, 16>, scalar_prefetch = 0 : i64, scratch_operands = 4 : i64, tpu.core_type = #tpu.core_type<sc_vector_subcore>, window_params = [{transform_indices = #map}, {transform_indices = #map}, {transform_indices = #map}, {transform_indices = #map}]} {
    %mul3A = arith.constant 2 : i32
    %mul3A_0 = arith.muli %arg1, %mul3A : i32
    %add3A = arith.addi %mul3A_0, %arg0 : i32
    %mul3A_1 = arith.constant 10000 : i32
    %mul3A_2 = arith.muli %add3A, %mul3A_1 : i32
    "tpu.region"() ({
      %run_scoped3A = tpu.sem_alloc : memref<!tpu.dma_semaphore, #tpu.memory_space<semaphore_mem>>
      tpu.enqueue_dma source(%arg4 : memref<10000xf32, #tpu.memory_space<hbm>>) target(%arg6 : memref<10000xf32, #tpu.memory_space<vmem>>) target_semaphore(%run_scoped3A : memref<!tpu.dma_semaphore, #tpu.memory_space<semaphore_mem>>)
      tpu.wait_dma2 semaphore(%run_scoped3A : memref<!tpu.dma_semaphore, #tpu.memory_space<semaphore_mem>>) src(%arg4 : memref<10000xf32, #tpu.memory_space<hbm>>) dst(%arg6 : memref<10000xf32, #tpu.memory_space<vmem>>)
      tpu.yield
    }) : () -> ()
    "tpu.region"() ({
      %run_scoped3A = tpu.sem_alloc : memref<!tpu.dma_semaphore, #tpu.memory_space<semaphore_mem>>
      %dma_start3A = tpu.memref_slice %arg3[%mul3A_2] : memref<320000xi32, #tpu.memory_space<hbm>> -> memref<10000xi32, #tpu.memory_space<hbm>>
      %dma_start3A_8 = tpu.memref_slice %arg3[%mul3A_2] : memref<320000xi32, #tpu.memory_space<hbm>> -> memref<10000xi32, #tpu.memory_space<hbm>>
      tpu.enqueue_dma source(%dma_start3A_8 : memref<10000xi32, #tpu.memory_space<hbm>>) target(%arg7 : memref<10000xi32, #tpu.memory_space<vmem>>) target_semaphore(%run_scoped3A : memref<!tpu.dma_semaphore, #tpu.memory_space<semaphore_mem>>)
      %dma_wait3A = tpu.memref_slice %arg3[%mul3A_2] : memref<320000xi32, #tpu.memory_space<hbm>> -> memref<10000xi32, #tpu.memory_space<hbm>>
      %dma_wait3A_9 = tpu.memref_slice %arg3[%mul3A_2] : memref<320000xi32, #tpu.memory_space<hbm>> -> memref<10000xi32, #tpu.memory_space<hbm>>
      tpu.wait_dma2 semaphore(%run_scoped3A : memref<!tpu.dma_semaphore, #tpu.memory_space<semaphore_mem>>) src(%dma_wait3A_9 : memref<10000xi32, #tpu.memory_space<hbm>>) dst(%arg7 : memref<10000xi32, #tpu.memory_space<vmem>>)
      tpu.yield
    }) : () -> ()
    "tpu.region"() ({
      %run_scoped3A = tpu.sem_alloc : memref<!tpu.dma_semaphore, #tpu.memory_space<semaphore_mem>>
      %dma_start3A = tpu.memref_slice %arg2[%mul3A_2] : memref<320000xf32, #tpu.memory_space<hbm>> -> memref<10000xf32, #tpu.memory_space<hbm>>
      %dma_start3A_8 = tpu.memref_slice %arg2[%mul3A_2] : memref<320000xf32, #tpu.memory_space<hbm>> -> memref<10000xf32, #tpu.memory_space<hbm>>
      tpu.enqueue_dma source(%dma_start3A_8 : memref<10000xf32, #tpu.memory_space<hbm>>) target(%arg8 : memref<10000xf32, #tpu.memory_space<vmem>>) target_semaphore(%run_scoped3A : memref<!tpu.dma_semaphore, #tpu.memory_space<semaphore_mem>>)
      %dma_wait3A = tpu.memref_slice %arg2[%mul3A_2] : memref<320000xf32, #tpu.memory_space<hbm>> -> memref<10000xf32, #tpu.memory_space<hbm>>
      %dma_wait3A_9 = tpu.memref_slice %arg2[%mul3A_2] : memref<320000xf32, #tpu.memory_space<hbm>> -> memref<10000xf32, #tpu.memory_space<hbm>>
      tpu.wait_dma2 semaphore(%run_scoped3A : memref<!tpu.dma_semaphore, #tpu.memory_space<semaphore_mem>>) src(%dma_wait3A_9 : memref<10000xf32, #tpu.memory_space<hbm>>) dst(%arg8 : memref<10000xf32, #tpu.memory_space<vmem>>)
      tpu.yield
    }) : () -> ()
    %scan3A = arith.constant 0 : i32
    %scan3A_3 = arith.constant 0 : i32
    %scan3A_4 = arith.constant 625 : i32
    %scan3A_5 = arith.addi %scan3A_3, %scan3A_4 : i32
    %scan3A_6 = arith.constant 1 : i32
    scf.for %scan3A_8 = %scan3A_3 to %scan3A_5 step %scan3A_6  : i32 {
      %mul3A_9 = arith.constant 16 : i32
      %mul3A_10 = arith.muli %scan3A_8, %mul3A_9 : i32
      %get3A = arith.index_cast %mul3A_10 : i32 to index
      %get3A_11 = tpu.vector_load %arg7[%get3A] {strides = array<i32>} : memref<10000xi32, #tpu.memory_space<vmem>>, vector<16xi32>,
      %gather3A = tpu.vector_load_idx %arg6[%get3A_11] : memref<10000xf32, #tpu.memory_space<vmem>>[vector<16xi32>], vector<16xf32>,
      %get3A_12 = arith.index_cast %mul3A_10 : i32 to index
      %get3A_13 = tpu.vector_load %arg8[%get3A_12] {strides = array<i32>} : memref<10000xf32, #tpu.memory_space<vmem>>, vector<16xf32>,
      %div3A = arith.divf %get3A_13, %gather3A : vector<16xf32>
      %exp3A = math.exp %div3A : vector<16xf32>
      %swap3A = arith.index_cast %mul3A_10 : i32 to index
      %swap3A_14 = tpu.vector_load %arg9[%swap3A] {strides = array<i32>} : memref<10000xf32, #tpu.memory_space<vmem>>, vector<16xf32>,
      tpu.vector_store %arg9[%swap3A], %exp3A {strides = array<i32>} : memref<10000xf32, #tpu.memory_space<vmem>>, vector<16xf32>,
    }
    %scan3A_7 = arith.constant 625 : i32
    "tpu.region"() ({
      %run_scoped3A = tpu.sem_alloc : memref<!tpu.dma_semaphore, #tpu.memory_space<semaphore_mem>>
      %dma_start3A = tpu.memref_slice %arg5[%mul3A_2] : memref<320000xf32, #tpu.memory_space<hbm>> -> memref<10000xf32, #tpu.memory_space<hbm>>
      %dma_start3A_8 = tpu.memref_slice %arg5[%mul3A_2] : memref<320000xf32, #tpu.memory_space<hbm>> -> memref<10000xf32, #tpu.memory_space<hbm>>
      tpu.enqueue_dma source(%arg9 : memref<10000xf32, #tpu.memory_space<vmem>>) target(%dma_start3A_8 : memref<10000xf32, #tpu.memory_space<hbm>>) target_semaphore(%run_scoped3A : memref<!tpu.dma_semaphore, #tpu.memory_space<semaphore_mem>>)
      %dma_wait3A = tpu.memref_slice %arg5[%mul3A_2] : memref<320000xf32, #tpu.memory_space<hbm>> -> memref<10000xf32, #tpu.memory_space<hbm>>
      %dma_wait3A_9 = tpu.memref_slice %arg5[%mul3A_2] : memref<320000xf32, #tpu.memory_space<hbm>> -> memref<10000xf32, #tpu.memory_space<hbm>>
      tpu.wait_dma2 semaphore(%run_scoped3A : memref<!tpu.dma_semaphore, #tpu.memory_space<semaphore_mem>>) src(%arg9 : memref<10000xf32, #tpu.memory_space<vmem>>) dst(%dma_wait3A_9 : memref<10000xf32, #tpu.memory_space<hbm>>)
      tpu.yield
    }) : () -> ()
    return
  }
}

#map = affine_map<(d0, d1) -> (0, 0)>
#map1 = affine_map<(d0, d1) -> (0)>
module attributes {stable_mosaic.version = 14 : i64} {
  func.func @_score_body(%arg0: i32, %arg1: i32, %arg2: memref<10000x128xf32, #tpu.memory_space<hbm>>, %arg3: memref<320000xi32, #tpu.memory_space<hbm>>, %arg4: memref<320000xi32, #tpu.memory_space<hbm>>, %arg5: memref<320000xf32, #tpu.memory_space<hbm>>, %arg6: memref<32x10000xf32, #tpu.memory_space<hbm>>, %arg7: memref<10000xi32, #tpu.memory_space<vmem>>, %arg8: memref<10000xi32, #tpu.memory_space<vmem>>, %arg9: memref<3x80x128xf32, #tpu.memory_space<vmem>>, %arg10: memref<3x80x128xf32, #tpu.memory_space<vmem>>, %arg11: memref<10000xf32, #tpu.memory_space<vmem>>, %arg12: memref<10000xf32, #tpu.memory_space<vmem>>, %arg13: memref<!tpu.dma_semaphore, #tpu.memory_space<semaphore_mem>>, %arg14: memref<!tpu.dma_semaphore, #tpu.memory_space<semaphore_mem>>, %arg15: memref<!tpu.dma_semaphore, #tpu.memory_space<semaphore_mem>>, %arg16: memref<!tpu.dma_semaphore, #tpu.memory_space<semaphore_mem>>, %arg17: memref<!tpu.dma_semaphore, #tpu.memory_space<semaphore_mem>>, %arg18: memref<!tpu.dma_semaphore, #tpu.memory_space<semaphore_mem>>) attributes {dimension_semantics = [#tpu.dimension_semantics<core_parallel>, #tpu.dimension_semantics<subcore_parallel>], iteration_bounds = array<i64: 2, 16>, scalar_prefetch = 0 : i64, scratch_operands = 12 : i64, tpu.core_type = #tpu.core_type<sc_vector_subcore>, window_params = [{transform_indices = #map}, {transform_indices = #map1}, {transform_indices = #map1}, {transform_indices = #map1}, {transform_indices = #map}]} {
    %mul3A = arith.constant 2 : i32
    %mul3A_0 = arith.muli %arg1, %mul3A : i32
    %add3A = arith.addi %mul3A_0, %arg0 : i32
    %mul3A_1 = arith.constant 10000 : i32
    %mul3A_2 = arith.muli %add3A, %mul3A_1 : i32
    %scan3A = arith.constant 0 : i32
    %scan3A_3 = arith.constant 0 : i32
    %scan3A_4 = arith.constant 625 : i32
    %scan3A_5 = arith.addi %scan3A_3, %scan3A_4 : i32
    %scan3A_6 = arith.constant 1 : i32
    scf.for %scan3A_128 = %scan3A_3 to %scan3A_5 step %scan3A_6  : i32 {
      %broadcast_in_dim3A = arith.constant 0.000000e+00 : f32
      %broadcast_in_dim3A_129 = vector.broadcast %broadcast_in_dim3A : f32 to vector<16xf32>
      %mul3A_130 = arith.constant 16 : i32
      %mul3A_131 = arith.muli %scan3A_128, %mul3A_130 : i32
      %swap3A = arith.index_cast %mul3A_131 : i32 to index
      %swap3A_132 = tpu.vector_load %arg12[%swap3A] {strides = array<i32>} : memref<10000xf32, #tpu.memory_space<vmem>>, vector<16xf32>,
      tpu.vector_store %arg12[%swap3A], %broadcast_in_dim3A_129 {strides = array<i32>} : memref<10000xf32, #tpu.memory_space<vmem>>, vector<16xf32>,
    }
    %scan3A_7 = arith.constant 625 : i32
    %iota3A = tpu.iota {dimensions = array<i32: 0>} : vector<16xi32>
    "tpu.region"() ({
      %run_scoped3A = tpu.sem_alloc : memref<!tpu.dma_semaphore, #tpu.memory_space<semaphore_mem>>
      %dma_start3A_128 = tpu.memref_slice %arg3[%mul3A_2] : memref<320000xi32, #tpu.memory_space<hbm>> -> memref<10000xi32, #tpu.memory_space<hbm>>
      %dma_start3A_129 = tpu.memref_slice %arg3[%mul3A_2] : memref<320000xi32, #tpu.memory_space<hbm>> -> memref<10000xi32, #tpu.memory_space<hbm>>
      tpu.enqueue_dma source(%dma_start3A_129 : memref<10000xi32, #tpu.memory_space<hbm>>) target(%arg7 : memref<10000xi32, #tpu.memory_space<vmem>>) target_semaphore(%run_scoped3A : memref<!tpu.dma_semaphore, #tpu.memory_space<semaphore_mem>>)
      %dma_wait3A_130 = tpu.memref_slice %arg3[%mul3A_2] : memref<320000xi32, #tpu.memory_space<hbm>> -> memref<10000xi32, #tpu.memory_space<hbm>>
      %dma_wait3A_131 = tpu.memref_slice %arg3[%mul3A_2] : memref<320000xi32, #tpu.memory_space<hbm>> -> memref<10000xi32, #tpu.memory_space<hbm>>
      tpu.wait_dma2 semaphore(%run_scoped3A : memref<!tpu.dma_semaphore, #tpu.memory_space<semaphore_mem>>) src(%dma_wait3A_131 : memref<10000xi32, #tpu.memory_space<hbm>>) dst(%arg7 : memref<10000xi32, #tpu.memory_space<vmem>>)
      tpu.yield
    }) : () -> ()
    "tpu.region"() ({
      %run_scoped3A = tpu.sem_alloc : memref<!tpu.dma_semaphore, #tpu.memory_space<semaphore_mem>>
      %dma_start3A_128 = tpu.memref_slice %arg4[%mul3A_2] : memref<320000xi32, #tpu.memory_space<hbm>> -> memref<10000xi32, #tpu.memory_space<hbm>>
      %dma_start3A_129 = tpu.memref_slice %arg4[%mul3A_2] : memref<320000xi32, #tpu.memory_space<hbm>> -> memref<10000xi32, #tpu.memory_space<hbm>>
      tpu.enqueue_dma source(%dma_start3A_129 : memref<10000xi32, #tpu.memory_space<hbm>>) target(%arg8 : memref<10000xi32, #tpu.memory_space<vmem>>) target_semaphore(%run_scoped3A : memref<!tpu.dma_semaphore, #tpu.memory_space<semaphore_mem>>)
      %dma_wait3A_130 = tpu.memref_slice %arg4[%mul3A_2] : memref<320000xi32, #tpu.memory_space<hbm>> -> memref<10000xi32, #tpu.memory_space<hbm>>
      %dma_wait3A_131 = tpu.memref_slice %arg4[%mul3A_2] : memref<320000xi32, #tpu.memory_space<hbm>> -> memref<10000xi32, #tpu.memory_space<hbm>>
      tpu.wait_dma2 semaphore(%run_scoped3A : memref<!tpu.dma_semaphore, #tpu.memory_space<semaphore_mem>>) src(%dma_wait3A_131 : memref<10000xi32, #tpu.memory_space<hbm>>) dst(%arg8 : memref<10000xi32, #tpu.memory_space<vmem>>)
      tpu.yield
    }) : () -> ()
    %dma_start3A = arith.constant 0 : i32
    %dma_start3A_8 = arith.constant 0 : i32
    %dma_start3A_9 = arith.constant 0 : i32
    %dma_start3A_10 = tpu.memref_slice %arg9[%dma_start3A, %dma_start3A_8, %dma_start3A_9] : memref<3x80x128xf32, #tpu.memory_space<vmem>> -> memref<1x80x128xf32, #tpu.memory_space<vmem>>
    %dma_start3A_11 = tpu.memref_squeeze %dma_start3A_10 : memref<1x80x128xf32, #tpu.memory_space<vmem>> -> memref<80x128xf32, #tpu.memory_space<vmem>>
    %dma_start3A_12 = arith.constant 0 : i32
    %dma_start3A_13 = tpu.memref_slice %arg7[%dma_start3A_12] : memref<10000xi32, #tpu.memory_space<vmem>> -> memref<80xi32, #tpu.memory_space<vmem>>
    %dma_start3A_14 = arith.constant 0 : i32
    %dma_start3A_15 = arith.constant 0 : i32
    %dma_start3A_16 = tpu.memref_slice %arg2[%dma_start3A_14, %dma_start3A_15] : memref<10000x128xf32, #tpu.memory_space<hbm>> -> memref<10000x128xf32, #tpu.memory_space<hbm>>
    tpu.enqueue_indirect_dma source(%dma_start3A_16 : memref<10000x128xf32, #tpu.memory_space<hbm>>) target(%dma_start3A_11 : memref<80x128xf32, #tpu.memory_space<vmem>>) offsets(%dma_start3A_13 : memref<80xi32, #tpu.memory_space<vmem>>) semaphore(%arg13 : memref<!tpu.dma_semaphore, #tpu.memory_space<semaphore_mem>>)
    %dma_start3A_17 = arith.constant 0 : i32
    %dma_start3A_18 = arith.constant 0 : i32
    %dma_start3A_19 = arith.constant 0 : i32
    %dma_start3A_20 = tpu.memref_slice %arg10[%dma_start3A_17, %dma_start3A_18, %dma_start3A_19] : memref<3x80x128xf32, #tpu.memory_space<vmem>> -> memref<1x80x128xf32, #tpu.memory_space<vmem>>
    %dma_start3A_21 = tpu.memref_squeeze %dma_start3A_20 : memref<1x80x128xf32, #tpu.memory_space<vmem>> -> memref<80x128xf32, #tpu.memory_space<vmem>>
    %dma_start3A_22 = arith.constant 0 : i32
    %dma_start3A_23 = tpu.memref_slice %arg8[%dma_start3A_22] : memref<10000xi32, #tpu.memory_space<vmem>> -> memref<80xi32, #tpu.memory_space<vmem>>
    %dma_start3A_24 = arith.constant 0 : i32
    %dma_start3A_25 = arith.constant 0 : i32
    %dma_start3A_26 = tpu.memref_slice %arg2[%dma_start3A_24, %dma_start3A_25] : memref<10000x128xf32, #tpu.memory_space<hbm>> -> memref<10000x128xf32, #tpu.memory_space<hbm>>
    tpu.enqueue_indirect_dma source(%dma_start3A_26 : memref<10000x128xf32, #tpu.memory_space<hbm>>) target(%dma_start3A_21 : memref<80x128xf32, #tpu.memory_space<vmem>>) offsets(%dma_start3A_23 : memref<80xi32, #tpu.memory_space<vmem>>) semaphore(%arg16 : memref<!tpu.dma_semaphore, #tpu.memory_space<semaphore_mem>>)
    %dma_start3A_27 = arith.constant 1 : i32
    %dma_start3A_28 = arith.constant 0 : i32
    %dma_start3A_29 = arith.constant 0 : i32
    %dma_start3A_30 = tpu.memref_slice %arg9[%dma_start3A_27, %dma_start3A_28, %dma_start3A_29] : memref<3x80x128xf32, #tpu.memory_space<vmem>> -> memref<1x80x128xf32, #tpu.memory_space<vmem>>
    %dma_start3A_31 = tpu.memref_squeeze %dma_start3A_30 : memref<1x80x128xf32, #tpu.memory_space<vmem>> -> memref<80x128xf32, #tpu.memory_space<vmem>>
    %dma_start3A_32 = arith.constant 80 : i32
    %dma_start3A_33 = tpu.memref_slice %arg7[%dma_start3A_32] : memref<10000xi32, #tpu.memory_space<vmem>> -> memref<80xi32, #tpu.memory_space<vmem>>
    %dma_start3A_34 = arith.constant 0 : i32
    %dma_start3A_35 = arith.constant 0 : i32
    %dma_start3A_36 = tpu.memref_slice %arg2[%dma_start3A_34, %dma_start3A_35] : memref<10000x128xf32, #tpu.memory_space<hbm>> -> memref<10000x128xf32, #tpu.memory_space<hbm>>
    tpu.enqueue_indirect_dma source(%dma_start3A_36 : memref<10000x128xf32, #tpu.memory_space<hbm>>) target(%dma_start3A_31 : memref<80x128xf32, #tpu.memory_space<vmem>>) offsets(%dma_start3A_33 : memref<80xi32, #tpu.memory_space<vmem>>) semaphore(%arg14 : memref<!tpu.dma_semaphore, #tpu.memory_space<semaphore_mem>>)
    %dma_start3A_37 = arith.constant 1 : i32
    %dma_start3A_38 = arith.constant 0 : i32
    %dma_start3A_39 = arith.constant 0 : i32
    %dma_start3A_40 = tpu.memref_slice %arg10[%dma_start3A_37, %dma_start3A_38, %dma_start3A_39] : memref<3x80x128xf32, #tpu.memory_space<vmem>> -> memref<1x80x128xf32, #tpu.memory_space<vmem>>
    %dma_start3A_41 = tpu.memref_squeeze %dma_start3A_40 : memref<1x80x128xf32, #tpu.memory_space<vmem>> -> memref<80x128xf32, #tpu.memory_space<vmem>>
    %dma_start3A_42 = arith.constant 80 : i32
    %dma_start3A_43 = tpu.memref_slice %arg8[%dma_start3A_42] : memref<10000xi32, #tpu.memory_space<vmem>> -> memref<80xi32, #tpu.memory_space<vmem>>
    %dma_start3A_44 = arith.constant 0 : i32
    %dma_start3A_45 = arith.constant 0 : i32
    %dma_start3A_46 = tpu.memref_slice %arg2[%dma_start3A_44, %dma_start3A_45] : memref<10000x128xf32, #tpu.memory_space<hbm>> -> memref<10000x128xf32, #tpu.memory_space<hbm>>
    tpu.enqueue_indirect_dma source(%dma_start3A_46 : memref<10000x128xf32, #tpu.memory_space<hbm>>) target(%dma_start3A_41 : memref<80x128xf32, #tpu.memory_space<vmem>>) offsets(%dma_start3A_43 : memref<80xi32, #tpu.memory_space<vmem>>) semaphore(%arg17 : memref<!tpu.dma_semaphore, #tpu.memory_space<semaphore_mem>>)
    %dma_start3A_47 = arith.constant 2 : i32
    %dma_start3A_48 = arith.constant 0 : i32
    %dma_start3A_49 = arith.constant 0 : i32
    %dma_start3A_50 = tpu.memref_slice %arg9[%dma_start3A_47, %dma_start3A_48, %dma_start3A_49] : memref<3x80x128xf32, #tpu.memory_space<vmem>> -> memref<1x80x128xf32, #tpu.memory_space<vmem>>
    %dma_start3A_51 = tpu.memref_squeeze %dma_start3A_50 : memref<1x80x128xf32, #tpu.memory_space<vmem>> -> memref<80x128xf32, #tpu.memory_space<vmem>>
    %dma_start3A_52 = arith.constant 160 : i32
    %dma_start3A_53 = tpu.memref_slice %arg7[%dma_start3A_52] : memref<10000xi32, #tpu.memory_space<vmem>> -> memref<80xi32, #tpu.memory_space<vmem>>
    %dma_start3A_54 = arith.constant 0 : i32
    %dma_start3A_55 = arith.constant 0 : i32
    %dma_start3A_56 = tpu.memref_slice %arg2[%dma_start3A_54, %dma_start3A_55] : memref<10000x128xf32, #tpu.memory_space<hbm>> -> memref<10000x128xf32, #tpu.memory_space<hbm>>
    tpu.enqueue_indirect_dma source(%dma_start3A_56 : memref<10000x128xf32, #tpu.memory_space<hbm>>) target(%dma_start3A_51 : memref<80x128xf32, #tpu.memory_space<vmem>>) offsets(%dma_start3A_53 : memref<80xi32, #tpu.memory_space<vmem>>) semaphore(%arg15 : memref<!tpu.dma_semaphore, #tpu.memory_space<semaphore_mem>>)
    %dma_start3A_57 = arith.constant 2 : i32
    %dma_start3A_58 = arith.constant 0 : i32
    %dma_start3A_59 = arith.constant 0 : i32
    %dma_start3A_60 = tpu.memref_slice %arg10[%dma_start3A_57, %dma_start3A_58, %dma_start3A_59] : memref<3x80x128xf32, #tpu.memory_space<vmem>> -> memref<1x80x128xf32, #tpu.memory_space<vmem>>
    %dma_start3A_61 = tpu.memref_squeeze %dma_start3A_60 : memref<1x80x128xf32, #tpu.memory_space<vmem>> -> memref<80x128xf32, #tpu.memory_space<vmem>>
    %dma_start3A_62 = arith.constant 160 : i32
    %dma_start3A_63 = tpu.memref_slice %arg8[%dma_start3A_62] : memref<10000xi32, #tpu.memory_space<vmem>> -> memref<80xi32, #tpu.memory_space<vmem>>
    %dma_start3A_64 = arith.constant 0 : i32
    %dma_start3A_65 = arith.constant 0 : i32
    %dma_start3A_66 = tpu.memref_slice %arg2[%dma_start3A_64, %dma_start3A_65] : memref<10000x128xf32, #tpu.memory_space<hbm>> -> memref<10000x128xf32, #tpu.memory_space<hbm>>
    tpu.enqueue_indirect_dma source(%dma_start3A_66 : memref<10000x128xf32, #tpu.memory_space<hbm>>) target(%dma_start3A_61 : memref<80x128xf32, #tpu.memory_space<vmem>>) offsets(%dma_start3A_63 : memref<80xi32, #tpu.memory_space<vmem>>) semaphore(%arg18 : memref<!tpu.dma_semaphore, #tpu.memory_space<semaphore_mem>>)
    %scan3A_67 = arith.constant 0 : i32
    %scan3A_68 = arith.constant 0 : i32
    %scan3A_69 = arith.constant 41 : i32
    %scan3A_70 = arith.addi %scan3A_68, %scan3A_69 : i32
    %scan3A_71 = arith.constant 1 : i32
    scf.for %scan3A_128 = %scan3A_68 to %scan3A_70 step %scan3A_71  : i32 {
      %mul3A_129 = arith.constant 3 : i32
      %mul3A_130 = arith.muli %mul3A_129, %scan3A_128 : i32
      %add3A_131 = arith.constant 0 : i32
      %add3A_132 = arith.addi %mul3A_130, %add3A_131 : i32
      %mul3A_133 = arith.constant 80 : i32
      %mul3A_134 = arith.muli %add3A_132, %mul3A_133 : i32
      %dma_wait3A_135 = arith.constant 0 : i32
      %dma_wait3A_136 = arith.constant 0 : i32
      %dma_wait3A_137 = arith.constant 0 : i32
      %dma_wait3A_138 = tpu.memref_slice %arg9[%dma_wait3A_135, %dma_wait3A_136, %dma_wait3A_137] : memref<3x80x128xf32, #tpu.memory_space<vmem>> -> memref<1x80x128xf32, #tpu.memory_space<vmem>>
      %dma_wait3A_139 = tpu.memref_squeeze %dma_wait3A_138 : memref<1x80x128xf32, #tpu.memory_space<vmem>> -> memref<80x128xf32, #tpu.memory_space<vmem>>
      %dma_wait3A_140 = tpu.memref_slice %arg7[%mul3A_134] : memref<10000xi32, #tpu.memory_space<vmem>> -> memref<80xi32, #tpu.memory_space<vmem>>
      %dma_wait3A_141 = arith.constant 0 : i32
      %dma_wait3A_142 = arith.constant 0 : i32
      %dma_wait3A_143 = tpu.memref_slice %arg2[%dma_wait3A_141, %dma_wait3A_142] : memref<10000x128xf32, #tpu.memory_space<hbm>> -> memref<10000x128xf32, #tpu.memory_space<hbm>>
      tpu.wait_indirect_dma semaphore(%arg13 : memref<!tpu.dma_semaphore, #tpu.memory_space<semaphore_mem>>) src(%dma_wait3A_143 : memref<10000x128xf32, #tpu.memory_space<hbm>>) dst(%dma_wait3A_139 : memref<80x128xf32, #tpu.memory_space<vmem>>)
      %dma_wait3A_144 = arith.constant 0 : i32
      %dma_wait3A_145 = arith.constant 0 : i32
      %dma_wait3A_146 = arith.constant 0 : i32
      %dma_wait3A_147 = tpu.memref_slice %arg10[%dma_wait3A_144, %dma_wait3A_145, %dma_wait3A_146] : memref<3x80x128xf32, #tpu.memory_space<vmem>> -> memref<1x80x128xf32, #tpu.memory_space<vmem>>
      %dma_wait3A_148 = tpu.memref_squeeze %dma_wait3A_147 : memref<1x80x128xf32, #tpu.memory_space<vmem>> -> memref<80x128xf32, #tpu.memory_space<vmem>>
      %dma_wait3A_149 = tpu.memref_slice %arg8[%mul3A_134] : memref<10000xi32, #tpu.memory_space<vmem>> -> memref<80xi32, #tpu.memory_space<vmem>>
      %dma_wait3A_150 = arith.constant 0 : i32
      %dma_wait3A_151 = arith.constant 0 : i32
      %dma_wait3A_152 = tpu.memref_slice %arg2[%dma_wait3A_150, %dma_wait3A_151] : memref<10000x128xf32, #tpu.memory_space<hbm>> -> memref<10000x128xf32, #tpu.memory_space<hbm>>
      tpu.wait_indirect_dma semaphore(%arg16 : memref<!tpu.dma_semaphore, #tpu.memory_space<semaphore_mem>>) src(%dma_wait3A_152 : memref<10000x128xf32, #tpu.memory_space<hbm>>) dst(%dma_wait3A_148 : memref<80x128xf32, #tpu.memory_space<vmem>>)
      %scan3A_153 = arith.constant 0 : i32
      %scan3A_154 = arith.constant 0 : i32
      %scan3A_155 = arith.constant 0 : i32
      %scan3A_156 = arith.constant 0 : i32
      %scan3A_157 = arith.constant 5 : i32
      %scan3A_158 = arith.addi %scan3A_156, %scan3A_157 : i32
      %scan3A_159 = arith.constant 1 : i32
      scf.for %scan3A_243 = %scan3A_156 to %scan3A_158 step %scan3A_159  : i32 {
        %mul3A_244 = arith.constant 16 : i32
        %mul3A_245 = arith.muli %scan3A_243, %mul3A_244 : i32
        %add3A_246 = vector.broadcast %mul3A_245 : i32 to vector<16xi32>
        %add3A_247 = arith.addi %add3A_246, %iota3A : vector<16xi32>
        %broadcast_in_dim3A = arith.constant 0.000000e+00 : f32
        %broadcast_in_dim3A_248 = vector.broadcast %broadcast_in_dim3A : f32 to vector<16xf32>
        %scan3A_249 = arith.constant 0 : i32
        %scan3A_250 = arith.constant 8 : i32
        %scan3A_251 = arith.addi %scan3A_249, %scan3A_250 : i32
        %scan3A_252 = arith.constant 1 : i32
        %scan3A_253:5 = scf.for %scan3A_273 = %scan3A_249 to %scan3A_251 step %scan3A_252 iter_args(%scan3A_274 = %broadcast_in_dim3A_248, %scan3A_275 = %broadcast_in_dim3A_248, %scan3A_276 = %broadcast_in_dim3A_248, %scan3A_277 = %broadcast_in_dim3A_248, %scan3A_278 = %iota3A) -> (vector<16xf32>, vector<16xf32>, vector<16xf32>, vector<16xf32>, vector<16xi32>)  : i32 {
          %gather3A = arith.constant 0 : i32
          %gather3A_279 = arith.constant 0 : i32
          %gather3A_280 = tpu.memref_slice %arg9[%scan3A_154, %gather3A, %gather3A_279] : memref<3x80x128xf32, #tpu.memory_space<vmem>> -> memref<1x80x128xf32, #tpu.memory_space<vmem>>
          %gather3A_281 = tpu.memref_squeeze %gather3A_280 : memref<1x80x128xf32, #tpu.memory_space<vmem>> -> memref<80x128xf32, #tpu.memory_space<vmem>>
          %gather3A_282 = tpu.vector_load_idx %gather3A_281[%add3A_247, %scan3A_278] : memref<80x128xf32, #tpu.memory_space<vmem>>[vector<16xi32>, vector<16xi32>], vector<16xf32>,
          %gather3A_283 = arith.constant 0 : i32
          %gather3A_284 = arith.constant 0 : i32
          %gather3A_285 = tpu.memref_slice %arg10[%scan3A_155, %gather3A_283, %gather3A_284] : memref<3x80x128xf32, #tpu.memory_space<vmem>> -> memref<1x80x128xf32, #tpu.memory_space<vmem>>
          %gather3A_286 = tpu.memref_squeeze %gather3A_285 : memref<1x80x128xf32, #tpu.memory_space<vmem>> -> memref<80x128xf32, #tpu.memory_space<vmem>>
          %gather3A_287 = tpu.vector_load_idx %gather3A_286[%add3A_247, %scan3A_278] : memref<80x128xf32, #tpu.memory_space<vmem>>[vector<16xi32>, vector<16xi32>], vector<16xf32>,
          %mul3A_288 = arith.mulf %gather3A_282, %gather3A_287 : vector<16xf32>
          %add3A_289 = arith.addf %scan3A_274, %mul3A_288 : vector<16xf32>
          %add3A_290 = arith.constant 1 : i32
          %add3A_291 = vector.broadcast %add3A_290 : i32 to vector<16xi32>
          %add3A_292 = arith.addi %scan3A_278, %add3A_291 : vector<16xi32>
          %and3A = arith.constant 127 : i32
          %and3A_293 = vector.broadcast %and3A : i32 to vector<16xi32>
          %and3A_294 = arith.andi %add3A_292, %and3A_293 : vector<16xi32>
          %gather3A_295 = arith.constant 0 : i32
          %gather3A_296 = arith.constant 0 : i32
          %gather3A_297 = tpu.memref_slice %arg9[%scan3A_154, %gather3A_295, %gather3A_296] : memref<3x80x128xf32, #tpu.memory_space<vmem>> -> memref<1x80x128xf32, #tpu.memory_space<vmem>>
          %gather3A_298 = tpu.memref_squeeze %gather3A_297 : memref<1x80x128xf32, #tpu.memory_space<vmem>> -> memref<80x128xf32, #tpu.memory_space<vmem>>
          %gather3A_299 = tpu.vector_load_idx %gather3A_298[%add3A_247, %and3A_294] : memref<80x128xf32, #tpu.memory_space<vmem>>[vector<16xi32>, vector<16xi32>], vector<16xf32>,
          %gather3A_300 = arith.constant 0 : i32
          %gather3A_301 = arith.constant 0 : i32
          %gather3A_302 = tpu.memref_slice %arg10[%scan3A_155, %gather3A_300, %gather3A_301] : memref<3x80x128xf32, #tpu.memory_space<vmem>> -> memref<1x80x128xf32, #tpu.memory_space<vmem>>
          %gather3A_303 = tpu.memref_squeeze %gather3A_302 : memref<1x80x128xf32, #tpu.memory_space<vmem>> -> memref<80x128xf32, #tpu.memory_space<vmem>>
          %gather3A_304 = tpu.vector_load_idx %gather3A_303[%add3A_247, %and3A_294] : memref<80x128xf32, #tpu.memory_space<vmem>>[vector<16xi32>, vector<16xi32>], vector<16xf32>,
          %mul3A_305 = arith.mulf %gather3A_299, %gather3A_304 : vector<16xf32>
          %add3A_306 = arith.addf %scan3A_275, %mul3A_305 : vector<16xf32>
          %add3A_307 = arith.constant 1 : i32
          %add3A_308 = vector.broadcast %add3A_307 : i32 to vector<16xi32>
          %add3A_309 = arith.addi %and3A_294, %add3A_308 : vector<16xi32>
          %and3A_310 = arith.constant 127 : i32
          %and3A_311 = vector.broadcast %and3A_310 : i32 to vector<16xi32>
          %and3A_312 = arith.andi %add3A_309, %and3A_311 : vector<16xi32>
          %gather3A_313 = arith.constant 0 : i32
          %gather3A_314 = arith.constant 0 : i32
          %gather3A_315 = tpu.memref_slice %arg9[%scan3A_154, %gather3A_313, %gather3A_314] : memref<3x80x128xf32, #tpu.memory_space<vmem>> -> memref<1x80x128xf32, #tpu.memory_space<vmem>>
          %gather3A_316 = tpu.memref_squeeze %gather3A_315 : memref<1x80x128xf32, #tpu.memory_space<vmem>> -> memref<80x128xf32, #tpu.memory_space<vmem>>
          %gather3A_317 = tpu.vector_load_idx %gather3A_316[%add3A_247, %and3A_312] : memref<80x128xf32, #tpu.memory_space<vmem>>[vector<16xi32>, vector<16xi32>], vector<16xf32>,
          %gather3A_318 = arith.constant 0 : i32
          %gather3A_319 = arith.constant 0 : i32
          %gather3A_320 = tpu.memref_slice %arg10[%scan3A_155, %gather3A_318, %gather3A_319] : memref<3x80x128xf32, #tpu.memory_space<vmem>> -> memref<1x80x128xf32, #tpu.memory_space<vmem>>
          %gather3A_321 = tpu.memref_squeeze %gather3A_320 : memref<1x80x128xf32, #tpu.memory_space<vmem>> -> memref<80x128xf32, #tpu.memory_space<vmem>>
          %gather3A_322 = tpu.vector_load_idx %gather3A_321[%add3A_247, %and3A_312] : memref<80x128xf32, #tpu.memory_space<vmem>>[vector<16xi32>, vector<16xi32>], vector<16xf32>,
          %mul3A_323 = arith.mulf %gather3A_317, %gather3A_322 : vector<16xf32>
          %add3A_324 = arith.addf %scan3A_276, %mul3A_323 : vector<16xf32>
          %add3A_325 = arith.constant 1 : i32
          %add3A_326 = vector.broadcast %add3A_325 : i32 to vector<16xi32>
          %add3A_327 = arith.addi %and3A_312, %add3A_326 : vector<16xi32>
          %and3A_328 = arith.constant 127 : i32
          %and3A_329 = vector.broadcast %and3A_328 : i32 to vector<16xi32>
          %and3A_330 = arith.andi %add3A_327, %and3A_329 : vector<16xi32>
          %gather3A_331 = arith.constant 0 : i32
          %gather3A_332 = arith.constant 0 : i32
          %gather3A_333 = tpu.memref_slice %arg9[%scan3A_154, %gather3A_331, %gather3A_332] : memref<3x80x128xf32, #tpu.memory_space<vmem>> -> memref<1x80x128xf32, #tpu.memory_space<vmem>>
          %gather3A_334 = tpu.memref_squeeze %gather3A_333 : memref<1x80x128xf32, #tpu.memory_space<vmem>> -> memref<80x128xf32, #tpu.memory_space<vmem>>
          %gather3A_335 = tpu.vector_load_idx %gather3A_334[%add3A_247, %and3A_330] : memref<80x128xf32, #tpu.memory_space<vmem>>[vector<16xi32>, vector<16xi32>], vector<16xf32>,
          %gather3A_336 = arith.constant 0 : i32
          %gather3A_337 = arith.constant 0 : i32
          %gather3A_338 = tpu.memref_slice %arg10[%scan3A_155, %gather3A_336, %gather3A_337] : memref<3x80x128xf32, #tpu.memory_space<vmem>> -> memref<1x80x128xf32, #tpu.memory_space<vmem>>
          %gather3A_339 = tpu.memref_squeeze %gather3A_338 : memref<1x80x128xf32, #tpu.memory_space<vmem>> -> memref<80x128xf32, #tpu.memory_space<vmem>>
          %gather3A_340 = tpu.vector_load_idx %gather3A_339[%add3A_247, %and3A_330] : memref<80x128xf32, #tpu.memory_space<vmem>>[vector<16xi32>, vector<16xi32>], vector<16xf32>,
          %mul3A_341 = arith.mulf %gather3A_335, %gather3A_340 : vector<16xf32>
          %add3A_342 = arith.addf %scan3A_277, %mul3A_341 : vector<16xf32>
          %add3A_343 = arith.constant 1 : i32
          %add3A_344 = vector.broadcast %add3A_343 : i32 to vector<16xi32>
          %add3A_345 = arith.addi %and3A_330, %add3A_344 : vector<16xi32>
          %and3A_346 = arith.constant 127 : i32
          %and3A_347 = vector.broadcast %and3A_346 : i32 to vector<16xi32>
          %and3A_348 = arith.andi %add3A_345, %and3A_347 : vector<16xi32>
          %gather3A_349 = arith.constant 0 : i32
          %gather3A_350 = arith.constant 0 : i32
          %gather3A_351 = tpu.memref_slice %arg9[%scan3A_154, %gather3A_349, %gather3A_350] : memref<3x80x128xf32, #tpu.memory_space<vmem>> -> memref<1x80x128xf32, #tpu.memory_space<vmem>>
          %gather3A_352 = tpu.memref_squeeze %gather3A_351 : memref<1x80x128xf32, #tpu.memory_space<vmem>> -> memref<80x128xf32, #tpu.memory_space<vmem>>
          %gather3A_353 = tpu.vector_load_idx %gather3A_352[%add3A_247, %and3A_348] : memref<80x128xf32, #tpu.memory_space<vmem>>[vector<16xi32>, vector<16xi32>], vector<16xf32>,
          %gather3A_354 = arith.constant 0 : i32
          %gather3A_355 = arith.constant 0 : i32
          %gather3A_356 = tpu.memref_slice %arg10[%scan3A_155, %gather3A_354, %gather3A_355] : memref<3x80x128xf32, #tpu.memory_space<vmem>> -> memref<1x80x128xf32, #tpu.memory_space<vmem>>
          %gather3A_357 = tpu.memref_squeeze %gather3A_356 : memref<1x80x128xf32, #tpu.memory_space<vmem>> -> memref<80x128xf32, #tpu.memory_space<vmem>>
          %gather3A_358 = tpu.vector_load_idx %gather3A_357[%add3A_247, %and3A_348] : memref<80x128xf32, #tpu.memory_space<vmem>>[vector<16xi32>, vector<16xi32>], vector<16xf32>,
          %mul3A_359 = arith.mulf %gather3A_353, %gather3A_358 : vector<16xf32>
          %add3A_360 = arith.addf %add3A_289, %mul3A_359 : vector<16xf32>
          %add3A_361 = arith.constant 1 : i32
          %add3A_362 = vector.broadcast %add3A_361 : i32 to vector<16xi32>
          %add3A_363 = arith.addi %and3A_348, %add3A_362 : vector<16xi32>
          %and3A_364 = arith.constant 127 : i32
          %and3A_365 = vector.broadcast %and3A_364 : i32 to vector<16xi32>
          %and3A_366 = arith.andi %add3A_363, %and3A_365 : vector<16xi32>
          %gather3A_367 = arith.constant 0 : i32
          %gather3A_368 = arith.constant 0 : i32
          %gather3A_369 = tpu.memref_slice %arg9[%scan3A_154, %gather3A_367, %gather3A_368] : memref<3x80x128xf32, #tpu.memory_space<vmem>> -> memref<1x80x128xf32, #tpu.memory_space<vmem>>
          %gather3A_370 = tpu.memref_squeeze %gather3A_369 : memref<1x80x128xf32, #tpu.memory_space<vmem>> -> memref<80x128xf32, #tpu.memory_space<vmem>>
          %gather3A_371 = tpu.vector_load_idx %gather3A_370[%add3A_247, %and3A_366] : memref<80x128xf32, #tpu.memory_space<vmem>>[vector<16xi32>, vector<16xi32>], vector<16xf32>,
          %gather3A_372 = arith.constant 0 : i32
          %gather3A_373 = arith.constant 0 : i32
          %gather3A_374 = tpu.memref_slice %arg10[%scan3A_155, %gather3A_372, %gather3A_373] : memref<3x80x128xf32, #tpu.memory_space<vmem>> -> memref<1x80x128xf32, #tpu.memory_space<vmem>>
          %gather3A_375 = tpu.memref_squeeze %gather3A_374 : memref<1x80x128xf32, #tpu.memory_space<vmem>> -> memref<80x128xf32, #tpu.memory_space<vmem>>
          %gather3A_376 = tpu.vector_load_idx %gather3A_375[%add3A_247, %and3A_366] : memref<80x128xf32, #tpu.memory_space<vmem>>[vector<16xi32>, vector<16xi32>], vector<16xf32>,
          %mul3A_377 = arith.mulf %gather3A_371, %gather3A_376 : vector<16xf32>
          %add3A_378 = arith.addf %add3A_306, %mul3A_377 : vector<16xf32>
          %add3A_379 = arith.constant 1 : i32
          %add3A_380 = vector.broadcast %add3A_379 : i32 to vector<16xi32>
          %add3A_381 = arith.addi %and3A_366, %add3A_380 : vector<16xi32>
          %and3A_382 = arith.constant 127 : i32
          %and3A_383 = vector.broadcast %and3A_382 : i32 to vector<16xi32>
          %and3A_384 = arith.andi %add3A_381, %and3A_383 : vector<16xi32>
          %gather3A_385 = arith.constant 0 : i32
          %gather3A_386 = arith.constant 0 : i32
          %gather3A_387 = tpu.memref_slice %arg9[%scan3A_154, %gather3A_385, %gather3A_386] : memref<3x80x128xf32, #tpu.memory_space<vmem>> -> memref<1x80x128xf32, #tpu.memory_space<vmem>>
          %gather3A_388 = tpu.memref_squeeze %gather3A_387 : memref<1x80x128xf32, #tpu.memory_space<vmem>> -> memref<80x128xf32, #tpu.memory_space<vmem>>
          %gather3A_389 = tpu.vector_load_idx %gather3A_388[%add3A_247, %and3A_384] : memref<80x128xf32, #tpu.memory_space<vmem>>[vector<16xi32>, vector<16xi32>], vector<16xf32>,
          %gather3A_390 = arith.constant 0 : i32
          %gather3A_391 = arith.constant 0 : i32
          %gather3A_392 = tpu.memref_slice %arg10[%scan3A_155, %gather3A_390, %gather3A_391] : memref<3x80x128xf32, #tpu.memory_space<vmem>> -> memref<1x80x128xf32, #tpu.memory_space<vmem>>
          %gather3A_393 = tpu.memref_squeeze %gather3A_392 : memref<1x80x128xf32, #tpu.memory_space<vmem>> -> memref<80x128xf32, #tpu.memory_space<vmem>>
          %gather3A_394 = tpu.vector_load_idx %gather3A_393[%add3A_247, %and3A_384] : memref<80x128xf32, #tpu.memory_space<vmem>>[vector<16xi32>, vector<16xi32>], vector<16xf32>,
          %mul3A_395 = arith.mulf %gather3A_389, %gather3A_394 : vector<16xf32>
          %add3A_396 = arith.addf %add3A_324, %mul3A_395 : vector<16xf32>
          %add3A_397 = arith.constant 1 : i32
          %add3A_398 = vector.broadcast %add3A_397 : i32 to vector<16xi32>
          %add3A_399 = arith.addi %and3A_384, %add3A_398 : vector<16xi32>
          %and3A_400 = arith.constant 127 : i32
          %and3A_401 = vector.broadcast %and3A_400 : i32 to vector<16xi32>
          %and3A_402 = arith.andi %add3A_399, %and3A_401 : vector<16xi32>
          %gather3A_403 = arith.constant 0 : i32
          %gather3A_404 = arith.constant 0 : i32
          %gather3A_405 = tpu.memref_slice %arg9[%scan3A_154, %gather3A_403, %gather3A_404] : memref<3x80x128xf32, #tpu.memory_space<vmem>> -> memref<1x80x128xf32, #tpu.memory_space<vmem>>
          %gather3A_406 = tpu.memref_squeeze %gather3A_405 : memref<1x80x128xf32, #tpu.memory_space<vmem>> -> memref<80x128xf32, #tpu.memory_space<vmem>>
          %gather3A_407 = tpu.vector_load_idx %gather3A_406[%add3A_247, %and3A_402] : memref<80x128xf32, #tpu.memory_space<vmem>>[vector<16xi32>, vector<16xi32>], vector<16xf32>,
          %gather3A_408 = arith.constant 0 : i32
          %gather3A_409 = arith.constant 0 : i32
          %gather3A_410 = tpu.memref_slice %arg10[%scan3A_155, %gather3A_408, %gather3A_409] : memref<3x80x128xf32, #tpu.memory_space<vmem>> -> memref<1x80x128xf32, #tpu.memory_space<vmem>>
          %gather3A_411 = tpu.memref_squeeze %gather3A_410 : memref<1x80x128xf32, #tpu.memory_space<vmem>> -> memref<80x128xf32, #tpu.memory_space<vmem>>
          %gather3A_412 = tpu.vector_load_idx %gather3A_411[%add3A_247, %and3A_402] : memref<80x128xf32, #tpu.memory_space<vmem>>[vector<16xi32>, vector<16xi32>], vector<16xf32>,
          %mul3A_413 = arith.mulf %gather3A_407, %gather3A_412 : vector<16xf32>
          %add3A_414 = arith.addf %add3A_342, %mul3A_413 : vector<16xf32>
          %add3A_415 = arith.constant 1 : i32
          %add3A_416 = vector.broadcast %add3A_415 : i32 to vector<16xi32>
          %add3A_417 = arith.addi %and3A_402, %add3A_416 : vector<16xi32>
          %and3A_418 = arith.constant 127 : i32
          %and3A_419 = vector.broadcast %and3A_418 : i32 to vector<16xi32>
          %and3A_420 = arith.andi %add3A_417, %and3A_419 : vector<16xi32>
          %gather3A_421 = arith.constant 0 : i32
          %gather3A_422 = arith.constant 0 : i32
          %gather3A_423 = tpu.memref_slice %arg9[%scan3A_154, %gather3A_421, %gather3A_422] : memref<3x80x128xf32, #tpu.memory_space<vmem>> -> memref<1x80x128xf32, #tpu.memory_space<vmem>>
          %gather3A_424 = tpu.memref_squeeze %gather3A_423 : memref<1x80x128xf32, #tpu.memory_space<vmem>> -> memref<80x128xf32, #tpu.memory_space<vmem>>
          %gather3A_425 = tpu.vector_load_idx %gather3A_424[%add3A_247, %and3A_420] : memref<80x128xf32, #tpu.memory_space<vmem>>[vector<16xi32>, vector<16xi32>], vector<16xf32>,
          %gather3A_426 = arith.constant 0 : i32
          %gather3A_427 = arith.constant 0 : i32
          %gather3A_428 = tpu.memref_slice %arg10[%scan3A_155, %gather3A_426, %gather3A_427] : memref<3x80x128xf32, #tpu.memory_space<vmem>> -> memref<1x80x128xf32, #tpu.memory_space<vmem>>
          %gather3A_429 = tpu.memref_squeeze %gather3A_428 : memref<1x80x128xf32, #tpu.memory_space<vmem>> -> memref<80x128xf32, #tpu.memory_space<vmem>>
          %gather3A_430 = tpu.vector_load_idx %gather3A_429[%add3A_247, %and3A_420] : memref<80x128xf32, #tpu.memory_space<vmem>>[vector<16xi32>, vector<16xi32>], vector<16xf32>,
          %mul3A_431 = arith.mulf %gather3A_425, %gather3A_430 : vector<16xf32>
          %add3A_432 = arith.addf %add3A_360, %mul3A_431 : vector<16xf32>
          %add3A_433 = arith.constant 1 : i32
          %add3A_434 = vector.broadcast %add3A_433 : i32 to vector<16xi32>
          %add3A_435 = arith.addi %and3A_420, %add3A_434 : vector<16xi32>
          %and3A_436 = arith.constant 127 : i32
          %and3A_437 = vector.broadcast %and3A_436 : i32 to vector<16xi32>
          %and3A_438 = arith.andi %add3A_435, %and3A_437 : vector<16xi32>
          %gather3A_439 = arith.constant 0 : i32
          %gather3A_440 = arith.constant 0 : i32
          %gather3A_441 = tpu.memref_slice %arg9[%scan3A_154, %gather3A_439, %gather3A_440] : memref<3x80x128xf32, #tpu.memory_space<vmem>> -> memref<1x80x128xf32, #tpu.memory_space<vmem>>
          %gather3A_442 = tpu.memref_squeeze %gather3A_441 : memref<1x80x128xf32, #tpu.memory_space<vmem>> -> memref<80x128xf32, #tpu.memory_space<vmem>>
          %gather3A_443 = tpu.vector_load_idx %gather3A_442[%add3A_247, %and3A_438] : memref<80x128xf32, #tpu.memory_space<vmem>>[vector<16xi32>, vector<16xi32>], vector<16xf32>,
          %gather3A_444 = arith.constant 0 : i32
          %gather3A_445 = arith.constant 0 : i32
          %gather3A_446 = tpu.memref_slice %arg10[%scan3A_155, %gather3A_444, %gather3A_445] : memref<3x80x128xf32, #tpu.memory_space<vmem>> -> memref<1x80x128xf32, #tpu.memory_space<vmem>>
          %gather3A_447 = tpu.memref_squeeze %gather3A_446 : memref<1x80x128xf32, #tpu.memory_space<vmem>> -> memref<80x128xf32, #tpu.memory_space<vmem>>
          %gather3A_448 = tpu.vector_load_idx %gather3A_447[%add3A_247, %and3A_438] : memref<80x128xf32, #tpu.memory_space<vmem>>[vector<16xi32>, vector<16xi32>], vector<16xf32>,
          %mul3A_449 = arith.mulf %gather3A_443, %gather3A_448 : vector<16xf32>
          %add3A_450 = arith.addf %add3A_378, %mul3A_449 : vector<16xf32>
          %add3A_451 = arith.constant 1 : i32
          %add3A_452 = vector.broadcast %add3A_451 : i32 to vector<16xi32>
          %add3A_453 = arith.addi %and3A_438, %add3A_452 : vector<16xi32>
          %and3A_454 = arith.constant 127 : i32
          %and3A_455 = vector.broadcast %and3A_454 : i32 to vector<16xi32>
          %and3A_456 = arith.andi %add3A_453, %and3A_455 : vector<16xi32>
          %gather3A_457 = arith.constant 0 : i32
          %gather3A_458 = arith.constant 0 : i32
          %gather3A_459 = tpu.memref_slice %arg9[%scan3A_154, %gather3A_457, %gather3A_458] : memref<3x80x128xf32, #tpu.memory_space<vmem>> -> memref<1x80x128xf32, #tpu.memory_space<vmem>>
          %gather3A_460 = tpu.memref_squeeze %gather3A_459 : memref<1x80x128xf32, #tpu.memory_space<vmem>> -> memref<80x128xf32, #tpu.memory_space<vmem>>
          %gather3A_461 = tpu.vector_load_idx %gather3A_460[%add3A_247, %and3A_456] : memref<80x128xf32, #tpu.memory_space<vmem>>[vector<16xi32>, vector<16xi32>], vector<16xf32>,
          %gather3A_462 = arith.constant 0 : i32
          %gather3A_463 = arith.constant 0 : i32
          %gather3A_464 = tpu.memref_slice %arg10[%scan3A_155, %gather3A_462, %gather3A_463] : memref<3x80x128xf32, #tpu.memory_space<vmem>> -> memref<1x80x128xf32, #tpu.memory_space<vmem>>
          %gather3A_465 = tpu.memref_squeeze %gather3A_464 : memref<1x80x128xf32, #tpu.memory_space<vmem>> -> memref<80x128xf32, #tpu.memory_space<vmem>>
          %gather3A_466 = tpu.vector_load_idx %gather3A_465[%add3A_247, %and3A_456] : memref<80x128xf32, #tpu.memory_space<vmem>>[vector<16xi32>, vector<16xi32>], vector<16xf32>,
          %mul3A_467 = arith.mulf %gather3A_461, %gather3A_466 : vector<16xf32>
          %add3A_468 = arith.addf %add3A_396, %mul3A_467 : vector<16xf32>
          %add3A_469 = arith.constant 1 : i32
          %add3A_470 = vector.broadcast %add3A_469 : i32 to vector<16xi32>
          %add3A_471 = arith.addi %and3A_456, %add3A_470 : vector<16xi32>
          %and3A_472 = arith.constant 127 : i32
          %and3A_473 = vector.broadcast %and3A_472 : i32 to vector<16xi32>
          %and3A_474 = arith.andi %add3A_471, %and3A_473 : vector<16xi32>
          %gather3A_475 = arith.constant 0 : i32
          %gather3A_476 = arith.constant 0 : i32
          %gather3A_477 = tpu.memref_slice %arg9[%scan3A_154, %gather3A_475, %gather3A_476] : memref<3x80x128xf32, #tpu.memory_space<vmem>> -> memref<1x80x128xf32, #tpu.memory_space<vmem>>
          %gather3A_478 = tpu.memref_squeeze %gather3A_477 : memref<1x80x128xf32, #tpu.memory_space<vmem>> -> memref<80x128xf32, #tpu.memory_space<vmem>>
          %gather3A_479 = tpu.vector_load_idx %gather3A_478[%add3A_247, %and3A_474] : memref<80x128xf32, #tpu.memory_space<vmem>>[vector<16xi32>, vector<16xi32>], vector<16xf32>,
          %gather3A_480 = arith.constant 0 : i32
          %gather3A_481 = arith.constant 0 : i32
          %gather3A_482 = tpu.memref_slice %arg10[%scan3A_155, %gather3A_480, %gather3A_481] : memref<3x80x128xf32, #tpu.memory_space<vmem>> -> memref<1x80x128xf32, #tpu.memory_space<vmem>>
          %gather3A_483 = tpu.memref_squeeze %gather3A_482 : memref<1x80x128xf32, #tpu.memory_space<vmem>> -> memref<80x128xf32, #tpu.memory_space<vmem>>
          %gather3A_484 = tpu.vector_load_idx %gather3A_483[%add3A_247, %and3A_474] : memref<80x128xf32, #tpu.memory_space<vmem>>[vector<16xi32>, vector<16xi32>], vector<16xf32>,
          %mul3A_485 = arith.mulf %gather3A_479, %gather3A_484 : vector<16xf32>
          %add3A_486 = arith.addf %add3A_414, %mul3A_485 : vector<16xf32>
          %add3A_487 = arith.constant 1 : i32
          %add3A_488 = vector.broadcast %add3A_487 : i32 to vector<16xi32>
          %add3A_489 = arith.addi %and3A_474, %add3A_488 : vector<16xi32>
          %and3A_490 = arith.constant 127 : i32
          %and3A_491 = vector.broadcast %and3A_490 : i32 to vector<16xi32>
          %and3A_492 = arith.andi %add3A_489, %and3A_491 : vector<16xi32>
          %gather3A_493 = arith.constant 0 : i32
          %gather3A_494 = arith.constant 0 : i32
          %gather3A_495 = tpu.memref_slice %arg9[%scan3A_154, %gather3A_493, %gather3A_494] : memref<3x80x128xf32, #tpu.memory_space<vmem>> -> memref<1x80x128xf32, #tpu.memory_space<vmem>>
          %gather3A_496 = tpu.memref_squeeze %gather3A_495 : memref<1x80x128xf32, #tpu.memory_space<vmem>> -> memref<80x128xf32, #tpu.memory_space<vmem>>
          %gather3A_497 = tpu.vector_load_idx %gather3A_496[%add3A_247, %and3A_492] : memref<80x128xf32, #tpu.memory_space<vmem>>[vector<16xi32>, vector<16xi32>], vector<16xf32>,
          %gather3A_498 = arith.constant 0 : i32
          %gather3A_499 = arith.constant 0 : i32
          %gather3A_500 = tpu.memref_slice %arg10[%scan3A_155, %gather3A_498, %gather3A_499] : memref<3x80x128xf32, #tpu.memory_space<vmem>> -> memref<1x80x128xf32, #tpu.memory_space<vmem>>
          %gather3A_501 = tpu.memref_squeeze %gather3A_500 : memref<1x80x128xf32, #tpu.memory_space<vmem>> -> memref<80x128xf32, #tpu.memory_space<vmem>>
          %gather3A_502 = tpu.vector_load_idx %gather3A_501[%add3A_247, %and3A_492] : memref<80x128xf32, #tpu.memory_space<vmem>>[vector<16xi32>, vector<16xi32>], vector<16xf32>,
          %mul3A_503 = arith.mulf %gather3A_497, %gather3A_502 : vector<16xf32>
          %add3A_504 = arith.addf %add3A_432, %mul3A_503 : vector<16xf32>
          %add3A_505 = arith.constant 1 : i32
          %add3A_506 = vector.broadcast %add3A_505 : i32 to vector<16xi32>
          %add3A_507 = arith.addi %and3A_492, %add3A_506 : vector<16xi32>
          %and3A_508 = arith.constant 127 : i32
          %and3A_509 = vector.broadcast %and3A_508 : i32 to vector<16xi32>
          %and3A_510 = arith.andi %add3A_507, %and3A_509 : vector<16xi32>
          %gather3A_511 = arith.constant 0 : i32
          %gather3A_512 = arith.constant 0 : i32
          %gather3A_513 = tpu.memref_slice %arg9[%scan3A_154, %gather3A_511, %gather3A_512] : memref<3x80x128xf32, #tpu.memory_space<vmem>> -> memref<1x80x128xf32, #tpu.memory_space<vmem>>
          %gather3A_514 = tpu.memref_squeeze %gather3A_513 : memref<1x80x128xf32, #tpu.memory_space<vmem>> -> memref<80x128xf32, #tpu.memory_space<vmem>>
          %gather3A_515 = tpu.vector_load_idx %gather3A_514[%add3A_247, %and3A_510] : memref<80x128xf32, #tpu.memory_space<vmem>>[vector<16xi32>, vector<16xi32>], vector<16xf32>,
          %gather3A_516 = arith.constant 0 : i32
          %gather3A_517 = arith.constant 0 : i32
          %gather3A_518 = tpu.memref_slice %arg10[%scan3A_155, %gather3A_516, %gather3A_517] : memref<3x80x128xf32, #tpu.memory_space<vmem>> -> memref<1x80x128xf32, #tpu.memory_space<vmem>>
          %gather3A_519 = tpu.memref_squeeze %gather3A_518 : memref<1x80x128xf32, #tpu.memory_space<vmem>> -> memref<80x128xf32, #tpu.memory_space<vmem>>
          %gather3A_520 = tpu.vector_load_idx %gather3A_519[%add3A_247, %and3A_510] : memref<80x128xf32, #tpu.memory_space<vmem>>[vector<16xi32>, vector<16xi32>], vector<16xf32>,
          %mul3A_521 = arith.mulf %gather3A_515, %gather3A_520 : vector<16xf32>
          %add3A_522 = arith.addf %add3A_450, %mul3A_521 : vector<16xf32>
          %add3A_523 = arith.constant 1 : i32
          %add3A_524 = vector.broadcast %add3A_523 : i32 to vector<16xi32>
          %add3A_525 = arith.addi %and3A_510, %add3A_524 : vector<16xi32>
          %and3A_526 = arith.constant 127 : i32
          %and3A_527 = vector.broadcast %and3A_526 : i32 to vector<16xi32>
          %and3A_528 = arith.andi %add3A_525, %and3A_527 : vector<16xi32>
          %gather3A_529 = arith.constant 0 : i32
          %gather3A_530 = arith.constant 0 : i32
          %gather3A_531 = tpu.memref_slice %arg9[%scan3A_154, %gather3A_529, %gather3A_530] : memref<3x80x128xf32, #tpu.memory_space<vmem>> -> memref<1x80x128xf32, #tpu.memory_space<vmem>>
          %gather3A_532 = tpu.memref_squeeze %gather3A_531 : memref<1x80x128xf32, #tpu.memory_space<vmem>> -> memref<80x128xf32, #tpu.memory_space<vmem>>
          %gather3A_533 = tpu.vector_load_idx %gather3A_532[%add3A_247, %and3A_528] : memref<80x128xf32, #tpu.memory_space<vmem>>[vector<16xi32>, vector<16xi32>], vector<16xf32>,
          %gather3A_534 = arith.constant 0 : i32
          %gather3A_535 = arith.constant 0 : i32
          %gather3A_536 = tpu.memref_slice %arg10[%scan3A_155, %gather3A_534, %gather3A_535] : memref<3x80x128xf32, #tpu.memory_space<vmem>> -> memref<1x80x128xf32, #tpu.memory_space<vmem>>
          %gather3A_537 = tpu.memref_squeeze %gather3A_536 : memref<1x80x128xf32, #tpu.memory_space<vmem>> -> memref<80x128xf32, #tpu.memory_space<vmem>>
          %gather3A_538 = tpu.vector_load_idx %gather3A_537[%add3A_247, %and3A_528] : memref<80x128xf32, #tpu.memory_space<vmem>>[vector<16xi32>, vector<16xi32>], vector<16xf32>,
          %mul3A_539 = arith.mulf %gather3A_533, %gather3A_538 : vector<16xf32>
          %add3A_540 = arith.addf %add3A_468, %mul3A_539 : vector<16xf32>
          %add3A_541 = arith.constant 1 : i32
          %add3A_542 = vector.broadcast %add3A_541 : i32 to vector<16xi32>
          %add3A_543 = arith.addi %and3A_528, %add3A_542 : vector<16xi32>
          %and3A_544 = arith.constant 127 : i32
          %and3A_545 = vector.broadcast %and3A_544 : i32 to vector<16xi32>
          %and3A_546 = arith.andi %add3A_543, %and3A_545 : vector<16xi32>
          %gather3A_547 = arith.constant 0 : i32
          %gather3A_548 = arith.constant 0 : i32
          %gather3A_549 = tpu.memref_slice %arg9[%scan3A_154, %gather3A_547, %gather3A_548] : memref<3x80x128xf32, #tpu.memory_space<vmem>> -> memref<1x80x128xf32, #tpu.memory_space<vmem>>
          %gather3A_550 = tpu.memref_squeeze %gather3A_549 : memref<1x80x128xf32, #tpu.memory_space<vmem>> -> memref<80x128xf32, #tpu.memory_space<vmem>>
          %gather3A_551 = tpu.vector_load_idx %gather3A_550[%add3A_247, %and3A_546] : memref<80x128xf32, #tpu.memory_space<vmem>>[vector<16xi32>, vector<16xi32>], vector<16xf32>,
          %gather3A_552 = arith.constant 0 : i32
          %gather3A_553 = arith.constant 0 : i32
          %gather3A_554 = tpu.memref_slice %arg10[%scan3A_155, %gather3A_552, %gather3A_553] : memref<3x80x128xf32, #tpu.memory_space<vmem>> -> memref<1x80x128xf32, #tpu.memory_space<vmem>>
          %gather3A_555 = tpu.memref_squeeze %gather3A_554 : memref<1x80x128xf32, #tpu.memory_space<vmem>> -> memref<80x128xf32, #tpu.memory_space<vmem>>
          %gather3A_556 = tpu.vector_load_idx %gather3A_555[%add3A_247, %and3A_546] : memref<80x128xf32, #tpu.memory_space<vmem>>[vector<16xi32>, vector<16xi32>], vector<16xf32>,
          %mul3A_557 = arith.mulf %gather3A_551, %gather3A_556 : vector<16xf32>
          %add3A_558 = arith.addf %add3A_486, %mul3A_557 : vector<16xf32>
          %add3A_559 = arith.constant 1 : i32
          %add3A_560 = vector.broadcast %add3A_559 : i32 to vector<16xi32>
          %add3A_561 = arith.addi %and3A_546, %add3A_560 : vector<16xi32>
          %and3A_562 = arith.constant 127 : i32
          %and3A_563 = vector.broadcast %and3A_562 : i32 to vector<16xi32>
          %and3A_564 = arith.andi %add3A_561, %and3A_563 : vector<16xi32>
          scf.yield %add3A_504, %add3A_522, %add3A_540, %add3A_558, %and3A_564 : vector<16xf32>, vector<16xf32>, vector<16xf32>, vector<16xf32>, vector<16xi32>
        }
        %scan3A_254 = arith.constant 8 : i32
        %add3A_255 = arith.addf %scan3A_253#0, %scan3A_253#1 : vector<16xf32>
        %add3A_256 = arith.addf %scan3A_253#2, %scan3A_253#3 : vector<16xf32>
        %add3A_257 = arith.addf %add3A_255, %add3A_256 : vector<16xf32>
        %lt3A = arith.constant 1.000000e-01 : f32
        %lt3A_258 = vector.broadcast %lt3A : f32 to vector<16xf32>
        %lt3A_259 = arith.cmpf olt, %add3A_257, %lt3A_258 : vector<16xf32>
        %jit3A = arith.constant 0.000000e+00 : f32
        %broadcast_in_dim3A_260 = vector.broadcast %jit3A : f32 to vector<16xf32>
        %select_n3A = arith.select %lt3A_259, %broadcast_in_dim3A_260, %add3A_257 : vector<16xi1>, vector<16xf32>
        %mul3A_261 = arith.constant 80 : i32
        %mul3A_262 = arith.muli %add3A_132, %mul3A_261 : i32
        %mul3A_263 = arith.constant 16 : i32
        %mul3A_264 = arith.muli %scan3A_243, %mul3A_263 : i32
        %add3A_265 = arith.addi %mul3A_262, %mul3A_264 : i32
        %swap3A = arith.index_cast %add3A_265 : i32 to index
        %swap3A_266 = tpu.vector_load %arg11[%swap3A] {strides = array<i32>} : memref<10000xf32, #tpu.memory_space<vmem>>, vector<16xf32>,
        tpu.vector_store %arg11[%swap3A], %select_n3A {strides = array<i32>} : memref<10000xf32, #tpu.memory_space<vmem>>, vector<16xf32>,
        %mul3A_267 = arith.constant 80 : i32
        %mul3A_268 = arith.muli %add3A_132, %mul3A_267 : i32
        %mul3A_269 = arith.constant 16 : i32
        %mul3A_270 = arith.muli %scan3A_243, %mul3A_269 : i32
        %add3A_271 = arith.addi %mul3A_268, %mul3A_270 : i32
        %get3A = arith.index_cast %add3A_271 : i32 to index
        %get3A_272 = tpu.vector_load %arg7[%get3A] {strides = array<i32>} : memref<10000xi32, #tpu.memory_space<vmem>>, vector<16xi32>,
        tpu.vector_store_idx %arg12[%get3A_272], %select_n3A {add = true} : memref<10000xf32, #tpu.memory_space<vmem>>[vector<16xi32>], vector<16xf32>,
      }
      %scan3A_160 = arith.constant 5 : i32
      %add3A_161 = arith.constant 3 : i32
      %add3A_162 = arith.addi %add3A_132, %add3A_161 : i32
      %le3A = arith.constant 124 : i32
      %le3A_163 = arith.cmpi sle, %add3A_162, %le3A : i32
      %convert_element_type3A = arith.extui %le3A_163 : i1 to i32
      %cond3A = arith.constant 0 : i32
      %cond3A_164 = arith.cmpi ne, %convert_element_type3A, %cond3A : i32
      scf.if %cond3A_164 {
        %mul3A_243 = arith.constant 80 : i32
        %mul3A_244 = arith.muli %add3A_162, %mul3A_243 : i32
        %dma_start3A_245 = arith.constant 0 : i32
        %dma_start3A_246 = arith.constant 0 : i32
        %dma_start3A_247 = arith.constant 0 : i32
        %dma_start3A_248 = tpu.memref_slice %arg9[%dma_start3A_245, %dma_start3A_246, %dma_start3A_247] : memref<3x80x128xf32, #tpu.memory_space<vmem>> -> memref<1x80x128xf32, #tpu.memory_space<vmem>>
        %dma_start3A_249 = tpu.memref_squeeze %dma_start3A_248 : memref<1x80x128xf32, #tpu.memory_space<vmem>> -> memref<80x128xf32, #tpu.memory_space<vmem>>
        %dma_start3A_250 = tpu.memref_slice %arg7[%mul3A_244] : memref<10000xi32, #tpu.memory_space<vmem>> -> memref<80xi32, #tpu.memory_space<vmem>>
        %dma_start3A_251 = arith.constant 0 : i32
        %dma_start3A_252 = arith.constant 0 : i32
        %dma_start3A_253 = tpu.memref_slice %arg2[%dma_start3A_251, %dma_start3A_252] : memref<10000x128xf32, #tpu.memory_space<hbm>> -> memref<10000x128xf32, #tpu.memory_space<hbm>>
        tpu.enqueue_indirect_dma source(%dma_start3A_253 : memref<10000x128xf32, #tpu.memory_space<hbm>>) target(%dma_start3A_249 : memref<80x128xf32, #tpu.memory_space<vmem>>) offsets(%dma_start3A_250 : memref<80xi32, #tpu.memory_space<vmem>>) semaphore(%arg13 : memref<!tpu.dma_semaphore, #tpu.memory_space<semaphore_mem>>)
        %dma_start3A_254 = arith.constant 0 : i32
        %dma_start3A_255 = arith.constant 0 : i32
        %dma_start3A_256 = arith.constant 0 : i32
        %dma_start3A_257 = tpu.memref_slice %arg10[%dma_start3A_254, %dma_start3A_255, %dma_start3A_256] : memref<3x80x128xf32, #tpu.memory_space<vmem>> -> memref<1x80x128xf32, #tpu.memory_space<vmem>>
        %dma_start3A_258 = tpu.memref_squeeze %dma_start3A_257 : memref<1x80x128xf32, #tpu.memory_space<vmem>> -> memref<80x128xf32, #tpu.memory_space<vmem>>
        %dma_start3A_259 = tpu.memref_slice %arg8[%mul3A_244] : memref<10000xi32, #tpu.memory_space<vmem>> -> memref<80xi32, #tpu.memory_space<vmem>>
        %dma_start3A_260 = arith.constant 0 : i32
        %dma_start3A_261 = arith.constant 0 : i32
        %dma_start3A_262 = tpu.memref_slice %arg2[%dma_start3A_260, %dma_start3A_261] : memref<10000x128xf32, #tpu.memory_space<hbm>> -> memref<10000x128xf32, #tpu.memory_space<hbm>>
        tpu.enqueue_indirect_dma source(%dma_start3A_262 : memref<10000x128xf32, #tpu.memory_space<hbm>>) target(%dma_start3A_258 : memref<80x128xf32, #tpu.memory_space<vmem>>) offsets(%dma_start3A_259 : memref<80xi32, #tpu.memory_space<vmem>>) semaphore(%arg16 : memref<!tpu.dma_semaphore, #tpu.memory_space<semaphore_mem>>)
      } else {
      }
      %mul3A_165 = arith.constant 3 : i32
      %mul3A_166 = arith.muli %mul3A_165, %scan3A_128 : i32
      %add3A_167 = arith.constant 1 : i32
      %add3A_168 = arith.addi %mul3A_166, %add3A_167 : i32
      %mul3A_169 = arith.constant 80 : i32
      %mul3A_170 = arith.muli %add3A_168, %mul3A_169 : i32
      %dma_wait3A_171 = arith.constant 1 : i32
      %dma_wait3A_172 = arith.constant 0 : i32
      %dma_wait3A_173 = arith.constant 0 : i32
      %dma_wait3A_174 = tpu.memref_slice %arg9[%dma_wait3A_171, %dma_wait3A_172, %dma_wait3A_173] : memref<3x80x128xf32, #tpu.memory_space<vmem>> -> memref<1x80x128xf32, #tpu.memory_space<vmem>>
      %dma_wait3A_175 = tpu.memref_squeeze %dma_wait3A_174 : memref<1x80x128xf32, #tpu.memory_space<vmem>> -> memref<80x128xf32, #tpu.memory_space<vmem>>
      %dma_wait3A_176 = tpu.memref_slice %arg7[%mul3A_170] : memref<10000xi32, #tpu.memory_space<vmem>> -> memref<80xi32, #tpu.memory_space<vmem>>
      %dma_wait3A_177 = arith.constant 0 : i32
      %dma_wait3A_178 = arith.constant 0 : i32
      %dma_wait3A_179 = tpu.memref_slice %arg2[%dma_wait3A_177, %dma_wait3A_178] : memref<10000x128xf32, #tpu.memory_space<hbm>> -> memref<10000x128xf32, #tpu.memory_space<hbm>>
      tpu.wait_indirect_dma semaphore(%arg14 : memref<!tpu.dma_semaphore, #tpu.memory_space<semaphore_mem>>) src(%dma_wait3A_179 : memref<10000x128xf32, #tpu.memory_space<hbm>>) dst(%dma_wait3A_175 : memref<80x128xf32, #tpu.memory_space<vmem>>)
      %dma_wait3A_180 = arith.constant 1 : i32
      %dma_wait3A_181 = arith.constant 0 : i32
      %dma_wait3A_182 = arith.constant 0 : i32
      %dma_wait3A_183 = tpu.memref_slice %arg10[%dma_wait3A_180, %dma_wait3A_181, %dma_wait3A_182] : memref<3x80x128xf32, #tpu.memory_space<vmem>> -> memref<1x80x128xf32, #tpu.memory_space<vmem>>
      %dma_wait3A_184 = tpu.memref_squeeze %dma_wait3A_183 : memref<1x80x128xf32, #tpu.memory_space<vmem>> -> memref<80x128xf32, #tpu.memory_space<vmem>>
      %dma_wait3A_185 = tpu.memref_slice %arg8[%mul3A_170] : memref<10000xi32, #tpu.memory_space<vmem>> -> memref<80xi32, #tpu.memory_space<vmem>>
      %dma_wait3A_186 = arith.constant 0 : i32
      %dma_wait3A_187 = arith.constant 0 : i32
      %dma_wait3A_188 = tpu.memref_slice %arg2[%dma_wait3A_186, %dma_wait3A_187] : memref<10000x128xf32, #tpu.memory_space<hbm>> -> memref<10000x128xf32, #tpu.memory_space<hbm>>
      tpu.wait_indirect_dma semaphore(%arg17 : memref<!tpu.dma_semaphore, #tpu.memory_space<semaphore_mem>>) src(%dma_wait3A_188 : memref<10000x128xf32, #tpu.memory_space<hbm>>) dst(%dma_wait3A_184 : memref<80x128xf32, #tpu.memory_space<vmem>>)
      %scan3A_189 = arith.constant 0 : i32
      %scan3A_190 = arith.constant 1 : i32
      %scan3A_191 = arith.constant 1 : i32
      %scan3A_192 = arith.constant 0 : i32
      %scan3A_193 = arith.constant 5 : i32
      %scan3A_194 = arith.addi %scan3A_192, %scan3A_193 : i32
      %scan3A_195 = arith.constant 1 : i32
      scf.for %scan3A_243 = %scan3A_192 to %scan3A_194 step %scan3A_195  : i32 {
        %mul3A_244 = arith.constant 16 : i32
        %mul3A_245 = arith.muli %scan3A_243, %mul3A_244 : i32
        %add3A_246 = vector.broadcast %mul3A_245 : i32 to vector<16xi32>
        %add3A_247 = arith.addi %add3A_246, %iota3A : vector<16xi32>
        %broadcast_in_dim3A = arith.constant 0.000000e+00 : f32
        %broadcast_in_dim3A_248 = vector.broadcast %broadcast_in_dim3A : f32 to vector<16xf32>
        %scan3A_249 = arith.constant 0 : i32
        %scan3A_250 = arith.constant 8 : i32
        %scan3A_251 = arith.addi %scan3A_249, %scan3A_250 : i32
        %scan3A_252 = arith.constant 1 : i32
        %scan3A_253:5 = scf.for %scan3A_273 = %scan3A_249 to %scan3A_251 step %scan3A_252 iter_args(%scan3A_274 = %broadcast_in_dim3A_248, %scan3A_275 = %broadcast_in_dim3A_248, %scan3A_276 = %broadcast_in_dim3A_248, %scan3A_277 = %broadcast_in_dim3A_248, %scan3A_278 = %iota3A) -> (vector<16xf32>, vector<16xf32>, vector<16xf32>, vector<16xf32>, vector<16xi32>)  : i32 {
          %gather3A = arith.constant 0 : i32
          %gather3A_279 = arith.constant 0 : i32
          %gather3A_280 = tpu.memref_slice %arg9[%scan3A_190, %gather3A, %gather3A_279] : memref<3x80x128xf32, #tpu.memory_space<vmem>> -> memref<1x80x128xf32, #tpu.memory_space<vmem>>
          %gather3A_281 = tpu.memref_squeeze %gather3A_280 : memref<1x80x128xf32, #tpu.memory_space<vmem>> -> memref<80x128xf32, #tpu.memory_space<vmem>>
          %gather3A_282 = tpu.vector_load_idx %gather3A_281[%add3A_247, %scan3A_278] : memref<80x128xf32, #tpu.memory_space<vmem>>[vector<16xi32>, vector<16xi32>], vector<16xf32>,
          %gather3A_283 = arith.constant 0 : i32
          %gather3A_284 = arith.constant 0 : i32
          %gather3A_285 = tpu.memref_slice %arg10[%scan3A_191, %gather3A_283, %gather3A_284] : memref<3x80x128xf32, #tpu.memory_space<vmem>> -> memref<1x80x128xf32, #tpu.memory_space<vmem>>
          %gather3A_286 = tpu.memref_squeeze %gather3A_285 : memref<1x80x128xf32, #tpu.memory_space<vmem>> -> memref<80x128xf32, #tpu.memory_space<vmem>>
          %gather3A_287 = tpu.vector_load_idx %gather3A_286[%add3A_247, %scan3A_278] : memref<80x128xf32, #tpu.memory_space<vmem>>[vector<16xi32>, vector<16xi32>], vector<16xf32>,
          %mul3A_288 = arith.mulf %gather3A_282, %gather3A_287 : vector<16xf32>
          %add3A_289 = arith.addf %scan3A_274, %mul3A_288 : vector<16xf32>
          %add3A_290 = arith.constant 1 : i32
          %add3A_291 = vector.broadcast %add3A_290 : i32 to vector<16xi32>
          %add3A_292 = arith.addi %scan3A_278, %add3A_291 : vector<16xi32>
          %and3A = arith.constant 127 : i32
          %and3A_293 = vector.broadcast %and3A : i32 to vector<16xi32>
          %and3A_294 = arith.andi %add3A_292, %and3A_293 : vector<16xi32>
          %gather3A_295 = arith.constant 0 : i32
          %gather3A_296 = arith.constant 0 : i32
          %gather3A_297 = tpu.memref_slice %arg9[%scan3A_190, %gather3A_295, %gather3A_296] : memref<3x80x128xf32, #tpu.memory_space<vmem>> -> memref<1x80x128xf32, #tpu.memory_space<vmem>>
          %gather3A_298 = tpu.memref_squeeze %gather3A_297 : memref<1x80x128xf32, #tpu.memory_space<vmem>> -> memref<80x128xf32, #tpu.memory_space<vmem>>
          %gather3A_299 = tpu.vector_load_idx %gather3A_298[%add3A_247, %and3A_294] : memref<80x128xf32, #tpu.memory_space<vmem>>[vector<16xi32>, vector<16xi32>], vector<16xf32>,
          %gather3A_300 = arith.constant 0 : i32
          %gather3A_301 = arith.constant 0 : i32
          %gather3A_302 = tpu.memref_slice %arg10[%scan3A_191, %gather3A_300, %gather3A_301] : memref<3x80x128xf32, #tpu.memory_space<vmem>> -> memref<1x80x128xf32, #tpu.memory_space<vmem>>
          %gather3A_303 = tpu.memref_squeeze %gather3A_302 : memref<1x80x128xf32, #tpu.memory_space<vmem>> -> memref<80x128xf32, #tpu.memory_space<vmem>>
          %gather3A_304 = tpu.vector_load_idx %gather3A_303[%add3A_247, %and3A_294] : memref<80x128xf32, #tpu.memory_space<vmem>>[vector<16xi32>, vector<16xi32>], vector<16xf32>,
          %mul3A_305 = arith.mulf %gather3A_299, %gather3A_304 : vector<16xf32>
          %add3A_306 = arith.addf %scan3A_275, %mul3A_305 : vector<16xf32>
          %add3A_307 = arith.constant 1 : i32
          %add3A_308 = vector.broadcast %add3A_307 : i32 to vector<16xi32>
          %add3A_309 = arith.addi %and3A_294, %add3A_308 : vector<16xi32>
          %and3A_310 = arith.constant 127 : i32
          %and3A_311 = vector.broadcast %and3A_310 : i32 to vector<16xi32>
          %and3A_312 = arith.andi %add3A_309, %and3A_311 : vector<16xi32>
          %gather3A_313 = arith.constant 0 : i32
          %gather3A_314 = arith.constant 0 : i32
          %gather3A_315 = tpu.memref_slice %arg9[%scan3A_190, %gather3A_313, %gather3A_314] : memref<3x80x128xf32, #tpu.memory_space<vmem>> -> memref<1x80x128xf32, #tpu.memory_space<vmem>>
          %gather3A_316 = tpu.memref_squeeze %gather3A_315 : memref<1x80x128xf32, #tpu.memory_space<vmem>> -> memref<80x128xf32, #tpu.memory_space<vmem>>
          %gather3A_317 = tpu.vector_load_idx %gather3A_316[%add3A_247, %and3A_312] : memref<80x128xf32, #tpu.memory_space<vmem>>[vector<16xi32>, vector<16xi32>], vector<16xf32>,
          %gather3A_318 = arith.constant 0 : i32
          %gather3A_319 = arith.constant 0 : i32
          %gather3A_320 = tpu.memref_slice %arg10[%scan3A_191, %gather3A_318, %gather3A_319] : memref<3x80x128xf32, #tpu.memory_space<vmem>> -> memref<1x80x128xf32, #tpu.memory_space<vmem>>
          %gather3A_321 = tpu.memref_squeeze %gather3A_320 : memref<1x80x128xf32, #tpu.memory_space<vmem>> -> memref<80x128xf32, #tpu.memory_space<vmem>>
          %gather3A_322 = tpu.vector_load_idx %gather3A_321[%add3A_247, %and3A_312] : memref<80x128xf32, #tpu.memory_space<vmem>>[vector<16xi32>, vector<16xi32>], vector<16xf32>,
          %mul3A_323 = arith.mulf %gather3A_317, %gather3A_322 : vector<16xf32>
          %add3A_324 = arith.addf %scan3A_276, %mul3A_323 : vector<16xf32>
          %add3A_325 = arith.constant 1 : i32
          %add3A_326 = vector.broadcast %add3A_325 : i32 to vector<16xi32>
          %add3A_327 = arith.addi %and3A_312, %add3A_326 : vector<16xi32>
          %and3A_328 = arith.constant 127 : i32
          %and3A_329 = vector.broadcast %and3A_328 : i32 to vector<16xi32>
          %and3A_330 = arith.andi %add3A_327, %and3A_329 : vector<16xi32>
          %gather3A_331 = arith.constant 0 : i32
          %gather3A_332 = arith.constant 0 : i32
          %gather3A_333 = tpu.memref_slice %arg9[%scan3A_190, %gather3A_331, %gather3A_332] : memref<3x80x128xf32, #tpu.memory_space<vmem>> -> memref<1x80x128xf32, #tpu.memory_space<vmem>>
          %gather3A_334 = tpu.memref_squeeze %gather3A_333 : memref<1x80x128xf32, #tpu.memory_space<vmem>> -> memref<80x128xf32, #tpu.memory_space<vmem>>
          %gather3A_335 = tpu.vector_load_idx %gather3A_334[%add3A_247, %and3A_330] : memref<80x128xf32, #tpu.memory_space<vmem>>[vector<16xi32>, vector<16xi32>], vector<16xf32>,
          %gather3A_336 = arith.constant 0 : i32
          %gather3A_337 = arith.constant 0 : i32
          %gather3A_338 = tpu.memref_slice %arg10[%scan3A_191, %gather3A_336, %gather3A_337] : memref<3x80x128xf32, #tpu.memory_space<vmem>> -> memref<1x80x128xf32, #tpu.memory_space<vmem>>
          %gather3A_339 = tpu.memref_squeeze %gather3A_338 : memref<1x80x128xf32, #tpu.memory_space<vmem>> -> memref<80x128xf32, #tpu.memory_space<vmem>>
          %gather3A_340 = tpu.vector_load_idx %gather3A_339[%add3A_247, %and3A_330] : memref<80x128xf32, #tpu.memory_space<vmem>>[vector<16xi32>, vector<16xi32>], vector<16xf32>,
          %mul3A_341 = arith.mulf %gather3A_335, %gather3A_340 : vector<16xf32>
          %add3A_342 = arith.addf %scan3A_277, %mul3A_341 : vector<16xf32>
          %add3A_343 = arith.constant 1 : i32
          %add3A_344 = vector.broadcast %add3A_343 : i32 to vector<16xi32>
          %add3A_345 = arith.addi %and3A_330, %add3A_344 : vector<16xi32>
          %and3A_346 = arith.constant 127 : i32
          %and3A_347 = vector.broadcast %and3A_346 : i32 to vector<16xi32>
          %and3A_348 = arith.andi %add3A_345, %and3A_347 : vector<16xi32>
          %gather3A_349 = arith.constant 0 : i32
          %gather3A_350 = arith.constant 0 : i32
          %gather3A_351 = tpu.memref_slice %arg9[%scan3A_190, %gather3A_349, %gather3A_350] : memref<3x80x128xf32, #tpu.memory_space<vmem>> -> memref<1x80x128xf32, #tpu.memory_space<vmem>>
          %gather3A_352 = tpu.memref_squeeze %gather3A_351 : memref<1x80x128xf32, #tpu.memory_space<vmem>> -> memref<80x128xf32, #tpu.memory_space<vmem>>
          %gather3A_353 = tpu.vector_load_idx %gather3A_352[%add3A_247, %and3A_348] : memref<80x128xf32, #tpu.memory_space<vmem>>[vector<16xi32>, vector<16xi32>], vector<16xf32>,
          %gather3A_354 = arith.constant 0 : i32
          %gather3A_355 = arith.constant 0 : i32
          %gather3A_356 = tpu.memref_slice %arg10[%scan3A_191, %gather3A_354, %gather3A_355] : memref<3x80x128xf32, #tpu.memory_space<vmem>> -> memref<1x80x128xf32, #tpu.memory_space<vmem>>
          %gather3A_357 = tpu.memref_squeeze %gather3A_356 : memref<1x80x128xf32, #tpu.memory_space<vmem>> -> memref<80x128xf32, #tpu.memory_space<vmem>>
          %gather3A_358 = tpu.vector_load_idx %gather3A_357[%add3A_247, %and3A_348] : memref<80x128xf32, #tpu.memory_space<vmem>>[vector<16xi32>, vector<16xi32>], vector<16xf32>,
          %mul3A_359 = arith.mulf %gather3A_353, %gather3A_358 : vector<16xf32>
          %add3A_360 = arith.addf %add3A_289, %mul3A_359 : vector<16xf32>
          %add3A_361 = arith.constant 1 : i32
          %add3A_362 = vector.broadcast %add3A_361 : i32 to vector<16xi32>
          %add3A_363 = arith.addi %and3A_348, %add3A_362 : vector<16xi32>
          %and3A_364 = arith.constant 127 : i32
          %and3A_365 = vector.broadcast %and3A_364 : i32 to vector<16xi32>
          %and3A_366 = arith.andi %add3A_363, %and3A_365 : vector<16xi32>
          %gather3A_367 = arith.constant 0 : i32
          %gather3A_368 = arith.constant 0 : i32
          %gather3A_369 = tpu.memref_slice %arg9[%scan3A_190, %gather3A_367, %gather3A_368] : memref<3x80x128xf32, #tpu.memory_space<vmem>> -> memref<1x80x128xf32, #tpu.memory_space<vmem>>
          %gather3A_370 = tpu.memref_squeeze %gather3A_369 : memref<1x80x128xf32, #tpu.memory_space<vmem>> -> memref<80x128xf32, #tpu.memory_space<vmem>>
          %gather3A_371 = tpu.vector_load_idx %gather3A_370[%add3A_247, %and3A_366] : memref<80x128xf32, #tpu.memory_space<vmem>>[vector<16xi32>, vector<16xi32>], vector<16xf32>,
          %gather3A_372 = arith.constant 0 : i32
          %gather3A_373 = arith.constant 0 : i32
          %gather3A_374 = tpu.memref_slice %arg10[%scan3A_191, %gather3A_372, %gather3A_373] : memref<3x80x128xf32, #tpu.memory_space<vmem>> -> memref<1x80x128xf32, #tpu.memory_space<vmem>>
          %gather3A_375 = tpu.memref_squeeze %gather3A_374 : memref<1x80x128xf32, #tpu.memory_space<vmem>> -> memref<80x128xf32, #tpu.memory_space<vmem>>
          %gather3A_376 = tpu.vector_load_idx %gather3A_375[%add3A_247, %and3A_366] : memref<80x128xf32, #tpu.memory_space<vmem>>[vector<16xi32>, vector<16xi32>], vector<16xf32>,
          %mul3A_377 = arith.mulf %gather3A_371, %gather3A_376 : vector<16xf32>
          %add3A_378 = arith.addf %add3A_306, %mul3A_377 : vector<16xf32>
          %add3A_379 = arith.constant 1 : i32
          %add3A_380 = vector.broadcast %add3A_379 : i32 to vector<16xi32>
          %add3A_381 = arith.addi %and3A_366, %add3A_380 : vector<16xi32>
          %and3A_382 = arith.constant 127 : i32
          %and3A_383 = vector.broadcast %and3A_382 : i32 to vector<16xi32>
          %and3A_384 = arith.andi %add3A_381, %and3A_383 : vector<16xi32>
          %gather3A_385 = arith.constant 0 : i32
          %gather3A_386 = arith.constant 0 : i32
          %gather3A_387 = tpu.memref_slice %arg9[%scan3A_190, %gather3A_385, %gather3A_386] : memref<3x80x128xf32, #tpu.memory_space<vmem>> -> memref<1x80x128xf32, #tpu.memory_space<vmem>>
          %gather3A_388 = tpu.memref_squeeze %gather3A_387 : memref<1x80x128xf32, #tpu.memory_space<vmem>> -> memref<80x128xf32, #tpu.memory_space<vmem>>
          %gather3A_389 = tpu.vector_load_idx %gather3A_388[%add3A_247, %and3A_384] : memref<80x128xf32, #tpu.memory_space<vmem>>[vector<16xi32>, vector<16xi32>], vector<16xf32>,
          %gather3A_390 = arith.constant 0 : i32
          %gather3A_391 = arith.constant 0 : i32
          %gather3A_392 = tpu.memref_slice %arg10[%scan3A_191, %gather3A_390, %gather3A_391] : memref<3x80x128xf32, #tpu.memory_space<vmem>> -> memref<1x80x128xf32, #tpu.memory_space<vmem>>
          %gather3A_393 = tpu.memref_squeeze %gather3A_392 : memref<1x80x128xf32, #tpu.memory_space<vmem>> -> memref<80x128xf32, #tpu.memory_space<vmem>>
          %gather3A_394 = tpu.vector_load_idx %gather3A_393[%add3A_247, %and3A_384] : memref<80x128xf32, #tpu.memory_space<vmem>>[vector<16xi32>, vector<16xi32>], vector<16xf32>,
          %mul3A_395 = arith.mulf %gather3A_389, %gather3A_394 : vector<16xf32>
          %add3A_396 = arith.addf %add3A_324, %mul3A_395 : vector<16xf32>
          %add3A_397 = arith.constant 1 : i32
          %add3A_398 = vector.broadcast %add3A_397 : i32 to vector<16xi32>
          %add3A_399 = arith.addi %and3A_384, %add3A_398 : vector<16xi32>
          %and3A_400 = arith.constant 127 : i32
          %and3A_401 = vector.broadcast %and3A_400 : i32 to vector<16xi32>
          %and3A_402 = arith.andi %add3A_399, %and3A_401 : vector<16xi32>
          %gather3A_403 = arith.constant 0 : i32
          %gather3A_404 = arith.constant 0 : i32
          %gather3A_405 = tpu.memref_slice %arg9[%scan3A_190, %gather3A_403, %gather3A_404] : memref<3x80x128xf32, #tpu.memory_space<vmem>> -> memref<1x80x128xf32, #tpu.memory_space<vmem>>
          %gather3A_406 = tpu.memref_squeeze %gather3A_405 : memref<1x80x128xf32, #tpu.memory_space<vmem>> -> memref<80x128xf32, #tpu.memory_space<vmem>>
          %gather3A_407 = tpu.vector_load_idx %gather3A_406[%add3A_247, %and3A_402] : memref<80x128xf32, #tpu.memory_space<vmem>>[vector<16xi32>, vector<16xi32>], vector<16xf32>,
          %gather3A_408 = arith.constant 0 : i32
          %gather3A_409 = arith.constant 0 : i32
          %gather3A_410 = tpu.memref_slice %arg10[%scan3A_191, %gather3A_408, %gather3A_409] : memref<3x80x128xf32, #tpu.memory_space<vmem>> -> memref<1x80x128xf32, #tpu.memory_space<vmem>>
          %gather3A_411 = tpu.memref_squeeze %gather3A_410 : memref<1x80x128xf32, #tpu.memory_space<vmem>> -> memref<80x128xf32, #tpu.memory_space<vmem>>
          %gather3A_412 = tpu.vector_load_idx %gather3A_411[%add3A_247, %and3A_402] : memref<80x128xf32, #tpu.memory_space<vmem>>[vector<16xi32>, vector<16xi32>], vector<16xf32>,
          %mul3A_413 = arith.mulf %gather3A_407, %gather3A_412 : vector<16xf32>
          %add3A_414 = arith.addf %add3A_342, %mul3A_413 : vector<16xf32>
          %add3A_415 = arith.constant 1 : i32
          %add3A_416 = vector.broadcast %add3A_415 : i32 to vector<16xi32>
          %add3A_417 = arith.addi %and3A_402, %add3A_416 : vector<16xi32>
          %and3A_418 = arith.constant 127 : i32
          %and3A_419 = vector.broadcast %and3A_418 : i32 to vector<16xi32>
          %and3A_420 = arith.andi %add3A_417, %and3A_419 : vector<16xi32>
          %gather3A_421 = arith.constant 0 : i32
          %gather3A_422 = arith.constant 0 : i32
          %gather3A_423 = tpu.memref_slice %arg9[%scan3A_190, %gather3A_421, %gather3A_422] : memref<3x80x128xf32, #tpu.memory_space<vmem>> -> memref<1x80x128xf32, #tpu.memory_space<vmem>>
          %gather3A_424 = tpu.memref_squeeze %gather3A_423 : memref<1x80x128xf32, #tpu.memory_space<vmem>> -> memref<80x128xf32, #tpu.memory_space<vmem>>
          %gather3A_425 = tpu.vector_load_idx %gather3A_424[%add3A_247, %and3A_420] : memref<80x128xf32, #tpu.memory_space<vmem>>[vector<16xi32>, vector<16xi32>], vector<16xf32>,
          %gather3A_426 = arith.constant 0 : i32
          %gather3A_427 = arith.constant 0 : i32
          %gather3A_428 = tpu.memref_slice %arg10[%scan3A_191, %gather3A_426, %gather3A_427] : memref<3x80x128xf32, #tpu.memory_space<vmem>> -> memref<1x80x128xf32, #tpu.memory_space<vmem>>
          %gather3A_429 = tpu.memref_squeeze %gather3A_428 : memref<1x80x128xf32, #tpu.memory_space<vmem>> -> memref<80x128xf32, #tpu.memory_space<vmem>>
          %gather3A_430 = tpu.vector_load_idx %gather3A_429[%add3A_247, %and3A_420] : memref<80x128xf32, #tpu.memory_space<vmem>>[vector<16xi32>, vector<16xi32>], vector<16xf32>,
          %mul3A_431 = arith.mulf %gather3A_425, %gather3A_430 : vector<16xf32>
          %add3A_432 = arith.addf %add3A_360, %mul3A_431 : vector<16xf32>
          %add3A_433 = arith.constant 1 : i32
          %add3A_434 = vector.broadcast %add3A_433 : i32 to vector<16xi32>
          %add3A_435 = arith.addi %and3A_420, %add3A_434 : vector<16xi32>
          %and3A_436 = arith.constant 127 : i32
          %and3A_437 = vector.broadcast %and3A_436 : i32 to vector<16xi32>
          %and3A_438 = arith.andi %add3A_435, %and3A_437 : vector<16xi32>
          %gather3A_439 = arith.constant 0 : i32
          %gather3A_440 = arith.constant 0 : i32
          %gather3A_441 = tpu.memref_slice %arg9[%scan3A_190, %gather3A_439, %gather3A_440] : memref<3x80x128xf32, #tpu.memory_space<vmem>> -> memref<1x80x128xf32, #tpu.memory_space<vmem>>
          %gather3A_442 = tpu.memref_squeeze %gather3A_441 : memref<1x80x128xf32, #tpu.memory_space<vmem>> -> memref<80x128xf32, #tpu.memory_space<vmem>>
          %gather3A_443 = tpu.vector_load_idx %gather3A_442[%add3A_247, %and3A_438] : memref<80x128xf32, #tpu.memory_space<vmem>>[vector<16xi32>, vector<16xi32>], vector<16xf32>,
          %gather3A_444 = arith.constant 0 : i32
          %gather3A_445 = arith.constant 0 : i32
          %gather3A_446 = tpu.memref_slice %arg10[%scan3A_191, %gather3A_444, %gather3A_445] : memref<3x80x128xf32, #tpu.memory_space<vmem>> -> memref<1x80x128xf32, #tpu.memory_space<vmem>>
          %gather3A_447 = tpu.memref_squeeze %gather3A_446 : memref<1x80x128xf32, #tpu.memory_space<vmem>> -> memref<80x128xf32, #tpu.memory_space<vmem>>
          %gather3A_448 = tpu.vector_load_idx %gather3A_447[%add3A_247, %and3A_438] : memref<80x128xf32, #tpu.memory_space<vmem>>[vector<16xi32>, vector<16xi32>], vector<16xf32>,
          %mul3A_449 = arith.mulf %gather3A_443, %gather3A_448 : vector<16xf32>
          %add3A_450 = arith.addf %add3A_378, %mul3A_449 : vector<16xf32>
          %add3A_451 = arith.constant 1 : i32
          %add3A_452 = vector.broadcast %add3A_451 : i32 to vector<16xi32>
          %add3A_453 = arith.addi %and3A_438, %add3A_452 : vector<16xi32>
          %and3A_454 = arith.constant 127 : i32
          %and3A_455 = vector.broadcast %and3A_454 : i32 to vector<16xi32>
          %and3A_456 = arith.andi %add3A_453, %and3A_455 : vector<16xi32>
          %gather3A_457 = arith.constant 0 : i32
          %gather3A_458 = arith.constant 0 : i32
          %gather3A_459 = tpu.memref_slice %arg9[%scan3A_190, %gather3A_457, %gather3A_458] : memref<3x80x128xf32, #tpu.memory_space<vmem>> -> memref<1x80x128xf32, #tpu.memory_space<vmem>>
          %gather3A_460 = tpu.memref_squeeze %gather3A_459 : memref<1x80x128xf32, #tpu.memory_space<vmem>> -> memref<80x128xf32, #tpu.memory_space<vmem>>
          %gather3A_461 = tpu.vector_load_idx %gather3A_460[%add3A_247, %and3A_456] : memref<80x128xf32, #tpu.memory_space<vmem>>[vector<16xi32>, vector<16xi32>], vector<16xf32>,
          %gather3A_462 = arith.constant 0 : i32
          %gather3A_463 = arith.constant 0 : i32
          %gather3A_464 = tpu.memref_slice %arg10[%scan3A_191, %gather3A_462, %gather3A_463] : memref<3x80x128xf32, #tpu.memory_space<vmem>> -> memref<1x80x128xf32, #tpu.memory_space<vmem>>
          %gather3A_465 = tpu.memref_squeeze %gather3A_464 : memref<1x80x128xf32, #tpu.memory_space<vmem>> -> memref<80x128xf32, #tpu.memory_space<vmem>>
          %gather3A_466 = tpu.vector_load_idx %gather3A_465[%add3A_247, %and3A_456] : memref<80x128xf32, #tpu.memory_space<vmem>>[vector<16xi32>, vector<16xi32>], vector<16xf32>,
          %mul3A_467 = arith.mulf %gather3A_461, %gather3A_466 : vector<16xf32>
          %add3A_468 = arith.addf %add3A_396, %mul3A_467 : vector<16xf32>
          %add3A_469 = arith.constant 1 : i32
          %add3A_470 = vector.broadcast %add3A_469 : i32 to vector<16xi32>
          %add3A_471 = arith.addi %and3A_456, %add3A_470 : vector<16xi32>
          %and3A_472 = arith.constant 127 : i32
          %and3A_473 = vector.broadcast %and3A_472 : i32 to vector<16xi32>
          %and3A_474 = arith.andi %add3A_471, %and3A_473 : vector<16xi32>
          %gather3A_475 = arith.constant 0 : i32
          %gather3A_476 = arith.constant 0 : i32
          %gather3A_477 = tpu.memref_slice %arg9[%scan3A_190, %gather3A_475, %gather3A_476] : memref<3x80x128xf32, #tpu.memory_space<vmem>> -> memref<1x80x128xf32, #tpu.memory_space<vmem>>
          %gather3A_478 = tpu.memref_squeeze %gather3A_477 : memref<1x80x128xf32, #tpu.memory_space<vmem>> -> memref<80x128xf32, #tpu.memory_space<vmem>>
          %gather3A_479 = tpu.vector_load_idx %gather3A_478[%add3A_247, %and3A_474] : memref<80x128xf32, #tpu.memory_space<vmem>>[vector<16xi32>, vector<16xi32>], vector<16xf32>,
          %gather3A_480 = arith.constant 0 : i32
          %gather3A_481 = arith.constant 0 : i32
          %gather3A_482 = tpu.memref_slice %arg10[%scan3A_191, %gather3A_480, %gather3A_481] : memref<3x80x128xf32, #tpu.memory_space<vmem>> -> memref<1x80x128xf32, #tpu.memory_space<vmem>>
          %gather3A_483 = tpu.memref_squeeze %gather3A_482 : memref<1x80x128xf32, #tpu.memory_space<vmem>> -> memref<80x128xf32, #tpu.memory_space<vmem>>
          %gather3A_484 = tpu.vector_load_idx %gather3A_483[%add3A_247, %and3A_474] : memref<80x128xf32, #tpu.memory_space<vmem>>[vector<16xi32>, vector<16xi32>], vector<16xf32>,
          %mul3A_485 = arith.mulf %gather3A_479, %gather3A_484 : vector<16xf32>
          %add3A_486 = arith.addf %add3A_414, %mul3A_485 : vector<16xf32>
          %add3A_487 = arith.constant 1 : i32
          %add3A_488 = vector.broadcast %add3A_487 : i32 to vector<16xi32>
          %add3A_489 = arith.addi %and3A_474, %add3A_488 : vector<16xi32>
          %and3A_490 = arith.constant 127 : i32
          %and3A_491 = vector.broadcast %and3A_490 : i32 to vector<16xi32>
          %and3A_492 = arith.andi %add3A_489, %and3A_491 : vector<16xi32>
          %gather3A_493 = arith.constant 0 : i32
          %gather3A_494 = arith.constant 0 : i32
          %gather3A_495 = tpu.memref_slice %arg9[%scan3A_190, %gather3A_493, %gather3A_494] : memref<3x80x128xf32, #tpu.memory_space<vmem>> -> memref<1x80x128xf32, #tpu.memory_space<vmem>>
          %gather3A_496 = tpu.memref_squeeze %gather3A_495 : memref<1x80x128xf32, #tpu.memory_space<vmem>> -> memref<80x128xf32, #tpu.memory_space<vmem>>
          %gather3A_497 = tpu.vector_load_idx %gather3A_496[%add3A_247, %and3A_492] : memref<80x128xf32, #tpu.memory_space<vmem>>[vector<16xi32>, vector<16xi32>], vector<16xf32>,
          %gather3A_498 = arith.constant 0 : i32
          %gather3A_499 = arith.constant 0 : i32
          %gather3A_500 = tpu.memref_slice %arg10[%scan3A_191, %gather3A_498, %gather3A_499] : memref<3x80x128xf32, #tpu.memory_space<vmem>> -> memref<1x80x128xf32, #tpu.memory_space<vmem>>
          %gather3A_501 = tpu.memref_squeeze %gather3A_500 : memref<1x80x128xf32, #tpu.memory_space<vmem>> -> memref<80x128xf32, #tpu.memory_space<vmem>>
          %gather3A_502 = tpu.vector_load_idx %gather3A_501[%add3A_247, %and3A_492] : memref<80x128xf32, #tpu.memory_space<vmem>>[vector<16xi32>, vector<16xi32>], vector<16xf32>,
          %mul3A_503 = arith.mulf %gather3A_497, %gather3A_502 : vector<16xf32>
          %add3A_504 = arith.addf %add3A_432, %mul3A_503 : vector<16xf32>
          %add3A_505 = arith.constant 1 : i32
          %add3A_506 = vector.broadcast %add3A_505 : i32 to vector<16xi32>
          %add3A_507 = arith.addi %and3A_492, %add3A_506 : vector<16xi32>
          %and3A_508 = arith.constant 127 : i32
          %and3A_509 = vector.broadcast %and3A_508 : i32 to vector<16xi32>
          %and3A_510 = arith.andi %add3A_507, %and3A_509 : vector<16xi32>
          %gather3A_511 = arith.constant 0 : i32
          %gather3A_512 = arith.constant 0 : i32
          %gather3A_513 = tpu.memref_slice %arg9[%scan3A_190, %gather3A_511, %gather3A_512] : memref<3x80x128xf32, #tpu.memory_space<vmem>> -> memref<1x80x128xf32, #tpu.memory_space<vmem>>
          %gather3A_514 = tpu.memref_squeeze %gather3A_513 : memref<1x80x128xf32, #tpu.memory_space<vmem>> -> memref<80x128xf32, #tpu.memory_space<vmem>>
          %gather3A_515 = tpu.vector_load_idx %gather3A_514[%add3A_247, %and3A_510] : memref<80x128xf32, #tpu.memory_space<vmem>>[vector<16xi32>, vector<16xi32>], vector<16xf32>,
          %gather3A_516 = arith.constant 0 : i32
          %gather3A_517 = arith.constant 0 : i32
          %gather3A_518 = tpu.memref_slice %arg10[%scan3A_191, %gather3A_516, %gather3A_517] : memref<3x80x128xf32, #tpu.memory_space<vmem>> -> memref<1x80x128xf32, #tpu.memory_space<vmem>>
          %gather3A_519 = tpu.memref_squeeze %gather3A_518 : memref<1x80x128xf32, #tpu.memory_space<vmem>> -> memref<80x128xf32, #tpu.memory_space<vmem>>
          %gather3A_520 = tpu.vector_load_idx %gather3A_519[%add3A_247, %and3A_510] : memref<80x128xf32, #tpu.memory_space<vmem>>[vector<16xi32>, vector<16xi32>], vector<16xf32>,
          %mul3A_521 = arith.mulf %gather3A_515, %gather3A_520 : vector<16xf32>
          %add3A_522 = arith.addf %add3A_450, %mul3A_521 : vector<16xf32>
          %add3A_523 = arith.constant 1 : i32
          %add3A_524 = vector.broadcast %add3A_523 : i32 to vector<16xi32>
          %add3A_525 = arith.addi %and3A_510, %add3A_524 : vector<16xi32>
          %and3A_526 = arith.constant 127 : i32
          %and3A_527 = vector.broadcast %and3A_526 : i32 to vector<16xi32>
          %and3A_528 = arith.andi %add3A_525, %and3A_527 : vector<16xi32>
          %gather3A_529 = arith.constant 0 : i32
          %gather3A_530 = arith.constant 0 : i32
          %gather3A_531 = tpu.memref_slice %arg9[%scan3A_190, %gather3A_529, %gather3A_530] : memref<3x80x128xf32, #tpu.memory_space<vmem>> -> memref<1x80x128xf32, #tpu.memory_space<vmem>>
          %gather3A_532 = tpu.memref_squeeze %gather3A_531 : memref<1x80x128xf32, #tpu.memory_space<vmem>> -> memref<80x128xf32, #tpu.memory_space<vmem>>
          %gather3A_533 = tpu.vector_load_idx %gather3A_532[%add3A_247, %and3A_528] : memref<80x128xf32, #tpu.memory_space<vmem>>[vector<16xi32>, vector<16xi32>], vector<16xf32>,
          %gather3A_534 = arith.constant 0 : i32
          %gather3A_535 = arith.constant 0 : i32
          %gather3A_536 = tpu.memref_slice %arg10[%scan3A_191, %gather3A_534, %gather3A_535] : memref<3x80x128xf32, #tpu.memory_space<vmem>> -> memref<1x80x128xf32, #tpu.memory_space<vmem>>
          %gather3A_537 = tpu.memref_squeeze %gather3A_536 : memref<1x80x128xf32, #tpu.memory_space<vmem>> -> memref<80x128xf32, #tpu.memory_space<vmem>>
          %gather3A_538 = tpu.vector_load_idx %gather3A_537[%add3A_247, %and3A_528] : memref<80x128xf32, #tpu.memory_space<vmem>>[vector<16xi32>, vector<16xi32>], vector<16xf32>,
          %mul3A_539 = arith.mulf %gather3A_533, %gather3A_538 : vector<16xf32>
          %add3A_540 = arith.addf %add3A_468, %mul3A_539 : vector<16xf32>
          %add3A_541 = arith.constant 1 : i32
          %add3A_542 = vector.broadcast %add3A_541 : i32 to vector<16xi32>
          %add3A_543 = arith.addi %and3A_528, %add3A_542 : vector<16xi32>
          %and3A_544 = arith.constant 127 : i32
          %and3A_545 = vector.broadcast %and3A_544 : i32 to vector<16xi32>
          %and3A_546 = arith.andi %add3A_543, %and3A_545 : vector<16xi32>
          %gather3A_547 = arith.constant 0 : i32
          %gather3A_548 = arith.constant 0 : i32
          %gather3A_549 = tpu.memref_slice %arg9[%scan3A_190, %gather3A_547, %gather3A_548] : memref<3x80x128xf32, #tpu.memory_space<vmem>> -> memref<1x80x128xf32, #tpu.memory_space<vmem>>
          %gather3A_550 = tpu.memref_squeeze %gather3A_549 : memref<1x80x128xf32, #tpu.memory_space<vmem>> -> memref<80x128xf32, #tpu.memory_space<vmem>>
          %gather3A_551 = tpu.vector_load_idx %gather3A_550[%add3A_247, %and3A_546] : memref<80x128xf32, #tpu.memory_space<vmem>>[vector<16xi32>, vector<16xi32>], vector<16xf32>,
          %gather3A_552 = arith.constant 0 : i32
          %gather3A_553 = arith.constant 0 : i32
          %gather3A_554 = tpu.memref_slice %arg10[%scan3A_191, %gather3A_552, %gather3A_553] : memref<3x80x128xf32, #tpu.memory_space<vmem>> -> memref<1x80x128xf32, #tpu.memory_space<vmem>>
          %gather3A_555 = tpu.memref_squeeze %gather3A_554 : memref<1x80x128xf32, #tpu.memory_space<vmem>> -> memref<80x128xf32, #tpu.memory_space<vmem>>
          %gather3A_556 = tpu.vector_load_idx %gather3A_555[%add3A_247, %and3A_546] : memref<80x128xf32, #tpu.memory_space<vmem>>[vector<16xi32>, vector<16xi32>], vector<16xf32>,
          %mul3A_557 = arith.mulf %gather3A_551, %gather3A_556 : vector<16xf32>
          %add3A_558 = arith.addf %add3A_486, %mul3A_557 : vector<16xf32>
          %add3A_559 = arith.constant 1 : i32
          %add3A_560 = vector.broadcast %add3A_559 : i32 to vector<16xi32>
          %add3A_561 = arith.addi %and3A_546, %add3A_560 : vector<16xi32>
          %and3A_562 = arith.constant 127 : i32
          %and3A_563 = vector.broadcast %and3A_562 : i32 to vector<16xi32>
          %and3A_564 = arith.andi %add3A_561, %and3A_563 : vector<16xi32>
          scf.yield %add3A_504, %add3A_522, %add3A_540, %add3A_558, %and3A_564 : vector<16xf32>, vector<16xf32>, vector<16xf32>, vector<16xf32>, vector<16xi32>
        }
        %scan3A_254 = arith.constant 8 : i32
        %add3A_255 = arith.addf %scan3A_253#0, %scan3A_253#1 : vector<16xf32>
        %add3A_256 = arith.addf %scan3A_253#2, %scan3A_253#3 : vector<16xf32>
        %add3A_257 = arith.addf %add3A_255, %add3A_256 : vector<16xf32>
        %lt3A = arith.constant 1.000000e-01 : f32
        %lt3A_258 = vector.broadcast %lt3A : f32 to vector<16xf32>
        %lt3A_259 = arith.cmpf olt, %add3A_257, %lt3A_258 : vector<16xf32>
        %jit3A = arith.constant 0.000000e+00 : f32
        %broadcast_in_dim3A_260 = vector.broadcast %jit3A : f32 to vector<16xf32>
        %select_n3A = arith.select %lt3A_259, %broadcast_in_dim3A_260, %add3A_257 : vector<16xi1>, vector<16xf32>
        %mul3A_261 = arith.constant 80 : i32
        %mul3A_262 = arith.muli %add3A_168, %mul3A_261 : i32
        %mul3A_263 = arith.constant 16 : i32
        %mul3A_264 = arith.muli %scan3A_243, %mul3A_263 : i32
        %add3A_265 = arith.addi %mul3A_262, %mul3A_264 : i32
        %swap3A = arith.index_cast %add3A_265 : i32 to index
        %swap3A_266 = tpu.vector_load %arg11[%swap3A] {strides = array<i32>} : memref<10000xf32, #tpu.memory_space<vmem>>, vector<16xf32>,
        tpu.vector_store %arg11[%swap3A], %select_n3A {strides = array<i32>} : memref<10000xf32, #tpu.memory_space<vmem>>, vector<16xf32>,
        %mul3A_267 = arith.constant 80 : i32
        %mul3A_268 = arith.muli %add3A_168, %mul3A_267 : i32
        %mul3A_269 = arith.constant 16 : i32
        %mul3A_270 = arith.muli %scan3A_243, %mul3A_269 : i32
        %add3A_271 = arith.addi %mul3A_268, %mul3A_270 : i32
        %get3A = arith.index_cast %add3A_271 : i32 to index
        %get3A_272 = tpu.vector_load %arg7[%get3A] {strides = array<i32>} : memref<10000xi32, #tpu.memory_space<vmem>>, vector<16xi32>,
        tpu.vector_store_idx %arg12[%get3A_272], %select_n3A {add = true} : memref<10000xf32, #tpu.memory_space<vmem>>[vector<16xi32>], vector<16xf32>,
      }
      %scan3A_196 = arith.constant 5 : i32
      %add3A_197 = arith.constant 3 : i32
      %add3A_198 = arith.addi %add3A_168, %add3A_197 : i32
      %le3A_199 = arith.constant 124 : i32
      %le3A_200 = arith.cmpi sle, %add3A_198, %le3A_199 : i32
      %convert_element_type3A_201 = arith.extui %le3A_200 : i1 to i32
      %cond3A_202 = arith.constant 0 : i32
      %cond3A_203 = arith.cmpi ne, %convert_element_type3A_201, %cond3A_202 : i32
      scf.if %cond3A_203 {
        %mul3A_243 = arith.constant 80 : i32
        %mul3A_244 = arith.muli %add3A_198, %mul3A_243 : i32
        %dma_start3A_245 = arith.constant 1 : i32
        %dma_start3A_246 = arith.constant 0 : i32
        %dma_start3A_247 = arith.constant 0 : i32
        %dma_start3A_248 = tpu.memref_slice %arg9[%dma_start3A_245, %dma_start3A_246, %dma_start3A_247] : memref<3x80x128xf32, #tpu.memory_space<vmem>> -> memref<1x80x128xf32, #tpu.memory_space<vmem>>
        %dma_start3A_249 = tpu.memref_squeeze %dma_start3A_248 : memref<1x80x128xf32, #tpu.memory_space<vmem>> -> memref<80x128xf32, #tpu.memory_space<vmem>>
        %dma_start3A_250 = tpu.memref_slice %arg7[%mul3A_244] : memref<10000xi32, #tpu.memory_space<vmem>> -> memref<80xi32, #tpu.memory_space<vmem>>
        %dma_start3A_251 = arith.constant 0 : i32
        %dma_start3A_252 = arith.constant 0 : i32
        %dma_start3A_253 = tpu.memref_slice %arg2[%dma_start3A_251, %dma_start3A_252] : memref<10000x128xf32, #tpu.memory_space<hbm>> -> memref<10000x128xf32, #tpu.memory_space<hbm>>
        tpu.enqueue_indirect_dma source(%dma_start3A_253 : memref<10000x128xf32, #tpu.memory_space<hbm>>) target(%dma_start3A_249 : memref<80x128xf32, #tpu.memory_space<vmem>>) offsets(%dma_start3A_250 : memref<80xi32, #tpu.memory_space<vmem>>) semaphore(%arg14 : memref<!tpu.dma_semaphore, #tpu.memory_space<semaphore_mem>>)
        %dma_start3A_254 = arith.constant 1 : i32
        %dma_start3A_255 = arith.constant 0 : i32
        %dma_start3A_256 = arith.constant 0 : i32
        %dma_start3A_257 = tpu.memref_slice %arg10[%dma_start3A_254, %dma_start3A_255, %dma_start3A_256] : memref<3x80x128xf32, #tpu.memory_space<vmem>> -> memref<1x80x128xf32, #tpu.memory_space<vmem>>
        %dma_start3A_258 = tpu.memref_squeeze %dma_start3A_257 : memref<1x80x128xf32, #tpu.memory_space<vmem>> -> memref<80x128xf32, #tpu.memory_space<vmem>>
        %dma_start3A_259 = tpu.memref_slice %arg8[%mul3A_244] : memref<10000xi32, #tpu.memory_space<vmem>> -> memref<80xi32, #tpu.memory_space<vmem>>
        %dma_start3A_260 = arith.constant 0 : i32
        %dma_start3A_261 = arith.constant 0 : i32
        %dma_start3A_262 = tpu.memref_slice %arg2[%dma_start3A_260, %dma_start3A_261] : memref<10000x128xf32, #tpu.memory_space<hbm>> -> memref<10000x128xf32, #tpu.memory_space<hbm>>
        tpu.enqueue_indirect_dma source(%dma_start3A_262 : memref<10000x128xf32, #tpu.memory_space<hbm>>) target(%dma_start3A_258 : memref<80x128xf32, #tpu.memory_space<vmem>>) offsets(%dma_start3A_259 : memref<80xi32, #tpu.memory_space<vmem>>) semaphore(%arg17 : memref<!tpu.dma_semaphore, #tpu.memory_space<semaphore_mem>>)
      } else {
      }
      %mul3A_204 = arith.constant 3 : i32
      %mul3A_205 = arith.muli %mul3A_204, %scan3A_128 : i32
      %add3A_206 = arith.constant 2 : i32
      %add3A_207 = arith.addi %mul3A_205, %add3A_206 : i32
      %mul3A_208 = arith.constant 80 : i32
      %mul3A_209 = arith.muli %add3A_207, %mul3A_208 : i32
      %dma_wait3A_210 = arith.constant 2 : i32
      %dma_wait3A_211 = arith.constant 0 : i32
      %dma_wait3A_212 = arith.constant 0 : i32
      %dma_wait3A_213 = tpu.memref_slice %arg9[%dma_wait3A_210, %dma_wait3A_211, %dma_wait3A_212] : memref<3x80x128xf32, #tpu.memory_space<vmem>> -> memref<1x80x128xf32, #tpu.memory_space<vmem>>
      %dma_wait3A_214 = tpu.memref_squeeze %dma_wait3A_213 : memref<1x80x128xf32, #tpu.memory_space<vmem>> -> memref<80x128xf32, #tpu.memory_space<vmem>>
      %dma_wait3A_215 = tpu.memref_slice %arg7[%mul3A_209] : memref<10000xi32, #tpu.memory_space<vmem>> -> memref<80xi32, #tpu.memory_space<vmem>>
      %dma_wait3A_216 = arith.constant 0 : i32
      %dma_wait3A_217 = arith.constant 0 : i32
      %dma_wait3A_218 = tpu.memref_slice %arg2[%dma_wait3A_216, %dma_wait3A_217] : memref<10000x128xf32, #tpu.memory_space<hbm>> -> memref<10000x128xf32, #tpu.memory_space<hbm>>
      tpu.wait_indirect_dma semaphore(%arg15 : memref<!tpu.dma_semaphore, #tpu.memory_space<semaphore_mem>>) src(%dma_wait3A_218 : memref<10000x128xf32, #tpu.memory_space<hbm>>) dst(%dma_wait3A_214 : memref<80x128xf32, #tpu.memory_space<vmem>>)
      %dma_wait3A_219 = arith.constant 2 : i32
      %dma_wait3A_220 = arith.constant 0 : i32
      %dma_wait3A_221 = arith.constant 0 : i32
      %dma_wait3A_222 = tpu.memref_slice %arg10[%dma_wait3A_219, %dma_wait3A_220, %dma_wait3A_221] : memref<3x80x128xf32, #tpu.memory_space<vmem>> -> memref<1x80x128xf32, #tpu.memory_space<vmem>>
      %dma_wait3A_223 = tpu.memref_squeeze %dma_wait3A_222 : memref<1x80x128xf32, #tpu.memory_space<vmem>> -> memref<80x128xf32, #tpu.memory_space<vmem>>
      %dma_wait3A_224 = tpu.memref_slice %arg8[%mul3A_209] : memref<10000xi32, #tpu.memory_space<vmem>> -> memref<80xi32, #tpu.memory_space<vmem>>
      %dma_wait3A_225 = arith.constant 0 : i32
      %dma_wait3A_226 = arith.constant 0 : i32
      %dma_wait3A_227 = tpu.memref_slice %arg2[%dma_wait3A_225, %dma_wait3A_226] : memref<10000x128xf32, #tpu.memory_space<hbm>> -> memref<10000x128xf32, #tpu.memory_space<hbm>>
      tpu.wait_indirect_dma semaphore(%arg18 : memref<!tpu.dma_semaphore, #tpu.memory_space<semaphore_mem>>) src(%dma_wait3A_227 : memref<10000x128xf32, #tpu.memory_space<hbm>>) dst(%dma_wait3A_223 : memref<80x128xf32, #tpu.memory_space<vmem>>)
      %scan3A_228 = arith.constant 0 : i32
      %scan3A_229 = arith.constant 2 : i32
      %scan3A_230 = arith.constant 2 : i32
      %scan3A_231 = arith.constant 0 : i32
      %scan3A_232 = arith.constant 5 : i32
      %scan3A_233 = arith.addi %scan3A_231, %scan3A_232 : i32
      %scan3A_234 = arith.constant 1 : i32
      scf.for %scan3A_243 = %scan3A_231 to %scan3A_233 step %scan3A_234  : i32 {
        %mul3A_244 = arith.constant 16 : i32
        %mul3A_245 = arith.muli %scan3A_243, %mul3A_244 : i32
        %add3A_246 = vector.broadcast %mul3A_245 : i32 to vector<16xi32>
        %add3A_247 = arith.addi %add3A_246, %iota3A : vector<16xi32>
        %broadcast_in_dim3A = arith.constant 0.000000e+00 : f32
        %broadcast_in_dim3A_248 = vector.broadcast %broadcast_in_dim3A : f32 to vector<16xf32>
        %scan3A_249 = arith.constant 0 : i32
        %scan3A_250 = arith.constant 8 : i32
        %scan3A_251 = arith.addi %scan3A_249, %scan3A_250 : i32
        %scan3A_252 = arith.constant 1 : i32
        %scan3A_253:5 = scf.for %scan3A_273 = %scan3A_249 to %scan3A_251 step %scan3A_252 iter_args(%scan3A_274 = %broadcast_in_dim3A_248, %scan3A_275 = %broadcast_in_dim3A_248, %scan3A_276 = %broadcast_in_dim3A_248, %scan3A_277 = %broadcast_in_dim3A_248, %scan3A_278 = %iota3A) -> (vector<16xf32>, vector<16xf32>, vector<16xf32>, vector<16xf32>, vector<16xi32>)  : i32 {
          %gather3A = arith.constant 0 : i32
          %gather3A_279 = arith.constant 0 : i32
          %gather3A_280 = tpu.memref_slice %arg9[%scan3A_229, %gather3A, %gather3A_279] : memref<3x80x128xf32, #tpu.memory_space<vmem>> -> memref<1x80x128xf32, #tpu.memory_space<vmem>>
          %gather3A_281 = tpu.memref_squeeze %gather3A_280 : memref<1x80x128xf32, #tpu.memory_space<vmem>> -> memref<80x128xf32, #tpu.memory_space<vmem>>
          %gather3A_282 = tpu.vector_load_idx %gather3A_281[%add3A_247, %scan3A_278] : memref<80x128xf32, #tpu.memory_space<vmem>>[vector<16xi32>, vector<16xi32>], vector<16xf32>,
          %gather3A_283 = arith.constant 0 : i32
          %gather3A_284 = arith.constant 0 : i32
          %gather3A_285 = tpu.memref_slice %arg10[%scan3A_230, %gather3A_283, %gather3A_284] : memref<3x80x128xf32, #tpu.memory_space<vmem>> -> memref<1x80x128xf32, #tpu.memory_space<vmem>>
          %gather3A_286 = tpu.memref_squeeze %gather3A_285 : memref<1x80x128xf32, #tpu.memory_space<vmem>> -> memref<80x128xf32, #tpu.memory_space<vmem>>
          %gather3A_287 = tpu.vector_load_idx %gather3A_286[%add3A_247, %scan3A_278] : memref<80x128xf32, #tpu.memory_space<vmem>>[vector<16xi32>, vector<16xi32>], vector<16xf32>,
          %mul3A_288 = arith.mulf %gather3A_282, %gather3A_287 : vector<16xf32>
          %add3A_289 = arith.addf %scan3A_274, %mul3A_288 : vector<16xf32>
          %add3A_290 = arith.constant 1 : i32
          %add3A_291 = vector.broadcast %add3A_290 : i32 to vector<16xi32>
          %add3A_292 = arith.addi %scan3A_278, %add3A_291 : vector<16xi32>
          %and3A = arith.constant 127 : i32
          %and3A_293 = vector.broadcast %and3A : i32 to vector<16xi32>
          %and3A_294 = arith.andi %add3A_292, %and3A_293 : vector<16xi32>
          %gather3A_295 = arith.constant 0 : i32
          %gather3A_296 = arith.constant 0 : i32
          %gather3A_297 = tpu.memref_slice %arg9[%scan3A_229, %gather3A_295, %gather3A_296] : memref<3x80x128xf32, #tpu.memory_space<vmem>> -> memref<1x80x128xf32, #tpu.memory_space<vmem>>
          %gather3A_298 = tpu.memref_squeeze %gather3A_297 : memref<1x80x128xf32, #tpu.memory_space<vmem>> -> memref<80x128xf32, #tpu.memory_space<vmem>>
          %gather3A_299 = tpu.vector_load_idx %gather3A_298[%add3A_247, %and3A_294] : memref<80x128xf32, #tpu.memory_space<vmem>>[vector<16xi32>, vector<16xi32>], vector<16xf32>,
          %gather3A_300 = arith.constant 0 : i32
          %gather3A_301 = arith.constant 0 : i32
          %gather3A_302 = tpu.memref_slice %arg10[%scan3A_230, %gather3A_300, %gather3A_301] : memref<3x80x128xf32, #tpu.memory_space<vmem>> -> memref<1x80x128xf32, #tpu.memory_space<vmem>>
          %gather3A_303 = tpu.memref_squeeze %gather3A_302 : memref<1x80x128xf32, #tpu.memory_space<vmem>> -> memref<80x128xf32, #tpu.memory_space<vmem>>
          %gather3A_304 = tpu.vector_load_idx %gather3A_303[%add3A_247, %and3A_294] : memref<80x128xf32, #tpu.memory_space<vmem>>[vector<16xi32>, vector<16xi32>], vector<16xf32>,
          %mul3A_305 = arith.mulf %gather3A_299, %gather3A_304 : vector<16xf32>
          %add3A_306 = arith.addf %scan3A_275, %mul3A_305 : vector<16xf32>
          %add3A_307 = arith.constant 1 : i32
          %add3A_308 = vector.broadcast %add3A_307 : i32 to vector<16xi32>
          %add3A_309 = arith.addi %and3A_294, %add3A_308 : vector<16xi32>
          %and3A_310 = arith.constant 127 : i32
          %and3A_311 = vector.broadcast %and3A_310 : i32 to vector<16xi32>
          %and3A_312 = arith.andi %add3A_309, %and3A_311 : vector<16xi32>
          %gather3A_313 = arith.constant 0 : i32
          %gather3A_314 = arith.constant 0 : i32
          %gather3A_315 = tpu.memref_slice %arg9[%scan3A_229, %gather3A_313, %gather3A_314] : memref<3x80x128xf32, #tpu.memory_space<vmem>> -> memref<1x80x128xf32, #tpu.memory_space<vmem>>
          %gather3A_316 = tpu.memref_squeeze %gather3A_315 : memref<1x80x128xf32, #tpu.memory_space<vmem>> -> memref<80x128xf32, #tpu.memory_space<vmem>>
          %gather3A_317 = tpu.vector_load_idx %gather3A_316[%add3A_247, %and3A_312] : memref<80x128xf32, #tpu.memory_space<vmem>>[vector<16xi32>, vector<16xi32>], vector<16xf32>,
          %gather3A_318 = arith.constant 0 : i32
          %gather3A_319 = arith.constant 0 : i32
          %gather3A_320 = tpu.memref_slice %arg10[%scan3A_230, %gather3A_318, %gather3A_319] : memref<3x80x128xf32, #tpu.memory_space<vmem>> -> memref<1x80x128xf32, #tpu.memory_space<vmem>>
          %gather3A_321 = tpu.memref_squeeze %gather3A_320 : memref<1x80x128xf32, #tpu.memory_space<vmem>> -> memref<80x128xf32, #tpu.memory_space<vmem>>
          %gather3A_322 = tpu.vector_load_idx %gather3A_321[%add3A_247, %and3A_312] : memref<80x128xf32, #tpu.memory_space<vmem>>[vector<16xi32>, vector<16xi32>], vector<16xf32>,
          %mul3A_323 = arith.mulf %gather3A_317, %gather3A_322 : vector<16xf32>
          %add3A_324 = arith.addf %scan3A_276, %mul3A_323 : vector<16xf32>
          %add3A_325 = arith.constant 1 : i32
          %add3A_326 = vector.broadcast %add3A_325 : i32 to vector<16xi32>
          %add3A_327 = arith.addi %and3A_312, %add3A_326 : vector<16xi32>
          %and3A_328 = arith.constant 127 : i32
          %and3A_329 = vector.broadcast %and3A_328 : i32 to vector<16xi32>
          %and3A_330 = arith.andi %add3A_327, %and3A_329 : vector<16xi32>
          %gather3A_331 = arith.constant 0 : i32
          %gather3A_332 = arith.constant 0 : i32
          %gather3A_333 = tpu.memref_slice %arg9[%scan3A_229, %gather3A_331, %gather3A_332] : memref<3x80x128xf32, #tpu.memory_space<vmem>> -> memref<1x80x128xf32, #tpu.memory_space<vmem>>
          %gather3A_334 = tpu.memref_squeeze %gather3A_333 : memref<1x80x128xf32, #tpu.memory_space<vmem>> -> memref<80x128xf32, #tpu.memory_space<vmem>>
          %gather3A_335 = tpu.vector_load_idx %gather3A_334[%add3A_247, %and3A_330] : memref<80x128xf32, #tpu.memory_space<vmem>>[vector<16xi32>, vector<16xi32>], vector<16xf32>,
          %gather3A_336 = arith.constant 0 : i32
          %gather3A_337 = arith.constant 0 : i32
          %gather3A_338 = tpu.memref_slice %arg10[%scan3A_230, %gather3A_336, %gather3A_337] : memref<3x80x128xf32, #tpu.memory_space<vmem>> -> memref<1x80x128xf32, #tpu.memory_space<vmem>>
          %gather3A_339 = tpu.memref_squeeze %gather3A_338 : memref<1x80x128xf32, #tpu.memory_space<vmem>> -> memref<80x128xf32, #tpu.memory_space<vmem>>
          %gather3A_340 = tpu.vector_load_idx %gather3A_339[%add3A_247, %and3A_330] : memref<80x128xf32, #tpu.memory_space<vmem>>[vector<16xi32>, vector<16xi32>], vector<16xf32>,
          %mul3A_341 = arith.mulf %gather3A_335, %gather3A_340 : vector<16xf32>
          %add3A_342 = arith.addf %scan3A_277, %mul3A_341 : vector<16xf32>
          %add3A_343 = arith.constant 1 : i32
          %add3A_344 = vector.broadcast %add3A_343 : i32 to vector<16xi32>
          %add3A_345 = arith.addi %and3A_330, %add3A_344 : vector<16xi32>
          %and3A_346 = arith.constant 127 : i32
          %and3A_347 = vector.broadcast %and3A_346 : i32 to vector<16xi32>
          %and3A_348 = arith.andi %add3A_345, %and3A_347 : vector<16xi32>
          %gather3A_349 = arith.constant 0 : i32
          %gather3A_350 = arith.constant 0 : i32
          %gather3A_351 = tpu.memref_slice %arg9[%scan3A_229, %gather3A_349, %gather3A_350] : memref<3x80x128xf32, #tpu.memory_space<vmem>> -> memref<1x80x128xf32, #tpu.memory_space<vmem>>
          %gather3A_352 = tpu.memref_squeeze %gather3A_351 : memref<1x80x128xf32, #tpu.memory_space<vmem>> -> memref<80x128xf32, #tpu.memory_space<vmem>>
          %gather3A_353 = tpu.vector_load_idx %gather3A_352[%add3A_247, %and3A_348] : memref<80x128xf32, #tpu.memory_space<vmem>>[vector<16xi32>, vector<16xi32>], vector<16xf32>,
          %gather3A_354 = arith.constant 0 : i32
          %gather3A_355 = arith.constant 0 : i32
          %gather3A_356 = tpu.memref_slice %arg10[%scan3A_230, %gather3A_354, %gather3A_355] : memref<3x80x128xf32, #tpu.memory_space<vmem>> -> memref<1x80x128xf32, #tpu.memory_space<vmem>>
          %gather3A_357 = tpu.memref_squeeze %gather3A_356 : memref<1x80x128xf32, #tpu.memory_space<vmem>> -> memref<80x128xf32, #tpu.memory_space<vmem>>
          %gather3A_358 = tpu.vector_load_idx %gather3A_357[%add3A_247, %and3A_348] : memref<80x128xf32, #tpu.memory_space<vmem>>[vector<16xi32>, vector<16xi32>], vector<16xf32>,
          %mul3A_359 = arith.mulf %gather3A_353, %gather3A_358 : vector<16xf32>
          %add3A_360 = arith.addf %add3A_289, %mul3A_359 : vector<16xf32>
          %add3A_361 = arith.constant 1 : i32
          %add3A_362 = vector.broadcast %add3A_361 : i32 to vector<16xi32>
          %add3A_363 = arith.addi %and3A_348, %add3A_362 : vector<16xi32>
          %and3A_364 = arith.constant 127 : i32
          %and3A_365 = vector.broadcast %and3A_364 : i32 to vector<16xi32>
          %and3A_366 = arith.andi %add3A_363, %and3A_365 : vector<16xi32>
          %gather3A_367 = arith.constant 0 : i32
          %gather3A_368 = arith.constant 0 : i32
          %gather3A_369 = tpu.memref_slice %arg9[%scan3A_229, %gather3A_367, %gather3A_368] : memref<3x80x128xf32, #tpu.memory_space<vmem>> -> memref<1x80x128xf32, #tpu.memory_space<vmem>>
          %gather3A_370 = tpu.memref_squeeze %gather3A_369 : memref<1x80x128xf32, #tpu.memory_space<vmem>> -> memref<80x128xf32, #tpu.memory_space<vmem>>
          %gather3A_371 = tpu.vector_load_idx %gather3A_370[%add3A_247, %and3A_366] : memref<80x128xf32, #tpu.memory_space<vmem>>[vector<16xi32>, vector<16xi32>], vector<16xf32>,
          %gather3A_372 = arith.constant 0 : i32
          %gather3A_373 = arith.constant 0 : i32
          %gather3A_374 = tpu.memref_slice %arg10[%scan3A_230, %gather3A_372, %gather3A_373] : memref<3x80x128xf32, #tpu.memory_space<vmem>> -> memref<1x80x128xf32, #tpu.memory_space<vmem>>
          %gather3A_375 = tpu.memref_squeeze %gather3A_374 : memref<1x80x128xf32, #tpu.memory_space<vmem>> -> memref<80x128xf32, #tpu.memory_space<vmem>>
          %gather3A_376 = tpu.vector_load_idx %gather3A_375[%add3A_247, %and3A_366] : memref<80x128xf32, #tpu.memory_space<vmem>>[vector<16xi32>, vector<16xi32>], vector<16xf32>,
          %mul3A_377 = arith.mulf %gather3A_371, %gather3A_376 : vector<16xf32>
          %add3A_378 = arith.addf %add3A_306, %mul3A_377 : vector<16xf32>
          %add3A_379 = arith.constant 1 : i32
          %add3A_380 = vector.broadcast %add3A_379 : i32 to vector<16xi32>
          %add3A_381 = arith.addi %and3A_366, %add3A_380 : vector<16xi32>
          %and3A_382 = arith.constant 127 : i32
          %and3A_383 = vector.broadcast %and3A_382 : i32 to vector<16xi32>
          %and3A_384 = arith.andi %add3A_381, %and3A_383 : vector<16xi32>
          %gather3A_385 = arith.constant 0 : i32
          %gather3A_386 = arith.constant 0 : i32
          %gather3A_387 = tpu.memref_slice %arg9[%scan3A_229, %gather3A_385, %gather3A_386] : memref<3x80x128xf32, #tpu.memory_space<vmem>> -> memref<1x80x128xf32, #tpu.memory_space<vmem>>
          %gather3A_388 = tpu.memref_squeeze %gather3A_387 : memref<1x80x128xf32, #tpu.memory_space<vmem>> -> memref<80x128xf32, #tpu.memory_space<vmem>>
          %gather3A_389 = tpu.vector_load_idx %gather3A_388[%add3A_247, %and3A_384] : memref<80x128xf32, #tpu.memory_space<vmem>>[vector<16xi32>, vector<16xi32>], vector<16xf32>,
          %gather3A_390 = arith.constant 0 : i32
          %gather3A_391 = arith.constant 0 : i32
          %gather3A_392 = tpu.memref_slice %arg10[%scan3A_230, %gather3A_390, %gather3A_391] : memref<3x80x128xf32, #tpu.memory_space<vmem>> -> memref<1x80x128xf32, #tpu.memory_space<vmem>>
          %gather3A_393 = tpu.memref_squeeze %gather3A_392 : memref<1x80x128xf32, #tpu.memory_space<vmem>> -> memref<80x128xf32, #tpu.memory_space<vmem>>
          %gather3A_394 = tpu.vector_load_idx %gather3A_393[%add3A_247, %and3A_384] : memref<80x128xf32, #tpu.memory_space<vmem>>[vector<16xi32>, vector<16xi32>], vector<16xf32>,
          %mul3A_395 = arith.mulf %gather3A_389, %gather3A_394 : vector<16xf32>
          %add3A_396 = arith.addf %add3A_324, %mul3A_395 : vector<16xf32>
          %add3A_397 = arith.constant 1 : i32
          %add3A_398 = vector.broadcast %add3A_397 : i32 to vector<16xi32>
          %add3A_399 = arith.addi %and3A_384, %add3A_398 : vector<16xi32>
          %and3A_400 = arith.constant 127 : i32
          %and3A_401 = vector.broadcast %and3A_400 : i32 to vector<16xi32>
          %and3A_402 = arith.andi %add3A_399, %and3A_401 : vector<16xi32>
          %gather3A_403 = arith.constant 0 : i32
          %gather3A_404 = arith.constant 0 : i32
          %gather3A_405 = tpu.memref_slice %arg9[%scan3A_229, %gather3A_403, %gather3A_404] : memref<3x80x128xf32, #tpu.memory_space<vmem>> -> memref<1x80x128xf32, #tpu.memory_space<vmem>>
          %gather3A_406 = tpu.memref_squeeze %gather3A_405 : memref<1x80x128xf32, #tpu.memory_space<vmem>> -> memref<80x128xf32, #tpu.memory_space<vmem>>
          %gather3A_407 = tpu.vector_load_idx %gather3A_406[%add3A_247, %and3A_402] : memref<80x128xf32, #tpu.memory_space<vmem>>[vector<16xi32>, vector<16xi32>], vector<16xf32>,
          %gather3A_408 = arith.constant 0 : i32
          %gather3A_409 = arith.constant 0 : i32
          %gather3A_410 = tpu.memref_slice %arg10[%scan3A_230, %gather3A_408, %gather3A_409] : memref<3x80x128xf32, #tpu.memory_space<vmem>> -> memref<1x80x128xf32, #tpu.memory_space<vmem>>
          %gather3A_411 = tpu.memref_squeeze %gather3A_410 : memref<1x80x128xf32, #tpu.memory_space<vmem>> -> memref<80x128xf32, #tpu.memory_space<vmem>>
          %gather3A_412 = tpu.vector_load_idx %gather3A_411[%add3A_247, %and3A_402] : memref<80x128xf32, #tpu.memory_space<vmem>>[vector<16xi32>, vector<16xi32>], vector<16xf32>,
          %mul3A_413 = arith.mulf %gather3A_407, %gather3A_412 : vector<16xf32>
          %add3A_414 = arith.addf %add3A_342, %mul3A_413 : vector<16xf32>
          %add3A_415 = arith.constant 1 : i32
          %add3A_416 = vector.broadcast %add3A_415 : i32 to vector<16xi32>
          %add3A_417 = arith.addi %and3A_402, %add3A_416 : vector<16xi32>
          %and3A_418 = arith.constant 127 : i32
          %and3A_419 = vector.broadcast %and3A_418 : i32 to vector<16xi32>
          %and3A_420 = arith.andi %add3A_417, %and3A_419 : vector<16xi32>
          %gather3A_421 = arith.constant 0 : i32
          %gather3A_422 = arith.constant 0 : i32
          %gather3A_423 = tpu.memref_slice %arg9[%scan3A_229, %gather3A_421, %gather3A_422] : memref<3x80x128xf32, #tpu.memory_space<vmem>> -> memref<1x80x128xf32, #tpu.memory_space<vmem>>
          %gather3A_424 = tpu.memref_squeeze %gather3A_423 : memref<1x80x128xf32, #tpu.memory_space<vmem>> -> memref<80x128xf32, #tpu.memory_space<vmem>>
          %gather3A_425 = tpu.vector_load_idx %gather3A_424[%add3A_247, %and3A_420] : memref<80x128xf32, #tpu.memory_space<vmem>>[vector<16xi32>, vector<16xi32>], vector<16xf32>,
          %gather3A_426 = arith.constant 0 : i32
          %gather3A_427 = arith.constant 0 : i32
          %gather3A_428 = tpu.memref_slice %arg10[%scan3A_230, %gather3A_426, %gather3A_427] : memref<3x80x128xf32, #tpu.memory_space<vmem>> -> memref<1x80x128xf32, #tpu.memory_space<vmem>>
          %gather3A_429 = tpu.memref_squeeze %gather3A_428 : memref<1x80x128xf32, #tpu.memory_space<vmem>> -> memref<80x128xf32, #tpu.memory_space<vmem>>
          %gather3A_430 = tpu.vector_load_idx %gather3A_429[%add3A_247, %and3A_420] : memref<80x128xf32, #tpu.memory_space<vmem>>[vector<16xi32>, vector<16xi32>], vector<16xf32>,
          %mul3A_431 = arith.mulf %gather3A_425, %gather3A_430 : vector<16xf32>
          %add3A_432 = arith.addf %add3A_360, %mul3A_431 : vector<16xf32>
          %add3A_433 = arith.constant 1 : i32
          %add3A_434 = vector.broadcast %add3A_433 : i32 to vector<16xi32>
          %add3A_435 = arith.addi %and3A_420, %add3A_434 : vector<16xi32>
          %and3A_436 = arith.constant 127 : i32
          %and3A_437 = vector.broadcast %and3A_436 : i32 to vector<16xi32>
          %and3A_438 = arith.andi %add3A_435, %and3A_437 : vector<16xi32>
          %gather3A_439 = arith.constant 0 : i32
          %gather3A_440 = arith.constant 0 : i32
          %gather3A_441 = tpu.memref_slice %arg9[%scan3A_229, %gather3A_439, %gather3A_440] : memref<3x80x128xf32, #tpu.memory_space<vmem>> -> memref<1x80x128xf32, #tpu.memory_space<vmem>>
          %gather3A_442 = tpu.memref_squeeze %gather3A_441 : memref<1x80x128xf32, #tpu.memory_space<vmem>> -> memref<80x128xf32, #tpu.memory_space<vmem>>
          %gather3A_443 = tpu.vector_load_idx %gather3A_442[%add3A_247, %and3A_438] : memref<80x128xf32, #tpu.memory_space<vmem>>[vector<16xi32>, vector<16xi32>], vector<16xf32>,
          %gather3A_444 = arith.constant 0 : i32
          %gather3A_445 = arith.constant 0 : i32
          %gather3A_446 = tpu.memref_slice %arg10[%scan3A_230, %gather3A_444, %gather3A_445] : memref<3x80x128xf32, #tpu.memory_space<vmem>> -> memref<1x80x128xf32, #tpu.memory_space<vmem>>
          %gather3A_447 = tpu.memref_squeeze %gather3A_446 : memref<1x80x128xf32, #tpu.memory_space<vmem>> -> memref<80x128xf32, #tpu.memory_space<vmem>>
          %gather3A_448 = tpu.vector_load_idx %gather3A_447[%add3A_247, %and3A_438] : memref<80x128xf32, #tpu.memory_space<vmem>>[vector<16xi32>, vector<16xi32>], vector<16xf32>,
          %mul3A_449 = arith.mulf %gather3A_443, %gather3A_448 : vector<16xf32>
          %add3A_450 = arith.addf %add3A_378, %mul3A_449 : vector<16xf32>
          %add3A_451 = arith.constant 1 : i32
          %add3A_452 = vector.broadcast %add3A_451 : i32 to vector<16xi32>
          %add3A_453 = arith.addi %and3A_438, %add3A_452 : vector<16xi32>
          %and3A_454 = arith.constant 127 : i32
          %and3A_455 = vector.broadcast %and3A_454 : i32 to vector<16xi32>
          %and3A_456 = arith.andi %add3A_453, %and3A_455 : vector<16xi32>
          %gather3A_457 = arith.constant 0 : i32
          %gather3A_458 = arith.constant 0 : i32
          %gather3A_459 = tpu.memref_slice %arg9[%scan3A_229, %gather3A_457, %gather3A_458] : memref<3x80x128xf32, #tpu.memory_space<vmem>> -> memref<1x80x128xf32, #tpu.memory_space<vmem>>
          %gather3A_460 = tpu.memref_squeeze %gather3A_459 : memref<1x80x128xf32, #tpu.memory_space<vmem>> -> memref<80x128xf32, #tpu.memory_space<vmem>>
          %gather3A_461 = tpu.vector_load_idx %gather3A_460[%add3A_247, %and3A_456] : memref<80x128xf32, #tpu.memory_space<vmem>>[vector<16xi32>, vector<16xi32>], vector<16xf32>,
          %gather3A_462 = arith.constant 0 : i32
          %gather3A_463 = arith.constant 0 : i32
          %gather3A_464 = tpu.memref_slice %arg10[%scan3A_230, %gather3A_462, %gather3A_463] : memref<3x80x128xf32, #tpu.memory_space<vmem>> -> memref<1x80x128xf32, #tpu.memory_space<vmem>>
          %gather3A_465 = tpu.memref_squeeze %gather3A_464 : memref<1x80x128xf32, #tpu.memory_space<vmem>> -> memref<80x128xf32, #tpu.memory_space<vmem>>
          %gather3A_466 = tpu.vector_load_idx %gather3A_465[%add3A_247, %and3A_456] : memref<80x128xf32, #tpu.memory_space<vmem>>[vector<16xi32>, vector<16xi32>], vector<16xf32>,
          %mul3A_467 = arith.mulf %gather3A_461, %gather3A_466 : vector<16xf32>
          %add3A_468 = arith.addf %add3A_396, %mul3A_467 : vector<16xf32>
          %add3A_469 = arith.constant 1 : i32
          %add3A_470 = vector.broadcast %add3A_469 : i32 to vector<16xi32>
          %add3A_471 = arith.addi %and3A_456, %add3A_470 : vector<16xi32>
          %and3A_472 = arith.constant 127 : i32
          %and3A_473 = vector.broadcast %and3A_472 : i32 to vector<16xi32>
          %and3A_474 = arith.andi %add3A_471, %and3A_473 : vector<16xi32>
          %gather3A_475 = arith.constant 0 : i32
          %gather3A_476 = arith.constant 0 : i32
          %gather3A_477 = tpu.memref_slice %arg9[%scan3A_229, %gather3A_475, %gather3A_476] : memref<3x80x128xf32, #tpu.memory_space<vmem>> -> memref<1x80x128xf32, #tpu.memory_space<vmem>>
          %gather3A_478 = tpu.memref_squeeze %gather3A_477 : memref<1x80x128xf32, #tpu.memory_space<vmem>> -> memref<80x128xf32, #tpu.memory_space<vmem>>
          %gather3A_479 = tpu.vector_load_idx %gather3A_478[%add3A_247, %and3A_474] : memref<80x128xf32, #tpu.memory_space<vmem>>[vector<16xi32>, vector<16xi32>], vector<16xf32>,
          %gather3A_480 = arith.constant 0 : i32
          %gather3A_481 = arith.constant 0 : i32
          %gather3A_482 = tpu.memref_slice %arg10[%scan3A_230, %gather3A_480, %gather3A_481] : memref<3x80x128xf32, #tpu.memory_space<vmem>> -> memref<1x80x128xf32, #tpu.memory_space<vmem>>
          %gather3A_483 = tpu.memref_squeeze %gather3A_482 : memref<1x80x128xf32, #tpu.memory_space<vmem>> -> memref<80x128xf32, #tpu.memory_space<vmem>>
          %gather3A_484 = tpu.vector_load_idx %gather3A_483[%add3A_247, %and3A_474] : memref<80x128xf32, #tpu.memory_space<vmem>>[vector<16xi32>, vector<16xi32>], vector<16xf32>,
          %mul3A_485 = arith.mulf %gather3A_479, %gather3A_484 : vector<16xf32>
          %add3A_486 = arith.addf %add3A_414, %mul3A_485 : vector<16xf32>
          %add3A_487 = arith.constant 1 : i32
          %add3A_488 = vector.broadcast %add3A_487 : i32 to vector<16xi32>
          %add3A_489 = arith.addi %and3A_474, %add3A_488 : vector<16xi32>
          %and3A_490 = arith.constant 127 : i32
          %and3A_491 = vector.broadcast %and3A_490 : i32 to vector<16xi32>
          %and3A_492 = arith.andi %add3A_489, %and3A_491 : vector<16xi32>
          %gather3A_493 = arith.constant 0 : i32
          %gather3A_494 = arith.constant 0 : i32
          %gather3A_495 = tpu.memref_slice %arg9[%scan3A_229, %gather3A_493, %gather3A_494] : memref<3x80x128xf32, #tpu.memory_space<vmem>> -> memref<1x80x128xf32, #tpu.memory_space<vmem>>
          %gather3A_496 = tpu.memref_squeeze %gather3A_495 : memref<1x80x128xf32, #tpu.memory_space<vmem>> -> memref<80x128xf32, #tpu.memory_space<vmem>>
          %gather3A_497 = tpu.vector_load_idx %gather3A_496[%add3A_247, %and3A_492] : memref<80x128xf32, #tpu.memory_space<vmem>>[vector<16xi32>, vector<16xi32>], vector<16xf32>,
          %gather3A_498 = arith.constant 0 : i32
          %gather3A_499 = arith.constant 0 : i32
          %gather3A_500 = tpu.memref_slice %arg10[%scan3A_230, %gather3A_498, %gather3A_499] : memref<3x80x128xf32, #tpu.memory_space<vmem>> -> memref<1x80x128xf32, #tpu.memory_space<vmem>>
          %gather3A_501 = tpu.memref_squeeze %gather3A_500 : memref<1x80x128xf32, #tpu.memory_space<vmem>> -> memref<80x128xf32, #tpu.memory_space<vmem>>
          %gather3A_502 = tpu.vector_load_idx %gather3A_501[%add3A_247, %and3A_492] : memref<80x128xf32, #tpu.memory_space<vmem>>[vector<16xi32>, vector<16xi32>], vector<16xf32>,
          %mul3A_503 = arith.mulf %gather3A_497, %gather3A_502 : vector<16xf32>
          %add3A_504 = arith.addf %add3A_432, %mul3A_503 : vector<16xf32>
          %add3A_505 = arith.constant 1 : i32
          %add3A_506 = vector.broadcast %add3A_505 : i32 to vector<16xi32>
          %add3A_507 = arith.addi %and3A_492, %add3A_506 : vector<16xi32>
          %and3A_508 = arith.constant 127 : i32
          %and3A_509 = vector.broadcast %and3A_508 : i32 to vector<16xi32>
          %and3A_510 = arith.andi %add3A_507, %and3A_509 : vector<16xi32>
          %gather3A_511 = arith.constant 0 : i32
          %gather3A_512 = arith.constant 0 : i32
          %gather3A_513 = tpu.memref_slice %arg9[%scan3A_229, %gather3A_511, %gather3A_512] : memref<3x80x128xf32, #tpu.memory_space<vmem>> -> memref<1x80x128xf32, #tpu.memory_space<vmem>>
          %gather3A_514 = tpu.memref_squeeze %gather3A_513 : memref<1x80x128xf32, #tpu.memory_space<vmem>> -> memref<80x128xf32, #tpu.memory_space<vmem>>
          %gather3A_515 = tpu.vector_load_idx %gather3A_514[%add3A_247, %and3A_510] : memref<80x128xf32, #tpu.memory_space<vmem>>[vector<16xi32>, vector<16xi32>], vector<16xf32>,
          %gather3A_516 = arith.constant 0 : i32
          %gather3A_517 = arith.constant 0 : i32
          %gather3A_518 = tpu.memref_slice %arg10[%scan3A_230, %gather3A_516, %gather3A_517] : memref<3x80x128xf32, #tpu.memory_space<vmem>> -> memref<1x80x128xf32, #tpu.memory_space<vmem>>
          %gather3A_519 = tpu.memref_squeeze %gather3A_518 : memref<1x80x128xf32, #tpu.memory_space<vmem>> -> memref<80x128xf32, #tpu.memory_space<vmem>>
          %gather3A_520 = tpu.vector_load_idx %gather3A_519[%add3A_247, %and3A_510] : memref<80x128xf32, #tpu.memory_space<vmem>>[vector<16xi32>, vector<16xi32>], vector<16xf32>,
          %mul3A_521 = arith.mulf %gather3A_515, %gather3A_520 : vector<16xf32>
          %add3A_522 = arith.addf %add3A_450, %mul3A_521 : vector<16xf32>
          %add3A_523 = arith.constant 1 : i32
          %add3A_524 = vector.broadcast %add3A_523 : i32 to vector<16xi32>
          %add3A_525 = arith.addi %and3A_510, %add3A_524 : vector<16xi32>
          %and3A_526 = arith.constant 127 : i32
          %and3A_527 = vector.broadcast %and3A_526 : i32 to vector<16xi32>
          %and3A_528 = arith.andi %add3A_525, %and3A_527 : vector<16xi32>
          %gather3A_529 = arith.constant 0 : i32
          %gather3A_530 = arith.constant 0 : i32
          %gather3A_531 = tpu.memref_slice %arg9[%scan3A_229, %gather3A_529, %gather3A_530] : memref<3x80x128xf32, #tpu.memory_space<vmem>> -> memref<1x80x128xf32, #tpu.memory_space<vmem>>
          %gather3A_532 = tpu.memref_squeeze %gather3A_531 : memref<1x80x128xf32, #tpu.memory_space<vmem>> -> memref<80x128xf32, #tpu.memory_space<vmem>>
          %gather3A_533 = tpu.vector_load_idx %gather3A_532[%add3A_247, %and3A_528] : memref<80x128xf32, #tpu.memory_space<vmem>>[vector<16xi32>, vector<16xi32>], vector<16xf32>,
          %gather3A_534 = arith.constant 0 : i32
          %gather3A_535 = arith.constant 0 : i32
          %gather3A_536 = tpu.memref_slice %arg10[%scan3A_230, %gather3A_534, %gather3A_535] : memref<3x80x128xf32, #tpu.memory_space<vmem>> -> memref<1x80x128xf32, #tpu.memory_space<vmem>>
          %gather3A_537 = tpu.memref_squeeze %gather3A_536 : memref<1x80x128xf32, #tpu.memory_space<vmem>> -> memref<80x128xf32, #tpu.memory_space<vmem>>
          %gather3A_538 = tpu.vector_load_idx %gather3A_537[%add3A_247, %and3A_528] : memref<80x128xf32, #tpu.memory_space<vmem>>[vector<16xi32>, vector<16xi32>], vector<16xf32>,
          %mul3A_539 = arith.mulf %gather3A_533, %gather3A_538 : vector<16xf32>
          %add3A_540 = arith.addf %add3A_468, %mul3A_539 : vector<16xf32>
          %add3A_541 = arith.constant 1 : i32
          %add3A_542 = vector.broadcast %add3A_541 : i32 to vector<16xi32>
          %add3A_543 = arith.addi %and3A_528, %add3A_542 : vector<16xi32>
          %and3A_544 = arith.constant 127 : i32
          %and3A_545 = vector.broadcast %and3A_544 : i32 to vector<16xi32>
          %and3A_546 = arith.andi %add3A_543, %and3A_545 : vector<16xi32>
          %gather3A_547 = arith.constant 0 : i32
          %gather3A_548 = arith.constant 0 : i32
          %gather3A_549 = tpu.memref_slice %arg9[%scan3A_229, %gather3A_547, %gather3A_548] : memref<3x80x128xf32, #tpu.memory_space<vmem>> -> memref<1x80x128xf32, #tpu.memory_space<vmem>>
          %gather3A_550 = tpu.memref_squeeze %gather3A_549 : memref<1x80x128xf32, #tpu.memory_space<vmem>> -> memref<80x128xf32, #tpu.memory_space<vmem>>
          %gather3A_551 = tpu.vector_load_idx %gather3A_550[%add3A_247, %and3A_546] : memref<80x128xf32, #tpu.memory_space<vmem>>[vector<16xi32>, vector<16xi32>], vector<16xf32>,
          %gather3A_552 = arith.constant 0 : i32
          %gather3A_553 = arith.constant 0 : i32
          %gather3A_554 = tpu.memref_slice %arg10[%scan3A_230, %gather3A_552, %gather3A_553] : memref<3x80x128xf32, #tpu.memory_space<vmem>> -> memref<1x80x128xf32, #tpu.memory_space<vmem>>
          %gather3A_555 = tpu.memref_squeeze %gather3A_554 : memref<1x80x128xf32, #tpu.memory_space<vmem>> -> memref<80x128xf32, #tpu.memory_space<vmem>>
          %gather3A_556 = tpu.vector_load_idx %gather3A_555[%add3A_247, %and3A_546] : memref<80x128xf32, #tpu.memory_space<vmem>>[vector<16xi32>, vector<16xi32>], vector<16xf32>,
          %mul3A_557 = arith.mulf %gather3A_551, %gather3A_556 : vector<16xf32>
          %add3A_558 = arith.addf %add3A_486, %mul3A_557 : vector<16xf32>
          %add3A_559 = arith.constant 1 : i32
          %add3A_560 = vector.broadcast %add3A_559 : i32 to vector<16xi32>
          %add3A_561 = arith.addi %and3A_546, %add3A_560 : vector<16xi32>
          %and3A_562 = arith.constant 127 : i32
          %and3A_563 = vector.broadcast %and3A_562 : i32 to vector<16xi32>
          %and3A_564 = arith.andi %add3A_561, %and3A_563 : vector<16xi32>
          scf.yield %add3A_504, %add3A_522, %add3A_540, %add3A_558, %and3A_564 : vector<16xf32>, vector<16xf32>, vector<16xf32>, vector<16xf32>, vector<16xi32>
        }
        %scan3A_254 = arith.constant 8 : i32
        %add3A_255 = arith.addf %scan3A_253#0, %scan3A_253#1 : vector<16xf32>
        %add3A_256 = arith.addf %scan3A_253#2, %scan3A_253#3 : vector<16xf32>
        %add3A_257 = arith.addf %add3A_255, %add3A_256 : vector<16xf32>
        %lt3A = arith.constant 1.000000e-01 : f32
        %lt3A_258 = vector.broadcast %lt3A : f32 to vector<16xf32>
        %lt3A_259 = arith.cmpf olt, %add3A_257, %lt3A_258 : vector<16xf32>
        %jit3A = arith.constant 0.000000e+00 : f32
        %broadcast_in_dim3A_260 = vector.broadcast %jit3A : f32 to vector<16xf32>
        %select_n3A = arith.select %lt3A_259, %broadcast_in_dim3A_260, %add3A_257 : vector<16xi1>, vector<16xf32>
        %mul3A_261 = arith.constant 80 : i32
        %mul3A_262 = arith.muli %add3A_207, %mul3A_261 : i32
        %mul3A_263 = arith.constant 16 : i32
        %mul3A_264 = arith.muli %scan3A_243, %mul3A_263 : i32
        %add3A_265 = arith.addi %mul3A_262, %mul3A_264 : i32
        %swap3A = arith.index_cast %add3A_265 : i32 to index
        %swap3A_266 = tpu.vector_load %arg11[%swap3A] {strides = array<i32>} : memref<10000xf32, #tpu.memory_space<vmem>>, vector<16xf32>,
        tpu.vector_store %arg11[%swap3A], %select_n3A {strides = array<i32>} : memref<10000xf32, #tpu.memory_space<vmem>>, vector<16xf32>,
        %mul3A_267 = arith.constant 80 : i32
        %mul3A_268 = arith.muli %add3A_207, %mul3A_267 : i32
        %mul3A_269 = arith.constant 16 : i32
        %mul3A_270 = arith.muli %scan3A_243, %mul3A_269 : i32
        %add3A_271 = arith.addi %mul3A_268, %mul3A_270 : i32
        %get3A = arith.index_cast %add3A_271 : i32 to index
        %get3A_272 = tpu.vector_load %arg7[%get3A] {strides = array<i32>} : memref<10000xi32, #tpu.memory_space<vmem>>, vector<16xi32>,
        tpu.vector_store_idx %arg12[%get3A_272], %select_n3A {add = true} : memref<10000xf32, #tpu.memory_space<vmem>>[vector<16xi32>], vector<16xf32>,
      }
      %scan3A_235 = arith.constant 5 : i32
      %add3A_236 = arith.constant 3 : i32
      %add3A_237 = arith.addi %add3A_207, %add3A_236 : i32
      %le3A_238 = arith.constant 124 : i32
      %le3A_239 = arith.cmpi sle, %add3A_237, %le3A_238 : i32
      %convert_element_type3A_240 = arith.extui %le3A_239 : i1 to i32
      %cond3A_241 = arith.constant 0 : i32
      %cond3A_242 = arith.cmpi ne, %convert_element_type3A_240, %cond3A_241 : i32
      scf.if %cond3A_242 {
        %mul3A_243 = arith.constant 80 : i32
        %mul3A_244 = arith.muli %add3A_237, %mul3A_243 : i32
        %dma_start3A_245 = arith.constant 2 : i32
        %dma_start3A_246 = arith.constant 0 : i32
        %dma_start3A_247 = arith.constant 0 : i32
        %dma_start3A_248 = tpu.memref_slice %arg9[%dma_start3A_245, %dma_start3A_246, %dma_start3A_247] : memref<3x80x128xf32, #tpu.memory_space<vmem>> -> memref<1x80x128xf32, #tpu.memory_space<vmem>>
        %dma_start3A_249 = tpu.memref_squeeze %dma_start3A_248 : memref<1x80x128xf32, #tpu.memory_space<vmem>> -> memref<80x128xf32, #tpu.memory_space<vmem>>
        %dma_start3A_250 = tpu.memref_slice %arg7[%mul3A_244] : memref<10000xi32, #tpu.memory_space<vmem>> -> memref<80xi32, #tpu.memory_space<vmem>>
        %dma_start3A_251 = arith.constant 0 : i32
        %dma_start3A_252 = arith.constant 0 : i32
        %dma_start3A_253 = tpu.memref_slice %arg2[%dma_start3A_251, %dma_start3A_252] : memref<10000x128xf32, #tpu.memory_space<hbm>> -> memref<10000x128xf32, #tpu.memory_space<hbm>>
        tpu.enqueue_indirect_dma source(%dma_start3A_253 : memref<10000x128xf32, #tpu.memory_space<hbm>>) target(%dma_start3A_249 : memref<80x128xf32, #tpu.memory_space<vmem>>) offsets(%dma_start3A_250 : memref<80xi32, #tpu.memory_space<vmem>>) semaphore(%arg15 : memref<!tpu.dma_semaphore, #tpu.memory_space<semaphore_mem>>)
        %dma_start3A_254 = arith.constant 2 : i32
        %dma_start3A_255 = arith.constant 0 : i32
        %dma_start3A_256 = arith.constant 0 : i32
        %dma_start3A_257 = tpu.memref_slice %arg10[%dma_start3A_254, %dma_start3A_255, %dma_start3A_256] : memref<3x80x128xf32, #tpu.memory_space<vmem>> -> memref<1x80x128xf32, #tpu.memory_space<vmem>>
        %dma_start3A_258 = tpu.memref_squeeze %dma_start3A_257 : memref<1x80x128xf32, #tpu.memory_space<vmem>> -> memref<80x128xf32, #tpu.memory_space<vmem>>
        %dma_start3A_259 = tpu.memref_slice %arg8[%mul3A_244] : memref<10000xi32, #tpu.memory_space<vmem>> -> memref<80xi32, #tpu.memory_space<vmem>>
        %dma_start3A_260 = arith.constant 0 : i32
        %dma_start3A_261 = arith.constant 0 : i32
        %dma_start3A_262 = tpu.memref_slice %arg2[%dma_start3A_260, %dma_start3A_261] : memref<10000x128xf32, #tpu.memory_space<hbm>> -> memref<10000x128xf32, #tpu.memory_space<hbm>>
        tpu.enqueue_indirect_dma source(%dma_start3A_262 : memref<10000x128xf32, #tpu.memory_space<hbm>>) target(%dma_start3A_258 : memref<80x128xf32, #tpu.memory_space<vmem>>) offsets(%dma_start3A_259 : memref<80xi32, #tpu.memory_space<vmem>>) semaphore(%arg18 : memref<!tpu.dma_semaphore, #tpu.memory_space<semaphore_mem>>)
      } else {
      }
    }
    %scan3A_72 = arith.constant 41 : i32
    %dma_wait3A = arith.constant 0 : i32
    %dma_wait3A_73 = arith.constant 0 : i32
    %dma_wait3A_74 = arith.constant 0 : i32
    %dma_wait3A_75 = tpu.memref_slice %arg9[%dma_wait3A, %dma_wait3A_73, %dma_wait3A_74] : memref<3x80x128xf32, #tpu.memory_space<vmem>> -> memref<1x80x128xf32, #tpu.memory_space<vmem>>
    %dma_wait3A_76 = tpu.memref_squeeze %dma_wait3A_75 : memref<1x80x128xf32, #tpu.memory_space<vmem>> -> memref<80x128xf32, #tpu.memory_space<vmem>>
    %dma_wait3A_77 = arith.constant 9840 : i32
    %dma_wait3A_78 = tpu.memref_slice %arg7[%dma_wait3A_77] : memref<10000xi32, #tpu.memory_space<vmem>> -> memref<80xi32, #tpu.memory_space<vmem>>
    %dma_wait3A_79 = arith.constant 0 : i32
    %dma_wait3A_80 = arith.constant 0 : i32
    %dma_wait3A_81 = tpu.memref_slice %arg2[%dma_wait3A_79, %dma_wait3A_80] : memref<10000x128xf32, #tpu.memory_space<hbm>> -> memref<10000x128xf32, #tpu.memory_space<hbm>>
    tpu.wait_indirect_dma semaphore(%arg13 : memref<!tpu.dma_semaphore, #tpu.memory_space<semaphore_mem>>) src(%dma_wait3A_81 : memref<10000x128xf32, #tpu.memory_space<hbm>>) dst(%dma_wait3A_76 : memref<80x128xf32, #tpu.memory_space<vmem>>)
    %dma_wait3A_82 = arith.constant 0 : i32
    %dma_wait3A_83 = arith.constant 0 : i32
    %dma_wait3A_84 = arith.constant 0 : i32
    %dma_wait3A_85 = tpu.memref_slice %arg10[%dma_wait3A_82, %dma_wait3A_83, %dma_wait3A_84] : memref<3x80x128xf32, #tpu.memory_space<vmem>> -> memref<1x80x128xf32, #tpu.memory_space<vmem>>
    %dma_wait3A_86 = tpu.memref_squeeze %dma_wait3A_85 : memref<1x80x128xf32, #tpu.memory_space<vmem>> -> memref<80x128xf32, #tpu.memory_space<vmem>>
    %dma_wait3A_87 = arith.constant 9840 : i32
    %dma_wait3A_88 = tpu.memref_slice %arg8[%dma_wait3A_87] : memref<10000xi32, #tpu.memory_space<vmem>> -> memref<80xi32, #tpu.memory_space<vmem>>
    %dma_wait3A_89 = arith.constant 0 : i32
    %dma_wait3A_90 = arith.constant 0 : i32
    %dma_wait3A_91 = tpu.memref_slice %arg2[%dma_wait3A_89, %dma_wait3A_90] : memref<10000x128xf32, #tpu.memory_space<hbm>> -> memref<10000x128xf32, #tpu.memory_space<hbm>>
    tpu.wait_indirect_dma semaphore(%arg16 : memref<!tpu.dma_semaphore, #tpu.memory_space<semaphore_mem>>) src(%dma_wait3A_91 : memref<10000x128xf32, #tpu.memory_space<hbm>>) dst(%dma_wait3A_86 : memref<80x128xf32, #tpu.memory_space<vmem>>)
    %scan3A_92 = arith.constant 0 : i32
    %scan3A_93 = arith.constant 0 : i32
    %scan3A_94 = arith.constant 0 : i32
    %scan3A_95 = arith.constant 0 : i32
    %scan3A_96 = arith.constant 5 : i32
    %scan3A_97 = arith.addi %scan3A_95, %scan3A_96 : i32
    %scan3A_98 = arith.constant 1 : i32
    scf.for %scan3A_128 = %scan3A_95 to %scan3A_97 step %scan3A_98  : i32 {
      %mul3A_129 = arith.constant 16 : i32
      %mul3A_130 = arith.muli %scan3A_128, %mul3A_129 : i32
      %add3A_131 = vector.broadcast %mul3A_130 : i32 to vector<16xi32>
      %add3A_132 = arith.addi %add3A_131, %iota3A : vector<16xi32>
      %broadcast_in_dim3A = arith.constant 0.000000e+00 : f32
      %broadcast_in_dim3A_133 = vector.broadcast %broadcast_in_dim3A : f32 to vector<16xf32>
      %scan3A_134 = arith.constant 0 : i32
      %scan3A_135 = arith.constant 8 : i32
      %scan3A_136 = arith.addi %scan3A_134, %scan3A_135 : i32
      %scan3A_137 = arith.constant 1 : i32
      %scan3A_138:5 = scf.for %scan3A_156 = %scan3A_134 to %scan3A_136 step %scan3A_137 iter_args(%scan3A_157 = %broadcast_in_dim3A_133, %scan3A_158 = %broadcast_in_dim3A_133, %scan3A_159 = %broadcast_in_dim3A_133, %scan3A_160 = %broadcast_in_dim3A_133, %scan3A_161 = %iota3A) -> (vector<16xf32>, vector<16xf32>, vector<16xf32>, vector<16xf32>, vector<16xi32>)  : i32 {
        %gather3A = arith.constant 0 : i32
        %gather3A_162 = arith.constant 0 : i32
        %gather3A_163 = tpu.memref_slice %arg9[%scan3A_93, %gather3A, %gather3A_162] : memref<3x80x128xf32, #tpu.memory_space<vmem>> -> memref<1x80x128xf32, #tpu.memory_space<vmem>>
        %gather3A_164 = tpu.memref_squeeze %gather3A_163 : memref<1x80x128xf32, #tpu.memory_space<vmem>> -> memref<80x128xf32, #tpu.memory_space<vmem>>
        %gather3A_165 = tpu.vector_load_idx %gather3A_164[%add3A_132, %scan3A_161] : memref<80x128xf32, #tpu.memory_space<vmem>>[vector<16xi32>, vector<16xi32>], vector<16xf32>,
        %gather3A_166 = arith.constant 0 : i32
        %gather3A_167 = arith.constant 0 : i32
        %gather3A_168 = tpu.memref_slice %arg10[%scan3A_94, %gather3A_166, %gather3A_167] : memref<3x80x128xf32, #tpu.memory_space<vmem>> -> memref<1x80x128xf32, #tpu.memory_space<vmem>>
        %gather3A_169 = tpu.memref_squeeze %gather3A_168 : memref<1x80x128xf32, #tpu.memory_space<vmem>> -> memref<80x128xf32, #tpu.memory_space<vmem>>
        %gather3A_170 = tpu.vector_load_idx %gather3A_169[%add3A_132, %scan3A_161] : memref<80x128xf32, #tpu.memory_space<vmem>>[vector<16xi32>, vector<16xi32>], vector<16xf32>,
        %mul3A_171 = arith.mulf %gather3A_165, %gather3A_170 : vector<16xf32>
        %add3A_172 = arith.addf %scan3A_157, %mul3A_171 : vector<16xf32>
        %add3A_173 = arith.constant 1 : i32
        %add3A_174 = vector.broadcast %add3A_173 : i32 to vector<16xi32>
        %add3A_175 = arith.addi %scan3A_161, %add3A_174 : vector<16xi32>
        %and3A = arith.constant 127 : i32
        %and3A_176 = vector.broadcast %and3A : i32 to vector<16xi32>
        %and3A_177 = arith.andi %add3A_175, %and3A_176 : vector<16xi32>
        %gather3A_178 = arith.constant 0 : i32
        %gather3A_179 = arith.constant 0 : i32
        %gather3A_180 = tpu.memref_slice %arg9[%scan3A_93, %gather3A_178, %gather3A_179] : memref<3x80x128xf32, #tpu.memory_space<vmem>> -> memref<1x80x128xf32, #tpu.memory_space<vmem>>
        %gather3A_181 = tpu.memref_squeeze %gather3A_180 : memref<1x80x128xf32, #tpu.memory_space<vmem>> -> memref<80x128xf32, #tpu.memory_space<vmem>>
        %gather3A_182 = tpu.vector_load_idx %gather3A_181[%add3A_132, %and3A_177] : memref<80x128xf32, #tpu.memory_space<vmem>>[vector<16xi32>, vector<16xi32>], vector<16xf32>,
        %gather3A_183 = arith.constant 0 : i32
        %gather3A_184 = arith.constant 0 : i32
        %gather3A_185 = tpu.memref_slice %arg10[%scan3A_94, %gather3A_183, %gather3A_184] : memref<3x80x128xf32, #tpu.memory_space<vmem>> -> memref<1x80x128xf32, #tpu.memory_space<vmem>>
        %gather3A_186 = tpu.memref_squeeze %gather3A_185 : memref<1x80x128xf32, #tpu.memory_space<vmem>> -> memref<80x128xf32, #tpu.memory_space<vmem>>
        %gather3A_187 = tpu.vector_load_idx %gather3A_186[%add3A_132, %and3A_177] : memref<80x128xf32, #tpu.memory_space<vmem>>[vector<16xi32>, vector<16xi32>], vector<16xf32>,
        %mul3A_188 = arith.mulf %gather3A_182, %gather3A_187 : vector<16xf32>
        %add3A_189 = arith.addf %scan3A_158, %mul3A_188 : vector<16xf32>
        %add3A_190 = arith.constant 1 : i32
        %add3A_191 = vector.broadcast %add3A_190 : i32 to vector<16xi32>
        %add3A_192 = arith.addi %and3A_177, %add3A_191 : vector<16xi32>
        %and3A_193 = arith.constant 127 : i32
        %and3A_194 = vector.broadcast %and3A_193 : i32 to vector<16xi32>
        %and3A_195 = arith.andi %add3A_192, %and3A_194 : vector<16xi32>
        %gather3A_196 = arith.constant 0 : i32
        %gather3A_197 = arith.constant 0 : i32
        %gather3A_198 = tpu.memref_slice %arg9[%scan3A_93, %gather3A_196, %gather3A_197] : memref<3x80x128xf32, #tpu.memory_space<vmem>> -> memref<1x80x128xf32, #tpu.memory_space<vmem>>
        %gather3A_199 = tpu.memref_squeeze %gather3A_198 : memref<1x80x128xf32, #tpu.memory_space<vmem>> -> memref<80x128xf32, #tpu.memory_space<vmem>>
        %gather3A_200 = tpu.vector_load_idx %gather3A_199[%add3A_132, %and3A_195] : memref<80x128xf32, #tpu.memory_space<vmem>>[vector<16xi32>, vector<16xi32>], vector<16xf32>,
        %gather3A_201 = arith.constant 0 : i32
        %gather3A_202 = arith.constant 0 : i32
        %gather3A_203 = tpu.memref_slice %arg10[%scan3A_94, %gather3A_201, %gather3A_202] : memref<3x80x128xf32, #tpu.memory_space<vmem>> -> memref<1x80x128xf32, #tpu.memory_space<vmem>>
        %gather3A_204 = tpu.memref_squeeze %gather3A_203 : memref<1x80x128xf32, #tpu.memory_space<vmem>> -> memref<80x128xf32, #tpu.memory_space<vmem>>
        %gather3A_205 = tpu.vector_load_idx %gather3A_204[%add3A_132, %and3A_195] : memref<80x128xf32, #tpu.memory_space<vmem>>[vector<16xi32>, vector<16xi32>], vector<16xf32>,
        %mul3A_206 = arith.mulf %gather3A_200, %gather3A_205 : vector<16xf32>
        %add3A_207 = arith.addf %scan3A_159, %mul3A_206 : vector<16xf32>
        %add3A_208 = arith.constant 1 : i32
        %add3A_209 = vector.broadcast %add3A_208 : i32 to vector<16xi32>
        %add3A_210 = arith.addi %and3A_195, %add3A_209 : vector<16xi32>
        %and3A_211 = arith.constant 127 : i32
        %and3A_212 = vector.broadcast %and3A_211 : i32 to vector<16xi32>
        %and3A_213 = arith.andi %add3A_210, %and3A_212 : vector<16xi32>
        %gather3A_214 = arith.constant 0 : i32
        %gather3A_215 = arith.constant 0 : i32
        %gather3A_216 = tpu.memref_slice %arg9[%scan3A_93, %gather3A_214, %gather3A_215] : memref<3x80x128xf32, #tpu.memory_space<vmem>> -> memref<1x80x128xf32, #tpu.memory_space<vmem>>
        %gather3A_217 = tpu.memref_squeeze %gather3A_216 : memref<1x80x128xf32, #tpu.memory_space<vmem>> -> memref<80x128xf32, #tpu.memory_space<vmem>>
        %gather3A_218 = tpu.vector_load_idx %gather3A_217[%add3A_132, %and3A_213] : memref<80x128xf32, #tpu.memory_space<vmem>>[vector<16xi32>, vector<16xi32>], vector<16xf32>,
        %gather3A_219 = arith.constant 0 : i32
        %gather3A_220 = arith.constant 0 : i32
        %gather3A_221 = tpu.memref_slice %arg10[%scan3A_94, %gather3A_219, %gather3A_220] : memref<3x80x128xf32, #tpu.memory_space<vmem>> -> memref<1x80x128xf32, #tpu.memory_space<vmem>>
        %gather3A_222 = tpu.memref_squeeze %gather3A_221 : memref<1x80x128xf32, #tpu.memory_space<vmem>> -> memref<80x128xf32, #tpu.memory_space<vmem>>
        %gather3A_223 = tpu.vector_load_idx %gather3A_222[%add3A_132, %and3A_213] : memref<80x128xf32, #tpu.memory_space<vmem>>[vector<16xi32>, vector<16xi32>], vector<16xf32>,
        %mul3A_224 = arith.mulf %gather3A_218, %gather3A_223 : vector<16xf32>
        %add3A_225 = arith.addf %scan3A_160, %mul3A_224 : vector<16xf32>
        %add3A_226 = arith.constant 1 : i32
        %add3A_227 = vector.broadcast %add3A_226 : i32 to vector<16xi32>
        %add3A_228 = arith.addi %and3A_213, %add3A_227 : vector<16xi32>
        %and3A_229 = arith.constant 127 : i32
        %and3A_230 = vector.broadcast %and3A_229 : i32 to vector<16xi32>
        %and3A_231 = arith.andi %add3A_228, %and3A_230 : vector<16xi32>
        %gather3A_232 = arith.constant 0 : i32
        %gather3A_233 = arith.constant 0 : i32
        %gather3A_234 = tpu.memref_slice %arg9[%scan3A_93, %gather3A_232, %gather3A_233] : memref<3x80x128xf32, #tpu.memory_space<vmem>> -> memref<1x80x128xf32, #tpu.memory_space<vmem>>
        %gather3A_235 = tpu.memref_squeeze %gather3A_234 : memref<1x80x128xf32, #tpu.memory_space<vmem>> -> memref<80x128xf32, #tpu.memory_space<vmem>>
        %gather3A_236 = tpu.vector_load_idx %gather3A_235[%add3A_132, %and3A_231] : memref<80x128xf32, #tpu.memory_space<vmem>>[vector<16xi32>, vector<16xi32>], vector<16xf32>,
        %gather3A_237 = arith.constant 0 : i32
        %gather3A_238 = arith.constant 0 : i32
        %gather3A_239 = tpu.memref_slice %arg10[%scan3A_94, %gather3A_237, %gather3A_238] : memref<3x80x128xf32, #tpu.memory_space<vmem>> -> memref<1x80x128xf32, #tpu.memory_space<vmem>>
        %gather3A_240 = tpu.memref_squeeze %gather3A_239 : memref<1x80x128xf32, #tpu.memory_space<vmem>> -> memref<80x128xf32, #tpu.memory_space<vmem>>
        %gather3A_241 = tpu.vector_load_idx %gather3A_240[%add3A_132, %and3A_231] : memref<80x128xf32, #tpu.memory_space<vmem>>[vector<16xi32>, vector<16xi32>], vector<16xf32>,
        %mul3A_242 = arith.mulf %gather3A_236, %gather3A_241 : vector<16xf32>
        %add3A_243 = arith.addf %add3A_172, %mul3A_242 : vector<16xf32>
        %add3A_244 = arith.constant 1 : i32
        %add3A_245 = vector.broadcast %add3A_244 : i32 to vector<16xi32>
        %add3A_246 = arith.addi %and3A_231, %add3A_245 : vector<16xi32>
        %and3A_247 = arith.constant 127 : i32
        %and3A_248 = vector.broadcast %and3A_247 : i32 to vector<16xi32>
        %and3A_249 = arith.andi %add3A_246, %and3A_248 : vector<16xi32>
        %gather3A_250 = arith.constant 0 : i32
        %gather3A_251 = arith.constant 0 : i32
        %gather3A_252 = tpu.memref_slice %arg9[%scan3A_93, %gather3A_250, %gather3A_251] : memref<3x80x128xf32, #tpu.memory_space<vmem>> -> memref<1x80x128xf32, #tpu.memory_space<vmem>>
        %gather3A_253 = tpu.memref_squeeze %gather3A_252 : memref<1x80x128xf32, #tpu.memory_space<vmem>> -> memref<80x128xf32, #tpu.memory_space<vmem>>
        %gather3A_254 = tpu.vector_load_idx %gather3A_253[%add3A_132, %and3A_249] : memref<80x128xf32, #tpu.memory_space<vmem>>[vector<16xi32>, vector<16xi32>], vector<16xf32>,
        %gather3A_255 = arith.constant 0 : i32
        %gather3A_256 = arith.constant 0 : i32
        %gather3A_257 = tpu.memref_slice %arg10[%scan3A_94, %gather3A_255, %gather3A_256] : memref<3x80x128xf32, #tpu.memory_space<vmem>> -> memref<1x80x128xf32, #tpu.memory_space<vmem>>
        %gather3A_258 = tpu.memref_squeeze %gather3A_257 : memref<1x80x128xf32, #tpu.memory_space<vmem>> -> memref<80x128xf32, #tpu.memory_space<vmem>>
        %gather3A_259 = tpu.vector_load_idx %gather3A_258[%add3A_132, %and3A_249] : memref<80x128xf32, #tpu.memory_space<vmem>>[vector<16xi32>, vector<16xi32>], vector<16xf32>,
        %mul3A_260 = arith.mulf %gather3A_254, %gather3A_259 : vector<16xf32>
        %add3A_261 = arith.addf %add3A_189, %mul3A_260 : vector<16xf32>
        %add3A_262 = arith.constant 1 : i32
        %add3A_263 = vector.broadcast %add3A_262 : i32 to vector<16xi32>
        %add3A_264 = arith.addi %and3A_249, %add3A_263 : vector<16xi32>
        %and3A_265 = arith.constant 127 : i32
        %and3A_266 = vector.broadcast %and3A_265 : i32 to vector<16xi32>
        %and3A_267 = arith.andi %add3A_264, %and3A_266 : vector<16xi32>
        %gather3A_268 = arith.constant 0 : i32
        %gather3A_269 = arith.constant 0 : i32
        %gather3A_270 = tpu.memref_slice %arg9[%scan3A_93, %gather3A_268, %gather3A_269] : memref<3x80x128xf32, #tpu.memory_space<vmem>> -> memref<1x80x128xf32, #tpu.memory_space<vmem>>
        %gather3A_271 = tpu.memref_squeeze %gather3A_270 : memref<1x80x128xf32, #tpu.memory_space<vmem>> -> memref<80x128xf32, #tpu.memory_space<vmem>>
        %gather3A_272 = tpu.vector_load_idx %gather3A_271[%add3A_132, %and3A_267] : memref<80x128xf32, #tpu.memory_space<vmem>>[vector<16xi32>, vector<16xi32>], vector<16xf32>,
        %gather3A_273 = arith.constant 0 : i32
        %gather3A_274 = arith.constant 0 : i32
        %gather3A_275 = tpu.memref_slice %arg10[%scan3A_94, %gather3A_273, %gather3A_274] : memref<3x80x128xf32, #tpu.memory_space<vmem>> -> memref<1x80x128xf32, #tpu.memory_space<vmem>>
        %gather3A_276 = tpu.memref_squeeze %gather3A_275 : memref<1x80x128xf32, #tpu.memory_space<vmem>> -> memref<80x128xf32, #tpu.memory_space<vmem>>
        %gather3A_277 = tpu.vector_load_idx %gather3A_276[%add3A_132, %and3A_267] : memref<80x128xf32, #tpu.memory_space<vmem>>[vector<16xi32>, vector<16xi32>], vector<16xf32>,
        %mul3A_278 = arith.mulf %gather3A_272, %gather3A_277 : vector<16xf32>
        %add3A_279 = arith.addf %add3A_207, %mul3A_278 : vector<16xf32>
        %add3A_280 = arith.constant 1 : i32
        %add3A_281 = vector.broadcast %add3A_280 : i32 to vector<16xi32>
        %add3A_282 = arith.addi %and3A_267, %add3A_281 : vector<16xi32>
        %and3A_283 = arith.constant 127 : i32
        %and3A_284 = vector.broadcast %and3A_283 : i32 to vector<16xi32>
        %and3A_285 = arith.andi %add3A_282, %and3A_284 : vector<16xi32>
        %gather3A_286 = arith.constant 0 : i32
        %gather3A_287 = arith.constant 0 : i32
        %gather3A_288 = tpu.memref_slice %arg9[%scan3A_93, %gather3A_286, %gather3A_287] : memref<3x80x128xf32, #tpu.memory_space<vmem>> -> memref<1x80x128xf32, #tpu.memory_space<vmem>>
        %gather3A_289 = tpu.memref_squeeze %gather3A_288 : memref<1x80x128xf32, #tpu.memory_space<vmem>> -> memref<80x128xf32, #tpu.memory_space<vmem>>
        %gather3A_290 = tpu.vector_load_idx %gather3A_289[%add3A_132, %and3A_285] : memref<80x128xf32, #tpu.memory_space<vmem>>[vector<16xi32>, vector<16xi32>], vector<16xf32>,
        %gather3A_291 = arith.constant 0 : i32
        %gather3A_292 = arith.constant 0 : i32
        %gather3A_293 = tpu.memref_slice %arg10[%scan3A_94, %gather3A_291, %gather3A_292] : memref<3x80x128xf32, #tpu.memory_space<vmem>> -> memref<1x80x128xf32, #tpu.memory_space<vmem>>
        %gather3A_294 = tpu.memref_squeeze %gather3A_293 : memref<1x80x128xf32, #tpu.memory_space<vmem>> -> memref<80x128xf32, #tpu.memory_space<vmem>>
        %gather3A_295 = tpu.vector_load_idx %gather3A_294[%add3A_132, %and3A_285] : memref<80x128xf32, #tpu.memory_space<vmem>>[vector<16xi32>, vector<16xi32>], vector<16xf32>,
        %mul3A_296 = arith.mulf %gather3A_290, %gather3A_295 : vector<16xf32>
        %add3A_297 = arith.addf %add3A_225, %mul3A_296 : vector<16xf32>
        %add3A_298 = arith.constant 1 : i32
        %add3A_299 = vector.broadcast %add3A_298 : i32 to vector<16xi32>
        %add3A_300 = arith.addi %and3A_285, %add3A_299 : vector<16xi32>
        %and3A_301 = arith.constant 127 : i32
        %and3A_302 = vector.broadcast %and3A_301 : i32 to vector<16xi32>
        %and3A_303 = arith.andi %add3A_300, %and3A_302 : vector<16xi32>
        %gather3A_304 = arith.constant 0 : i32
        %gather3A_305 = arith.constant 0 : i32
        %gather3A_306 = tpu.memref_slice %arg9[%scan3A_93, %gather3A_304, %gather3A_305] : memref<3x80x128xf32, #tpu.memory_space<vmem>> -> memref<1x80x128xf32, #tpu.memory_space<vmem>>
        %gather3A_307 = tpu.memref_squeeze %gather3A_306 : memref<1x80x128xf32, #tpu.memory_space<vmem>> -> memref<80x128xf32, #tpu.memory_space<vmem>>
        %gather3A_308 = tpu.vector_load_idx %gather3A_307[%add3A_132, %and3A_303] : memref<80x128xf32, #tpu.memory_space<vmem>>[vector<16xi32>, vector<16xi32>], vector<16xf32>,
        %gather3A_309 = arith.constant 0 : i32
        %gather3A_310 = arith.constant 0 : i32
        %gather3A_311 = tpu.memref_slice %arg10[%scan3A_94, %gather3A_309, %gather3A_310] : memref<3x80x128xf32, #tpu.memory_space<vmem>> -> memref<1x80x128xf32, #tpu.memory_space<vmem>>
        %gather3A_312 = tpu.memref_squeeze %gather3A_311 : memref<1x80x128xf32, #tpu.memory_space<vmem>> -> memref<80x128xf32, #tpu.memory_space<vmem>>
        %gather3A_313 = tpu.vector_load_idx %gather3A_312[%add3A_132, %and3A_303] : memref<80x128xf32, #tpu.memory_space<vmem>>[vector<16xi32>, vector<16xi32>], vector<16xf32>,
        %mul3A_314 = arith.mulf %gather3A_308, %gather3A_313 : vector<16xf32>
        %add3A_315 = arith.addf %add3A_243, %mul3A_314 : vector<16xf32>
        %add3A_316 = arith.constant 1 : i32
        %add3A_317 = vector.broadcast %add3A_316 : i32 to vector<16xi32>
        %add3A_318 = arith.addi %and3A_303, %add3A_317 : vector<16xi32>
        %and3A_319 = arith.constant 127 : i32
        %and3A_320 = vector.broadcast %and3A_319 : i32 to vector<16xi32>
        %and3A_321 = arith.andi %add3A_318, %and3A_320 : vector<16xi32>
        %gather3A_322 = arith.constant 0 : i32
        %gather3A_323 = arith.constant 0 : i32
        %gather3A_324 = tpu.memref_slice %arg9[%scan3A_93, %gather3A_322, %gather3A_323] : memref<3x80x128xf32, #tpu.memory_space<vmem>> -> memref<1x80x128xf32, #tpu.memory_space<vmem>>
        %gather3A_325 = tpu.memref_squeeze %gather3A_324 : memref<1x80x128xf32, #tpu.memory_space<vmem>> -> memref<80x128xf32, #tpu.memory_space<vmem>>
        %gather3A_326 = tpu.vector_load_idx %gather3A_325[%add3A_132, %and3A_321] : memref<80x128xf32, #tpu.memory_space<vmem>>[vector<16xi32>, vector<16xi32>], vector<16xf32>,
        %gather3A_327 = arith.constant 0 : i32
        %gather3A_328 = arith.constant 0 : i32
        %gather3A_329 = tpu.memref_slice %arg10[%scan3A_94, %gather3A_327, %gather3A_328] : memref<3x80x128xf32, #tpu.memory_space<vmem>> -> memref<1x80x128xf32, #tpu.memory_space<vmem>>
        %gather3A_330 = tpu.memref_squeeze %gather3A_329 : memref<1x80x128xf32, #tpu.memory_space<vmem>> -> memref<80x128xf32, #tpu.memory_space<vmem>>
        %gather3A_331 = tpu.vector_load_idx %gather3A_330[%add3A_132, %and3A_321] : memref<80x128xf32, #tpu.memory_space<vmem>>[vector<16xi32>, vector<16xi32>], vector<16xf32>,
        %mul3A_332 = arith.mulf %gather3A_326, %gather3A_331 : vector<16xf32>
        %add3A_333 = arith.addf %add3A_261, %mul3A_332 : vector<16xf32>
        %add3A_334 = arith.constant 1 : i32
        %add3A_335 = vector.broadcast %add3A_334 : i32 to vector<16xi32>
        %add3A_336 = arith.addi %and3A_321, %add3A_335 : vector<16xi32>
        %and3A_337 = arith.constant 127 : i32
        %and3A_338 = vector.broadcast %and3A_337 : i32 to vector<16xi32>
        %and3A_339 = arith.andi %add3A_336, %and3A_338 : vector<16xi32>
        %gather3A_340 = arith.constant 0 : i32
        %gather3A_341 = arith.constant 0 : i32
        %gather3A_342 = tpu.memref_slice %arg9[%scan3A_93, %gather3A_340, %gather3A_341] : memref<3x80x128xf32, #tpu.memory_space<vmem>> -> memref<1x80x128xf32, #tpu.memory_space<vmem>>
        %gather3A_343 = tpu.memref_squeeze %gather3A_342 : memref<1x80x128xf32, #tpu.memory_space<vmem>> -> memref<80x128xf32, #tpu.memory_space<vmem>>
        %gather3A_344 = tpu.vector_load_idx %gather3A_343[%add3A_132, %and3A_339] : memref<80x128xf32, #tpu.memory_space<vmem>>[vector<16xi32>, vector<16xi32>], vector<16xf32>,
        %gather3A_345 = arith.constant 0 : i32
        %gather3A_346 = arith.constant 0 : i32
        %gather3A_347 = tpu.memref_slice %arg10[%scan3A_94, %gather3A_345, %gather3A_346] : memref<3x80x128xf32, #tpu.memory_space<vmem>> -> memref<1x80x128xf32, #tpu.memory_space<vmem>>
        %gather3A_348 = tpu.memref_squeeze %gather3A_347 : memref<1x80x128xf32, #tpu.memory_space<vmem>> -> memref<80x128xf32, #tpu.memory_space<vmem>>
        %gather3A_349 = tpu.vector_load_idx %gather3A_348[%add3A_132, %and3A_339] : memref<80x128xf32, #tpu.memory_space<vmem>>[vector<16xi32>, vector<16xi32>], vector<16xf32>,
        %mul3A_350 = arith.mulf %gather3A_344, %gather3A_349 : vector<16xf32>
        %add3A_351 = arith.addf %add3A_279, %mul3A_350 : vector<16xf32>
        %add3A_352 = arith.constant 1 : i32
        %add3A_353 = vector.broadcast %add3A_352 : i32 to vector<16xi32>
        %add3A_354 = arith.addi %and3A_339, %add3A_353 : vector<16xi32>
        %and3A_355 = arith.constant 127 : i32
        %and3A_356 = vector.broadcast %and3A_355 : i32 to vector<16xi32>
        %and3A_357 = arith.andi %add3A_354, %and3A_356 : vector<16xi32>
        %gather3A_358 = arith.constant 0 : i32
        %gather3A_359 = arith.constant 0 : i32
        %gather3A_360 = tpu.memref_slice %arg9[%scan3A_93, %gather3A_358, %gather3A_359] : memref<3x80x128xf32, #tpu.memory_space<vmem>> -> memref<1x80x128xf32, #tpu.memory_space<vmem>>
        %gather3A_361 = tpu.memref_squeeze %gather3A_360 : memref<1x80x128xf32, #tpu.memory_space<vmem>> -> memref<80x128xf32, #tpu.memory_space<vmem>>
        %gather3A_362 = tpu.vector_load_idx %gather3A_361[%add3A_132, %and3A_357] : memref<80x128xf32, #tpu.memory_space<vmem>>[vector<16xi32>, vector<16xi32>], vector<16xf32>,
        %gather3A_363 = arith.constant 0 : i32
        %gather3A_364 = arith.constant 0 : i32
        %gather3A_365 = tpu.memref_slice %arg10[%scan3A_94, %gather3A_363, %gather3A_364] : memref<3x80x128xf32, #tpu.memory_space<vmem>> -> memref<1x80x128xf32, #tpu.memory_space<vmem>>
        %gather3A_366 = tpu.memref_squeeze %gather3A_365 : memref<1x80x128xf32, #tpu.memory_space<vmem>> -> memref<80x128xf32, #tpu.memory_space<vmem>>
        %gather3A_367 = tpu.vector_load_idx %gather3A_366[%add3A_132, %and3A_357] : memref<80x128xf32, #tpu.memory_space<vmem>>[vector<16xi32>, vector<16xi32>], vector<16xf32>,
        %mul3A_368 = arith.mulf %gather3A_362, %gather3A_367 : vector<16xf32>
        %add3A_369 = arith.addf %add3A_297, %mul3A_368 : vector<16xf32>
        %add3A_370 = arith.constant 1 : i32
        %add3A_371 = vector.broadcast %add3A_370 : i32 to vector<16xi32>
        %add3A_372 = arith.addi %and3A_357, %add3A_371 : vector<16xi32>
        %and3A_373 = arith.constant 127 : i32
        %and3A_374 = vector.broadcast %and3A_373 : i32 to vector<16xi32>
        %and3A_375 = arith.andi %add3A_372, %and3A_374 : vector<16xi32>
        %gather3A_376 = arith.constant 0 : i32
        %gather3A_377 = arith.constant 0 : i32
        %gather3A_378 = tpu.memref_slice %arg9[%scan3A_93, %gather3A_376, %gather3A_377] : memref<3x80x128xf32, #tpu.memory_space<vmem>> -> memref<1x80x128xf32, #tpu.memory_space<vmem>>
        %gather3A_379 = tpu.memref_squeeze %gather3A_378 : memref<1x80x128xf32, #tpu.memory_space<vmem>> -> memref<80x128xf32, #tpu.memory_space<vmem>>
        %gather3A_380 = tpu.vector_load_idx %gather3A_379[%add3A_132, %and3A_375] : memref<80x128xf32, #tpu.memory_space<vmem>>[vector<16xi32>, vector<16xi32>], vector<16xf32>,
        %gather3A_381 = arith.constant 0 : i32
        %gather3A_382 = arith.constant 0 : i32
        %gather3A_383 = tpu.memref_slice %arg10[%scan3A_94, %gather3A_381, %gather3A_382] : memref<3x80x128xf32, #tpu.memory_space<vmem>> -> memref<1x80x128xf32, #tpu.memory_space<vmem>>
        %gather3A_384 = tpu.memref_squeeze %gather3A_383 : memref<1x80x128xf32, #tpu.memory_space<vmem>> -> memref<80x128xf32, #tpu.memory_space<vmem>>
        %gather3A_385 = tpu.vector_load_idx %gather3A_384[%add3A_132, %and3A_375] : memref<80x128xf32, #tpu.memory_space<vmem>>[vector<16xi32>, vector<16xi32>], vector<16xf32>,
        %mul3A_386 = arith.mulf %gather3A_380, %gather3A_385 : vector<16xf32>
        %add3A_387 = arith.addf %add3A_315, %mul3A_386 : vector<16xf32>
        %add3A_388 = arith.constant 1 : i32
        %add3A_389 = vector.broadcast %add3A_388 : i32 to vector<16xi32>
        %add3A_390 = arith.addi %and3A_375, %add3A_389 : vector<16xi32>
        %and3A_391 = arith.constant 127 : i32
        %and3A_392 = vector.broadcast %and3A_391 : i32 to vector<16xi32>
        %and3A_393 = arith.andi %add3A_390, %and3A_392 : vector<16xi32>
        %gather3A_394 = arith.constant 0 : i32
        %gather3A_395 = arith.constant 0 : i32
        %gather3A_396 = tpu.memref_slice %arg9[%scan3A_93, %gather3A_394, %gather3A_395] : memref<3x80x128xf32, #tpu.memory_space<vmem>> -> memref<1x80x128xf32, #tpu.memory_space<vmem>>
        %gather3A_397 = tpu.memref_squeeze %gather3A_396 : memref<1x80x128xf32, #tpu.memory_space<vmem>> -> memref<80x128xf32, #tpu.memory_space<vmem>>
        %gather3A_398 = tpu.vector_load_idx %gather3A_397[%add3A_132, %and3A_393] : memref<80x128xf32, #tpu.memory_space<vmem>>[vector<16xi32>, vector<16xi32>], vector<16xf32>,
        %gather3A_399 = arith.constant 0 : i32
        %gather3A_400 = arith.constant 0 : i32
        %gather3A_401 = tpu.memref_slice %arg10[%scan3A_94, %gather3A_399, %gather3A_400] : memref<3x80x128xf32, #tpu.memory_space<vmem>> -> memref<1x80x128xf32, #tpu.memory_space<vmem>>
        %gather3A_402 = tpu.memref_squeeze %gather3A_401 : memref<1x80x128xf32, #tpu.memory_space<vmem>> -> memref<80x128xf32, #tpu.memory_space<vmem>>
        %gather3A_403 = tpu.vector_load_idx %gather3A_402[%add3A_132, %and3A_393] : memref<80x128xf32, #tpu.memory_space<vmem>>[vector<16xi32>, vector<16xi32>], vector<16xf32>,
        %mul3A_404 = arith.mulf %gather3A_398, %gather3A_403 : vector<16xf32>
        %add3A_405 = arith.addf %add3A_333, %mul3A_404 : vector<16xf32>
        %add3A_406 = arith.constant 1 : i32
        %add3A_407 = vector.broadcast %add3A_406 : i32 to vector<16xi32>
        %add3A_408 = arith.addi %and3A_393, %add3A_407 : vector<16xi32>
        %and3A_409 = arith.constant 127 : i32
        %and3A_410 = vector.broadcast %and3A_409 : i32 to vector<16xi32>
        %and3A_411 = arith.andi %add3A_408, %and3A_410 : vector<16xi32>
        %gather3A_412 = arith.constant 0 : i32
        %gather3A_413 = arith.constant 0 : i32
        %gather3A_414 = tpu.memref_slice %arg9[%scan3A_93, %gather3A_412, %gather3A_413] : memref<3x80x128xf32, #tpu.memory_space<vmem>> -> memref<1x80x128xf32, #tpu.memory_space<vmem>>
        %gather3A_415 = tpu.memref_squeeze %gather3A_414 : memref<1x80x128xf32, #tpu.memory_space<vmem>> -> memref<80x128xf32, #tpu.memory_space<vmem>>
        %gather3A_416 = tpu.vector_load_idx %gather3A_415[%add3A_132, %and3A_411] : memref<80x128xf32, #tpu.memory_space<vmem>>[vector<16xi32>, vector<16xi32>], vector<16xf32>,
        %gather3A_417 = arith.constant 0 : i32
        %gather3A_418 = arith.constant 0 : i32
        %gather3A_419 = tpu.memref_slice %arg10[%scan3A_94, %gather3A_417, %gather3A_418] : memref<3x80x128xf32, #tpu.memory_space<vmem>> -> memref<1x80x128xf32, #tpu.memory_space<vmem>>
        %gather3A_420 = tpu.memref_squeeze %gather3A_419 : memref<1x80x128xf32, #tpu.memory_space<vmem>> -> memref<80x128xf32, #tpu.memory_space<vmem>>
        %gather3A_421 = tpu.vector_load_idx %gather3A_420[%add3A_132, %and3A_411] : memref<80x128xf32, #tpu.memory_space<vmem>>[vector<16xi32>, vector<16xi32>], vector<16xf32>,
        %mul3A_422 = arith.mulf %gather3A_416, %gather3A_421 : vector<16xf32>
        %add3A_423 = arith.addf %add3A_351, %mul3A_422 : vector<16xf32>
        %add3A_424 = arith.constant 1 : i32
        %add3A_425 = vector.broadcast %add3A_424 : i32 to vector<16xi32>
        %add3A_426 = arith.addi %and3A_411, %add3A_425 : vector<16xi32>
        %and3A_427 = arith.constant 127 : i32
        %and3A_428 = vector.broadcast %and3A_427 : i32 to vector<16xi32>
        %and3A_429 = arith.andi %add3A_426, %and3A_428 : vector<16xi32>
        %gather3A_430 = arith.constant 0 : i32
        %gather3A_431 = arith.constant 0 : i32
        %gather3A_432 = tpu.memref_slice %arg9[%scan3A_93, %gather3A_430, %gather3A_431] : memref<3x80x128xf32, #tpu.memory_space<vmem>> -> memref<1x80x128xf32, #tpu.memory_space<vmem>>
        %gather3A_433 = tpu.memref_squeeze %gather3A_432 : memref<1x80x128xf32, #tpu.memory_space<vmem>> -> memref<80x128xf32, #tpu.memory_space<vmem>>
        %gather3A_434 = tpu.vector_load_idx %gather3A_433[%add3A_132, %and3A_429] : memref<80x128xf32, #tpu.memory_space<vmem>>[vector<16xi32>, vector<16xi32>], vector<16xf32>,
        %gather3A_435 = arith.constant 0 : i32
        %gather3A_436 = arith.constant 0 : i32
        %gather3A_437 = tpu.memref_slice %arg10[%scan3A_94, %gather3A_435, %gather3A_436] : memref<3x80x128xf32, #tpu.memory_space<vmem>> -> memref<1x80x128xf32, #tpu.memory_space<vmem>>
        %gather3A_438 = tpu.memref_squeeze %gather3A_437 : memref<1x80x128xf32, #tpu.memory_space<vmem>> -> memref<80x128xf32, #tpu.memory_space<vmem>>
        %gather3A_439 = tpu.vector_load_idx %gather3A_438[%add3A_132, %and3A_429] : memref<80x128xf32, #tpu.memory_space<vmem>>[vector<16xi32>, vector<16xi32>], vector<16xf32>,
        %mul3A_440 = arith.mulf %gather3A_434, %gather3A_439 : vector<16xf32>
        %add3A_441 = arith.addf %add3A_369, %mul3A_440 : vector<16xf32>
        %add3A_442 = arith.constant 1 : i32
        %add3A_443 = vector.broadcast %add3A_442 : i32 to vector<16xi32>
        %add3A_444 = arith.addi %and3A_429, %add3A_443 : vector<16xi32>
        %and3A_445 = arith.constant 127 : i32
        %and3A_446 = vector.broadcast %and3A_445 : i32 to vector<16xi32>
        %and3A_447 = arith.andi %add3A_444, %and3A_446 : vector<16xi32>
        scf.yield %add3A_387, %add3A_405, %add3A_423, %add3A_441, %and3A_447 : vector<16xf32>, vector<16xf32>, vector<16xf32>, vector<16xf32>, vector<16xi32>
      }
      %scan3A_139 = arith.constant 8 : i32
      %add3A_140 = arith.addf %scan3A_138#0, %scan3A_138#1 : vector<16xf32>
      %add3A_141 = arith.addf %scan3A_138#2, %scan3A_138#3 : vector<16xf32>
      %add3A_142 = arith.addf %add3A_140, %add3A_141 : vector<16xf32>
      %lt3A = arith.constant 1.000000e-01 : f32
      %lt3A_143 = vector.broadcast %lt3A : f32 to vector<16xf32>
      %lt3A_144 = arith.cmpf olt, %add3A_142, %lt3A_143 : vector<16xf32>
      %jit3A = arith.constant 0.000000e+00 : f32
      %broadcast_in_dim3A_145 = vector.broadcast %jit3A : f32 to vector<16xf32>
      %select_n3A = arith.select %lt3A_144, %broadcast_in_dim3A_145, %add3A_142 : vector<16xi1>, vector<16xf32>
      %mul3A_146 = arith.constant 16 : i32
      %mul3A_147 = arith.muli %scan3A_128, %mul3A_146 : i32
      %add3A_148 = arith.constant 9840 : i32
      %add3A_149 = arith.addi %add3A_148, %mul3A_147 : i32
      %swap3A = arith.index_cast %add3A_149 : i32 to index
      %swap3A_150 = tpu.vector_load %arg11[%swap3A] {strides = array<i32>} : memref<10000xf32, #tpu.memory_space<vmem>>, vector<16xf32>,
      tpu.vector_store %arg11[%swap3A], %select_n3A {strides = array<i32>} : memref<10000xf32, #tpu.memory_space<vmem>>, vector<16xf32>,
      %mul3A_151 = arith.constant 16 : i32
      %mul3A_152 = arith.muli %scan3A_128, %mul3A_151 : i32
      %add3A_153 = arith.constant 9840 : i32
      %add3A_154 = arith.addi %add3A_153, %mul3A_152 : i32
      %get3A = arith.index_cast %add3A_154 : i32 to index
      %get3A_155 = tpu.vector_load %arg7[%get3A] {strides = array<i32>} : memref<10000xi32, #tpu.memory_space<vmem>>, vector<16xi32>,
      tpu.vector_store_idx %arg12[%get3A_155], %select_n3A {add = true} : memref<10000xf32, #tpu.memory_space<vmem>>[vector<16xi32>], vector<16xf32>,
    }
    %scan3A_99 = arith.constant 5 : i32
    %dma_wait3A_100 = arith.constant 1 : i32
    %dma_wait3A_101 = arith.constant 0 : i32
    %dma_wait3A_102 = arith.constant 0 : i32
    %dma_wait3A_103 = tpu.memref_slice %arg9[%dma_wait3A_100, %dma_wait3A_101, %dma_wait3A_102] : memref<3x80x128xf32, #tpu.memory_space<vmem>> -> memref<1x80x128xf32, #tpu.memory_space<vmem>>
    %dma_wait3A_104 = tpu.memref_squeeze %dma_wait3A_103 : memref<1x80x128xf32, #tpu.memory_space<vmem>> -> memref<80x128xf32, #tpu.memory_space<vmem>>
    %dma_wait3A_105 = arith.constant 9920 : i32
    %dma_wait3A_106 = tpu.memref_slice %arg7[%dma_wait3A_105] : memref<10000xi32, #tpu.memory_space<vmem>> -> memref<80xi32, #tpu.memory_space<vmem>>
    %dma_wait3A_107 = arith.constant 0 : i32
    %dma_wait3A_108 = arith.constant 0 : i32
    %dma_wait3A_109 = tpu.memref_slice %arg2[%dma_wait3A_107, %dma_wait3A_108] : memref<10000x128xf32, #tpu.memory_space<hbm>> -> memref<10000x128xf32, #tpu.memory_space<hbm>>
    tpu.wait_indirect_dma semaphore(%arg14 : memref<!tpu.dma_semaphore, #tpu.memory_space<semaphore_mem>>) src(%dma_wait3A_109 : memref<10000x128xf32, #tpu.memory_space<hbm>>) dst(%dma_wait3A_104 : memref<80x128xf32, #tpu.memory_space<vmem>>)
    %dma_wait3A_110 = arith.constant 1 : i32
    %dma_wait3A_111 = arith.constant 0 : i32
    %dma_wait3A_112 = arith.constant 0 : i32
    %dma_wait3A_113 = tpu.memref_slice %arg10[%dma_wait3A_110, %dma_wait3A_111, %dma_wait3A_112] : memref<3x80x128xf32, #tpu.memory_space<vmem>> -> memref<1x80x128xf32, #tpu.memory_space<vmem>>
    %dma_wait3A_114 = tpu.memref_squeeze %dma_wait3A_113 : memref<1x80x128xf32, #tpu.memory_space<vmem>> -> memref<80x128xf32, #tpu.memory_space<vmem>>
    %dma_wait3A_115 = arith.constant 9920 : i32
    %dma_wait3A_116 = tpu.memref_slice %arg8[%dma_wait3A_115] : memref<10000xi32, #tpu.memory_space<vmem>> -> memref<80xi32, #tpu.memory_space<vmem>>
    %dma_wait3A_117 = arith.constant 0 : i32
    %dma_wait3A_118 = arith.constant 0 : i32
    %dma_wait3A_119 = tpu.memref_slice %arg2[%dma_wait3A_117, %dma_wait3A_118] : memref<10000x128xf32, #tpu.memory_space<hbm>> -> memref<10000x128xf32, #tpu.memory_space<hbm>>
    tpu.wait_indirect_dma semaphore(%arg17 : memref<!tpu.dma_semaphore, #tpu.memory_space<semaphore_mem>>) src(%dma_wait3A_119 : memref<10000x128xf32, #tpu.memory_space<hbm>>) dst(%dma_wait3A_114 : memref<80x128xf32, #tpu.memory_space<vmem>>)
    %scan3A_120 = arith.constant 0 : i32
    %scan3A_121 = arith.constant 1 : i32
    %scan3A_122 = arith.constant 1 : i32
    %scan3A_123 = arith.constant 0 : i32
    %scan3A_124 = arith.constant 5 : i32
    %scan3A_125 = arith.addi %scan3A_123, %scan3A_124 : i32
    %scan3A_126 = arith.constant 1 : i32
    scf.for %scan3A_128 = %scan3A_123 to %scan3A_125 step %scan3A_126  : i32 {
      %mul3A_129 = arith.constant 16 : i32
      %mul3A_130 = arith.muli %scan3A_128, %mul3A_129 : i32
      %add3A_131 = vector.broadcast %mul3A_130 : i32 to vector<16xi32>
      %add3A_132 = arith.addi %add3A_131, %iota3A : vector<16xi32>
      %broadcast_in_dim3A = arith.constant 0.000000e+00 : f32
      %broadcast_in_dim3A_133 = vector.broadcast %broadcast_in_dim3A : f32 to vector<16xf32>
      %scan3A_134 = arith.constant 0 : i32
      %scan3A_135 = arith.constant 8 : i32
      %scan3A_136 = arith.addi %scan3A_134, %scan3A_135 : i32
      %scan3A_137 = arith.constant 1 : i32
      %scan3A_138:5 = scf.for %scan3A_156 = %scan3A_134 to %scan3A_136 step %scan3A_137 iter_args(%scan3A_157 = %broadcast_in_dim3A_133, %scan3A_158 = %broadcast_in_dim3A_133, %scan3A_159 = %broadcast_in_dim3A_133, %scan3A_160 = %broadcast_in_dim3A_133, %scan3A_161 = %iota3A) -> (vector<16xf32>, vector<16xf32>, vector<16xf32>, vector<16xf32>, vector<16xi32>)  : i32 {
        %gather3A = arith.constant 0 : i32
        %gather3A_162 = arith.constant 0 : i32
        %gather3A_163 = tpu.memref_slice %arg9[%scan3A_121, %gather3A, %gather3A_162] : memref<3x80x128xf32, #tpu.memory_space<vmem>> -> memref<1x80x128xf32, #tpu.memory_space<vmem>>
        %gather3A_164 = tpu.memref_squeeze %gather3A_163 : memref<1x80x128xf32, #tpu.memory_space<vmem>> -> memref<80x128xf32, #tpu.memory_space<vmem>>
        %gather3A_165 = tpu.vector_load_idx %gather3A_164[%add3A_132, %scan3A_161] : memref<80x128xf32, #tpu.memory_space<vmem>>[vector<16xi32>, vector<16xi32>], vector<16xf32>,
        %gather3A_166 = arith.constant 0 : i32
        %gather3A_167 = arith.constant 0 : i32
        %gather3A_168 = tpu.memref_slice %arg10[%scan3A_122, %gather3A_166, %gather3A_167] : memref<3x80x128xf32, #tpu.memory_space<vmem>> -> memref<1x80x128xf32, #tpu.memory_space<vmem>>
        %gather3A_169 = tpu.memref_squeeze %gather3A_168 : memref<1x80x128xf32, #tpu.memory_space<vmem>> -> memref<80x128xf32, #tpu.memory_space<vmem>>
        %gather3A_170 = tpu.vector_load_idx %gather3A_169[%add3A_132, %scan3A_161] : memref<80x128xf32, #tpu.memory_space<vmem>>[vector<16xi32>, vector<16xi32>], vector<16xf32>,
        %mul3A_171 = arith.mulf %gather3A_165, %gather3A_170 : vector<16xf32>
        %add3A_172 = arith.addf %scan3A_157, %mul3A_171 : vector<16xf32>
        %add3A_173 = arith.constant 1 : i32
        %add3A_174 = vector.broadcast %add3A_173 : i32 to vector<16xi32>
        %add3A_175 = arith.addi %scan3A_161, %add3A_174 : vector<16xi32>
        %and3A = arith.constant 127 : i32
        %and3A_176 = vector.broadcast %and3A : i32 to vector<16xi32>
        %and3A_177 = arith.andi %add3A_175, %and3A_176 : vector<16xi32>
        %gather3A_178 = arith.constant 0 : i32
        %gather3A_179 = arith.constant 0 : i32
        %gather3A_180 = tpu.memref_slice %arg9[%scan3A_121, %gather3A_178, %gather3A_179] : memref<3x80x128xf32, #tpu.memory_space<vmem>> -> memref<1x80x128xf32, #tpu.memory_space<vmem>>
        %gather3A_181 = tpu.memref_squeeze %gather3A_180 : memref<1x80x128xf32, #tpu.memory_space<vmem>> -> memref<80x128xf32, #tpu.memory_space<vmem>>
        %gather3A_182 = tpu.vector_load_idx %gather3A_181[%add3A_132, %and3A_177] : memref<80x128xf32, #tpu.memory_space<vmem>>[vector<16xi32>, vector<16xi32>], vector<16xf32>,
        %gather3A_183 = arith.constant 0 : i32
        %gather3A_184 = arith.constant 0 : i32
        %gather3A_185 = tpu.memref_slice %arg10[%scan3A_122, %gather3A_183, %gather3A_184] : memref<3x80x128xf32, #tpu.memory_space<vmem>> -> memref<1x80x128xf32, #tpu.memory_space<vmem>>
        %gather3A_186 = tpu.memref_squeeze %gather3A_185 : memref<1x80x128xf32, #tpu.memory_space<vmem>> -> memref<80x128xf32, #tpu.memory_space<vmem>>
        %gather3A_187 = tpu.vector_load_idx %gather3A_186[%add3A_132, %and3A_177] : memref<80x128xf32, #tpu.memory_space<vmem>>[vector<16xi32>, vector<16xi32>], vector<16xf32>,
        %mul3A_188 = arith.mulf %gather3A_182, %gather3A_187 : vector<16xf32>
        %add3A_189 = arith.addf %scan3A_158, %mul3A_188 : vector<16xf32>
        %add3A_190 = arith.constant 1 : i32
        %add3A_191 = vector.broadcast %add3A_190 : i32 to vector<16xi32>
        %add3A_192 = arith.addi %and3A_177, %add3A_191 : vector<16xi32>
        %and3A_193 = arith.constant 127 : i32
        %and3A_194 = vector.broadcast %and3A_193 : i32 to vector<16xi32>
        %and3A_195 = arith.andi %add3A_192, %and3A_194 : vector<16xi32>
        %gather3A_196 = arith.constant 0 : i32
        %gather3A_197 = arith.constant 0 : i32
        %gather3A_198 = tpu.memref_slice %arg9[%scan3A_121, %gather3A_196, %gather3A_197] : memref<3x80x128xf32, #tpu.memory_space<vmem>> -> memref<1x80x128xf32, #tpu.memory_space<vmem>>
        %gather3A_199 = tpu.memref_squeeze %gather3A_198 : memref<1x80x128xf32, #tpu.memory_space<vmem>> -> memref<80x128xf32, #tpu.memory_space<vmem>>
        %gather3A_200 = tpu.vector_load_idx %gather3A_199[%add3A_132, %and3A_195] : memref<80x128xf32, #tpu.memory_space<vmem>>[vector<16xi32>, vector<16xi32>], vector<16xf32>,
        %gather3A_201 = arith.constant 0 : i32
        %gather3A_202 = arith.constant 0 : i32
        %gather3A_203 = tpu.memref_slice %arg10[%scan3A_122, %gather3A_201, %gather3A_202] : memref<3x80x128xf32, #tpu.memory_space<vmem>> -> memref<1x80x128xf32, #tpu.memory_space<vmem>>
        %gather3A_204 = tpu.memref_squeeze %gather3A_203 : memref<1x80x128xf32, #tpu.memory_space<vmem>> -> memref<80x128xf32, #tpu.memory_space<vmem>>
        %gather3A_205 = tpu.vector_load_idx %gather3A_204[%add3A_132, %and3A_195] : memref<80x128xf32, #tpu.memory_space<vmem>>[vector<16xi32>, vector<16xi32>], vector<16xf32>,
        %mul3A_206 = arith.mulf %gather3A_200, %gather3A_205 : vector<16xf32>
        %add3A_207 = arith.addf %scan3A_159, %mul3A_206 : vector<16xf32>
        %add3A_208 = arith.constant 1 : i32
        %add3A_209 = vector.broadcast %add3A_208 : i32 to vector<16xi32>
        %add3A_210 = arith.addi %and3A_195, %add3A_209 : vector<16xi32>
        %and3A_211 = arith.constant 127 : i32
        %and3A_212 = vector.broadcast %and3A_211 : i32 to vector<16xi32>
        %and3A_213 = arith.andi %add3A_210, %and3A_212 : vector<16xi32>
        %gather3A_214 = arith.constant 0 : i32
        %gather3A_215 = arith.constant 0 : i32
        %gather3A_216 = tpu.memref_slice %arg9[%scan3A_121, %gather3A_214, %gather3A_215] : memref<3x80x128xf32, #tpu.memory_space<vmem>> -> memref<1x80x128xf32, #tpu.memory_space<vmem>>
        %gather3A_217 = tpu.memref_squeeze %gather3A_216 : memref<1x80x128xf32, #tpu.memory_space<vmem>> -> memref<80x128xf32, #tpu.memory_space<vmem>>
        %gather3A_218 = tpu.vector_load_idx %gather3A_217[%add3A_132, %and3A_213] : memref<80x128xf32, #tpu.memory_space<vmem>>[vector<16xi32>, vector<16xi32>], vector<16xf32>,
        %gather3A_219 = arith.constant 0 : i32
        %gather3A_220 = arith.constant 0 : i32
        %gather3A_221 = tpu.memref_slice %arg10[%scan3A_122, %gather3A_219, %gather3A_220] : memref<3x80x128xf32, #tpu.memory_space<vmem>> -> memref<1x80x128xf32, #tpu.memory_space<vmem>>
        %gather3A_222 = tpu.memref_squeeze %gather3A_221 : memref<1x80x128xf32, #tpu.memory_space<vmem>> -> memref<80x128xf32, #tpu.memory_space<vmem>>
        %gather3A_223 = tpu.vector_load_idx %gather3A_222[%add3A_132, %and3A_213] : memref<80x128xf32, #tpu.memory_space<vmem>>[vector<16xi32>, vector<16xi32>], vector<16xf32>,
        %mul3A_224 = arith.mulf %gather3A_218, %gather3A_223 : vector<16xf32>
        %add3A_225 = arith.addf %scan3A_160, %mul3A_224 : vector<16xf32>
        %add3A_226 = arith.constant 1 : i32
        %add3A_227 = vector.broadcast %add3A_226 : i32 to vector<16xi32>
        %add3A_228 = arith.addi %and3A_213, %add3A_227 : vector<16xi32>
        %and3A_229 = arith.constant 127 : i32
        %and3A_230 = vector.broadcast %and3A_229 : i32 to vector<16xi32>
        %and3A_231 = arith.andi %add3A_228, %and3A_230 : vector<16xi32>
        %gather3A_232 = arith.constant 0 : i32
        %gather3A_233 = arith.constant 0 : i32
        %gather3A_234 = tpu.memref_slice %arg9[%scan3A_121, %gather3A_232, %gather3A_233] : memref<3x80x128xf32, #tpu.memory_space<vmem>> -> memref<1x80x128xf32, #tpu.memory_space<vmem>>
        %gather3A_235 = tpu.memref_squeeze %gather3A_234 : memref<1x80x128xf32, #tpu.memory_space<vmem>> -> memref<80x128xf32, #tpu.memory_space<vmem>>
        %gather3A_236 = tpu.vector_load_idx %gather3A_235[%add3A_132, %and3A_231] : memref<80x128xf32, #tpu.memory_space<vmem>>[vector<16xi32>, vector<16xi32>], vector<16xf32>,
        %gather3A_237 = arith.constant 0 : i32
        %gather3A_238 = arith.constant 0 : i32
        %gather3A_239 = tpu.memref_slice %arg10[%scan3A_122, %gather3A_237, %gather3A_238] : memref<3x80x128xf32, #tpu.memory_space<vmem>> -> memref<1x80x128xf32, #tpu.memory_space<vmem>>
        %gather3A_240 = tpu.memref_squeeze %gather3A_239 : memref<1x80x128xf32, #tpu.memory_space<vmem>> -> memref<80x128xf32, #tpu.memory_space<vmem>>
        %gather3A_241 = tpu.vector_load_idx %gather3A_240[%add3A_132, %and3A_231] : memref<80x128xf32, #tpu.memory_space<vmem>>[vector<16xi32>, vector<16xi32>], vector<16xf32>,
        %mul3A_242 = arith.mulf %gather3A_236, %gather3A_241 : vector<16xf32>
        %add3A_243 = arith.addf %add3A_172, %mul3A_242 : vector<16xf32>
        %add3A_244 = arith.constant 1 : i32
        %add3A_245 = vector.broadcast %add3A_244 : i32 to vector<16xi32>
        %add3A_246 = arith.addi %and3A_231, %add3A_245 : vector<16xi32>
        %and3A_247 = arith.constant 127 : i32
        %and3A_248 = vector.broadcast %and3A_247 : i32 to vector<16xi32>
        %and3A_249 = arith.andi %add3A_246, %and3A_248 : vector<16xi32>
        %gather3A_250 = arith.constant 0 : i32
        %gather3A_251 = arith.constant 0 : i32
        %gather3A_252 = tpu.memref_slice %arg9[%scan3A_121, %gather3A_250, %gather3A_251] : memref<3x80x128xf32, #tpu.memory_space<vmem>> -> memref<1x80x128xf32, #tpu.memory_space<vmem>>
        %gather3A_253 = tpu.memref_squeeze %gather3A_252 : memref<1x80x128xf32, #tpu.memory_space<vmem>> -> memref<80x128xf32, #tpu.memory_space<vmem>>
        %gather3A_254 = tpu.vector_load_idx %gather3A_253[%add3A_132, %and3A_249] : memref<80x128xf32, #tpu.memory_space<vmem>>[vector<16xi32>, vector<16xi32>], vector<16xf32>,
        %gather3A_255 = arith.constant 0 : i32
        %gather3A_256 = arith.constant 0 : i32
        %gather3A_257 = tpu.memref_slice %arg10[%scan3A_122, %gather3A_255, %gather3A_256] : memref<3x80x128xf32, #tpu.memory_space<vmem>> -> memref<1x80x128xf32, #tpu.memory_space<vmem>>
        %gather3A_258 = tpu.memref_squeeze %gather3A_257 : memref<1x80x128xf32, #tpu.memory_space<vmem>> -> memref<80x128xf32, #tpu.memory_space<vmem>>
        %gather3A_259 = tpu.vector_load_idx %gather3A_258[%add3A_132, %and3A_249] : memref<80x128xf32, #tpu.memory_space<vmem>>[vector<16xi32>, vector<16xi32>], vector<16xf32>,
        %mul3A_260 = arith.mulf %gather3A_254, %gather3A_259 : vector<16xf32>
        %add3A_261 = arith.addf %add3A_189, %mul3A_260 : vector<16xf32>
        %add3A_262 = arith.constant 1 : i32
        %add3A_263 = vector.broadcast %add3A_262 : i32 to vector<16xi32>
        %add3A_264 = arith.addi %and3A_249, %add3A_263 : vector<16xi32>
        %and3A_265 = arith.constant 127 : i32
        %and3A_266 = vector.broadcast %and3A_265 : i32 to vector<16xi32>
        %and3A_267 = arith.andi %add3A_264, %and3A_266 : vector<16xi32>
        %gather3A_268 = arith.constant 0 : i32
        %gather3A_269 = arith.constant 0 : i32
        %gather3A_270 = tpu.memref_slice %arg9[%scan3A_121, %gather3A_268, %gather3A_269] : memref<3x80x128xf32, #tpu.memory_space<vmem>> -> memref<1x80x128xf32, #tpu.memory_space<vmem>>
        %gather3A_271 = tpu.memref_squeeze %gather3A_270 : memref<1x80x128xf32, #tpu.memory_space<vmem>> -> memref<80x128xf32, #tpu.memory_space<vmem>>
        %gather3A_272 = tpu.vector_load_idx %gather3A_271[%add3A_132, %and3A_267] : memref<80x128xf32, #tpu.memory_space<vmem>>[vector<16xi32>, vector<16xi32>], vector<16xf32>,
        %gather3A_273 = arith.constant 0 : i32
        %gather3A_274 = arith.constant 0 : i32
        %gather3A_275 = tpu.memref_slice %arg10[%scan3A_122, %gather3A_273, %gather3A_274] : memref<3x80x128xf32, #tpu.memory_space<vmem>> -> memref<1x80x128xf32, #tpu.memory_space<vmem>>
        %gather3A_276 = tpu.memref_squeeze %gather3A_275 : memref<1x80x128xf32, #tpu.memory_space<vmem>> -> memref<80x128xf32, #tpu.memory_space<vmem>>
        %gather3A_277 = tpu.vector_load_idx %gather3A_276[%add3A_132, %and3A_267] : memref<80x128xf32, #tpu.memory_space<vmem>>[vector<16xi32>, vector<16xi32>], vector<16xf32>,
        %mul3A_278 = arith.mulf %gather3A_272, %gather3A_277 : vector<16xf32>
        %add3A_279 = arith.addf %add3A_207, %mul3A_278 : vector<16xf32>
        %add3A_280 = arith.constant 1 : i32
        %add3A_281 = vector.broadcast %add3A_280 : i32 to vector<16xi32>
        %add3A_282 = arith.addi %and3A_267, %add3A_281 : vector<16xi32>
        %and3A_283 = arith.constant 127 : i32
        %and3A_284 = vector.broadcast %and3A_283 : i32 to vector<16xi32>
        %and3A_285 = arith.andi %add3A_282, %and3A_284 : vector<16xi32>
        %gather3A_286 = arith.constant 0 : i32
        %gather3A_287 = arith.constant 0 : i32
        %gather3A_288 = tpu.memref_slice %arg9[%scan3A_121, %gather3A_286, %gather3A_287] : memref<3x80x128xf32, #tpu.memory_space<vmem>> -> memref<1x80x128xf32, #tpu.memory_space<vmem>>
        %gather3A_289 = tpu.memref_squeeze %gather3A_288 : memref<1x80x128xf32, #tpu.memory_space<vmem>> -> memref<80x128xf32, #tpu.memory_space<vmem>>
        %gather3A_290 = tpu.vector_load_idx %gather3A_289[%add3A_132, %and3A_285] : memref<80x128xf32, #tpu.memory_space<vmem>>[vector<16xi32>, vector<16xi32>], vector<16xf32>,
        %gather3A_291 = arith.constant 0 : i32
        %gather3A_292 = arith.constant 0 : i32
        %gather3A_293 = tpu.memref_slice %arg10[%scan3A_122, %gather3A_291, %gather3A_292] : memref<3x80x128xf32, #tpu.memory_space<vmem>> -> memref<1x80x128xf32, #tpu.memory_space<vmem>>
        %gather3A_294 = tpu.memref_squeeze %gather3A_293 : memref<1x80x128xf32, #tpu.memory_space<vmem>> -> memref<80x128xf32, #tpu.memory_space<vmem>>
        %gather3A_295 = tpu.vector_load_idx %gather3A_294[%add3A_132, %and3A_285] : memref<80x128xf32, #tpu.memory_space<vmem>>[vector<16xi32>, vector<16xi32>], vector<16xf32>,
        %mul3A_296 = arith.mulf %gather3A_290, %gather3A_295 : vector<16xf32>
        %add3A_297 = arith.addf %add3A_225, %mul3A_296 : vector<16xf32>
        %add3A_298 = arith.constant 1 : i32
        %add3A_299 = vector.broadcast %add3A_298 : i32 to vector<16xi32>
        %add3A_300 = arith.addi %and3A_285, %add3A_299 : vector<16xi32>
        %and3A_301 = arith.constant 127 : i32
        %and3A_302 = vector.broadcast %and3A_301 : i32 to vector<16xi32>
        %and3A_303 = arith.andi %add3A_300, %and3A_302 : vector<16xi32>
        %gather3A_304 = arith.constant 0 : i32
        %gather3A_305 = arith.constant 0 : i32
        %gather3A_306 = tpu.memref_slice %arg9[%scan3A_121, %gather3A_304, %gather3A_305] : memref<3x80x128xf32, #tpu.memory_space<vmem>> -> memref<1x80x128xf32, #tpu.memory_space<vmem>>
        %gather3A_307 = tpu.memref_squeeze %gather3A_306 : memref<1x80x128xf32, #tpu.memory_space<vmem>> -> memref<80x128xf32, #tpu.memory_space<vmem>>
        %gather3A_308 = tpu.vector_load_idx %gather3A_307[%add3A_132, %and3A_303] : memref<80x128xf32, #tpu.memory_space<vmem>>[vector<16xi32>, vector<16xi32>], vector<16xf32>,
        %gather3A_309 = arith.constant 0 : i32
        %gather3A_310 = arith.constant 0 : i32
        %gather3A_311 = tpu.memref_slice %arg10[%scan3A_122, %gather3A_309, %gather3A_310] : memref<3x80x128xf32, #tpu.memory_space<vmem>> -> memref<1x80x128xf32, #tpu.memory_space<vmem>>
        %gather3A_312 = tpu.memref_squeeze %gather3A_311 : memref<1x80x128xf32, #tpu.memory_space<vmem>> -> memref<80x128xf32, #tpu.memory_space<vmem>>
        %gather3A_313 = tpu.vector_load_idx %gather3A_312[%add3A_132, %and3A_303] : memref<80x128xf32, #tpu.memory_space<vmem>>[vector<16xi32>, vector<16xi32>], vector<16xf32>,
        %mul3A_314 = arith.mulf %gather3A_308, %gather3A_313 : vector<16xf32>
        %add3A_315 = arith.addf %add3A_243, %mul3A_314 : vector<16xf32>
        %add3A_316 = arith.constant 1 : i32
        %add3A_317 = vector.broadcast %add3A_316 : i32 to vector<16xi32>
        %add3A_318 = arith.addi %and3A_303, %add3A_317 : vector<16xi32>
        %and3A_319 = arith.constant 127 : i32
        %and3A_320 = vector.broadcast %and3A_319 : i32 to vector<16xi32>
        %and3A_321 = arith.andi %add3A_318, %and3A_320 : vector<16xi32>
        %gather3A_322 = arith.constant 0 : i32
        %gather3A_323 = arith.constant 0 : i32
        %gather3A_324 = tpu.memref_slice %arg9[%scan3A_121, %gather3A_322, %gather3A_323] : memref<3x80x128xf32, #tpu.memory_space<vmem>> -> memref<1x80x128xf32, #tpu.memory_space<vmem>>
        %gather3A_325 = tpu.memref_squeeze %gather3A_324 : memref<1x80x128xf32, #tpu.memory_space<vmem>> -> memref<80x128xf32, #tpu.memory_space<vmem>>
        %gather3A_326 = tpu.vector_load_idx %gather3A_325[%add3A_132, %and3A_321] : memref<80x128xf32, #tpu.memory_space<vmem>>[vector<16xi32>, vector<16xi32>], vector<16xf32>,
        %gather3A_327 = arith.constant 0 : i32
        %gather3A_328 = arith.constant 0 : i32
        %gather3A_329 = tpu.memref_slice %arg10[%scan3A_122, %gather3A_327, %gather3A_328] : memref<3x80x128xf32, #tpu.memory_space<vmem>> -> memref<1x80x128xf32, #tpu.memory_space<vmem>>
        %gather3A_330 = tpu.memref_squeeze %gather3A_329 : memref<1x80x128xf32, #tpu.memory_space<vmem>> -> memref<80x128xf32, #tpu.memory_space<vmem>>
        %gather3A_331 = tpu.vector_load_idx %gather3A_330[%add3A_132, %and3A_321] : memref<80x128xf32, #tpu.memory_space<vmem>>[vector<16xi32>, vector<16xi32>], vector<16xf32>,
        %mul3A_332 = arith.mulf %gather3A_326, %gather3A_331 : vector<16xf32>
        %add3A_333 = arith.addf %add3A_261, %mul3A_332 : vector<16xf32>
        %add3A_334 = arith.constant 1 : i32
        %add3A_335 = vector.broadcast %add3A_334 : i32 to vector<16xi32>
        %add3A_336 = arith.addi %and3A_321, %add3A_335 : vector<16xi32>
        %and3A_337 = arith.constant 127 : i32
        %and3A_338 = vector.broadcast %and3A_337 : i32 to vector<16xi32>
        %and3A_339 = arith.andi %add3A_336, %and3A_338 : vector<16xi32>
        %gather3A_340 = arith.constant 0 : i32
        %gather3A_341 = arith.constant 0 : i32
        %gather3A_342 = tpu.memref_slice %arg9[%scan3A_121, %gather3A_340, %gather3A_341] : memref<3x80x128xf32, #tpu.memory_space<vmem>> -> memref<1x80x128xf32, #tpu.memory_space<vmem>>
        %gather3A_343 = tpu.memref_squeeze %gather3A_342 : memref<1x80x128xf32, #tpu.memory_space<vmem>> -> memref<80x128xf32, #tpu.memory_space<vmem>>
        %gather3A_344 = tpu.vector_load_idx %gather3A_343[%add3A_132, %and3A_339] : memref<80x128xf32, #tpu.memory_space<vmem>>[vector<16xi32>, vector<16xi32>], vector<16xf32>,
        %gather3A_345 = arith.constant 0 : i32
        %gather3A_346 = arith.constant 0 : i32
        %gather3A_347 = tpu.memref_slice %arg10[%scan3A_122, %gather3A_345, %gather3A_346] : memref<3x80x128xf32, #tpu.memory_space<vmem>> -> memref<1x80x128xf32, #tpu.memory_space<vmem>>
        %gather3A_348 = tpu.memref_squeeze %gather3A_347 : memref<1x80x128xf32, #tpu.memory_space<vmem>> -> memref<80x128xf32, #tpu.memory_space<vmem>>
        %gather3A_349 = tpu.vector_load_idx %gather3A_348[%add3A_132, %and3A_339] : memref<80x128xf32, #tpu.memory_space<vmem>>[vector<16xi32>, vector<16xi32>], vector<16xf32>,
        %mul3A_350 = arith.mulf %gather3A_344, %gather3A_349 : vector<16xf32>
        %add3A_351 = arith.addf %add3A_279, %mul3A_350 : vector<16xf32>
        %add3A_352 = arith.constant 1 : i32
        %add3A_353 = vector.broadcast %add3A_352 : i32 to vector<16xi32>
        %add3A_354 = arith.addi %and3A_339, %add3A_353 : vector<16xi32>
        %and3A_355 = arith.constant 127 : i32
        %and3A_356 = vector.broadcast %and3A_355 : i32 to vector<16xi32>
        %and3A_357 = arith.andi %add3A_354, %and3A_356 : vector<16xi32>
        %gather3A_358 = arith.constant 0 : i32
        %gather3A_359 = arith.constant 0 : i32
        %gather3A_360 = tpu.memref_slice %arg9[%scan3A_121, %gather3A_358, %gather3A_359] : memref<3x80x128xf32, #tpu.memory_space<vmem>> -> memref<1x80x128xf32, #tpu.memory_space<vmem>>
        %gather3A_361 = tpu.memref_squeeze %gather3A_360 : memref<1x80x128xf32, #tpu.memory_space<vmem>> -> memref<80x128xf32, #tpu.memory_space<vmem>>
        %gather3A_362 = tpu.vector_load_idx %gather3A_361[%add3A_132, %and3A_357] : memref<80x128xf32, #tpu.memory_space<vmem>>[vector<16xi32>, vector<16xi32>], vector<16xf32>,
        %gather3A_363 = arith.constant 0 : i32
        %gather3A_364 = arith.constant 0 : i32
        %gather3A_365 = tpu.memref_slice %arg10[%scan3A_122, %gather3A_363, %gather3A_364] : memref<3x80x128xf32, #tpu.memory_space<vmem>> -> memref<1x80x128xf32, #tpu.memory_space<vmem>>
        %gather3A_366 = tpu.memref_squeeze %gather3A_365 : memref<1x80x128xf32, #tpu.memory_space<vmem>> -> memref<80x128xf32, #tpu.memory_space<vmem>>
        %gather3A_367 = tpu.vector_load_idx %gather3A_366[%add3A_132, %and3A_357] : memref<80x128xf32, #tpu.memory_space<vmem>>[vector<16xi32>, vector<16xi32>], vector<16xf32>,
        %mul3A_368 = arith.mulf %gather3A_362, %gather3A_367 : vector<16xf32>
        %add3A_369 = arith.addf %add3A_297, %mul3A_368 : vector<16xf32>
        %add3A_370 = arith.constant 1 : i32
        %add3A_371 = vector.broadcast %add3A_370 : i32 to vector<16xi32>
        %add3A_372 = arith.addi %and3A_357, %add3A_371 : vector<16xi32>
        %and3A_373 = arith.constant 127 : i32
        %and3A_374 = vector.broadcast %and3A_373 : i32 to vector<16xi32>
        %and3A_375 = arith.andi %add3A_372, %and3A_374 : vector<16xi32>
        %gather3A_376 = arith.constant 0 : i32
        %gather3A_377 = arith.constant 0 : i32
        %gather3A_378 = tpu.memref_slice %arg9[%scan3A_121, %gather3A_376, %gather3A_377] : memref<3x80x128xf32, #tpu.memory_space<vmem>> -> memref<1x80x128xf32, #tpu.memory_space<vmem>>
        %gather3A_379 = tpu.memref_squeeze %gather3A_378 : memref<1x80x128xf32, #tpu.memory_space<vmem>> -> memref<80x128xf32, #tpu.memory_space<vmem>>
        %gather3A_380 = tpu.vector_load_idx %gather3A_379[%add3A_132, %and3A_375] : memref<80x128xf32, #tpu.memory_space<vmem>>[vector<16xi32>, vector<16xi32>], vector<16xf32>,
        %gather3A_381 = arith.constant 0 : i32
        %gather3A_382 = arith.constant 0 : i32
        %gather3A_383 = tpu.memref_slice %arg10[%scan3A_122, %gather3A_381, %gather3A_382] : memref<3x80x128xf32, #tpu.memory_space<vmem>> -> memref<1x80x128xf32, #tpu.memory_space<vmem>>
        %gather3A_384 = tpu.memref_squeeze %gather3A_383 : memref<1x80x128xf32, #tpu.memory_space<vmem>> -> memref<80x128xf32, #tpu.memory_space<vmem>>
        %gather3A_385 = tpu.vector_load_idx %gather3A_384[%add3A_132, %and3A_375] : memref<80x128xf32, #tpu.memory_space<vmem>>[vector<16xi32>, vector<16xi32>], vector<16xf32>,
        %mul3A_386 = arith.mulf %gather3A_380, %gather3A_385 : vector<16xf32>
        %add3A_387 = arith.addf %add3A_315, %mul3A_386 : vector<16xf32>
        %add3A_388 = arith.constant 1 : i32
        %add3A_389 = vector.broadcast %add3A_388 : i32 to vector<16xi32>
        %add3A_390 = arith.addi %and3A_375, %add3A_389 : vector<16xi32>
        %and3A_391 = arith.constant 127 : i32
        %and3A_392 = vector.broadcast %and3A_391 : i32 to vector<16xi32>
        %and3A_393 = arith.andi %add3A_390, %and3A_392 : vector<16xi32>
        %gather3A_394 = arith.constant 0 : i32
        %gather3A_395 = arith.constant 0 : i32
        %gather3A_396 = tpu.memref_slice %arg9[%scan3A_121, %gather3A_394, %gather3A_395] : memref<3x80x128xf32, #tpu.memory_space<vmem>> -> memref<1x80x128xf32, #tpu.memory_space<vmem>>
        %gather3A_397 = tpu.memref_squeeze %gather3A_396 : memref<1x80x128xf32, #tpu.memory_space<vmem>> -> memref<80x128xf32, #tpu.memory_space<vmem>>
        %gather3A_398 = tpu.vector_load_idx %gather3A_397[%add3A_132, %and3A_393] : memref<80x128xf32, #tpu.memory_space<vmem>>[vector<16xi32>, vector<16xi32>], vector<16xf32>,
        %gather3A_399 = arith.constant 0 : i32
        %gather3A_400 = arith.constant 0 : i32
        %gather3A_401 = tpu.memref_slice %arg10[%scan3A_122, %gather3A_399, %gather3A_400] : memref<3x80x128xf32, #tpu.memory_space<vmem>> -> memref<1x80x128xf32, #tpu.memory_space<vmem>>
        %gather3A_402 = tpu.memref_squeeze %gather3A_401 : memref<1x80x128xf32, #tpu.memory_space<vmem>> -> memref<80x128xf32, #tpu.memory_space<vmem>>
        %gather3A_403 = tpu.vector_load_idx %gather3A_402[%add3A_132, %and3A_393] : memref<80x128xf32, #tpu.memory_space<vmem>>[vector<16xi32>, vector<16xi32>], vector<16xf32>,
        %mul3A_404 = arith.mulf %gather3A_398, %gather3A_403 : vector<16xf32>
        %add3A_405 = arith.addf %add3A_333, %mul3A_404 : vector<16xf32>
        %add3A_406 = arith.constant 1 : i32
        %add3A_407 = vector.broadcast %add3A_406 : i32 to vector<16xi32>
        %add3A_408 = arith.addi %and3A_393, %add3A_407 : vector<16xi32>
        %and3A_409 = arith.constant 127 : i32
        %and3A_410 = vector.broadcast %and3A_409 : i32 to vector<16xi32>
        %and3A_411 = arith.andi %add3A_408, %and3A_410 : vector<16xi32>
        %gather3A_412 = arith.constant 0 : i32
        %gather3A_413 = arith.constant 0 : i32
        %gather3A_414 = tpu.memref_slice %arg9[%scan3A_121, %gather3A_412, %gather3A_413] : memref<3x80x128xf32, #tpu.memory_space<vmem>> -> memref<1x80x128xf32, #tpu.memory_space<vmem>>
        %gather3A_415 = tpu.memref_squeeze %gather3A_414 : memref<1x80x128xf32, #tpu.memory_space<vmem>> -> memref<80x128xf32, #tpu.memory_space<vmem>>
        %gather3A_416 = tpu.vector_load_idx %gather3A_415[%add3A_132, %and3A_411] : memref<80x128xf32, #tpu.memory_space<vmem>>[vector<16xi32>, vector<16xi32>], vector<16xf32>,
        %gather3A_417 = arith.constant 0 : i32
        %gather3A_418 = arith.constant 0 : i32
        %gather3A_419 = tpu.memref_slice %arg10[%scan3A_122, %gather3A_417, %gather3A_418] : memref<3x80x128xf32, #tpu.memory_space<vmem>> -> memref<1x80x128xf32, #tpu.memory_space<vmem>>
        %gather3A_420 = tpu.memref_squeeze %gather3A_419 : memref<1x80x128xf32, #tpu.memory_space<vmem>> -> memref<80x128xf32, #tpu.memory_space<vmem>>
        %gather3A_421 = tpu.vector_load_idx %gather3A_420[%add3A_132, %and3A_411] : memref<80x128xf32, #tpu.memory_space<vmem>>[vector<16xi32>, vector<16xi32>], vector<16xf32>,
        %mul3A_422 = arith.mulf %gather3A_416, %gather3A_421 : vector<16xf32>
        %add3A_423 = arith.addf %add3A_351, %mul3A_422 : vector<16xf32>
        %add3A_424 = arith.constant 1 : i32
        %add3A_425 = vector.broadcast %add3A_424 : i32 to vector<16xi32>
        %add3A_426 = arith.addi %and3A_411, %add3A_425 : vector<16xi32>
        %and3A_427 = arith.constant 127 : i32
        %and3A_428 = vector.broadcast %and3A_427 : i32 to vector<16xi32>
        %and3A_429 = arith.andi %add3A_426, %and3A_428 : vector<16xi32>
        %gather3A_430 = arith.constant 0 : i32
        %gather3A_431 = arith.constant 0 : i32
        %gather3A_432 = tpu.memref_slice %arg9[%scan3A_121, %gather3A_430, %gather3A_431] : memref<3x80x128xf32, #tpu.memory_space<vmem>> -> memref<1x80x128xf32, #tpu.memory_space<vmem>>
        %gather3A_433 = tpu.memref_squeeze %gather3A_432 : memref<1x80x128xf32, #tpu.memory_space<vmem>> -> memref<80x128xf32, #tpu.memory_space<vmem>>
        %gather3A_434 = tpu.vector_load_idx %gather3A_433[%add3A_132, %and3A_429] : memref<80x128xf32, #tpu.memory_space<vmem>>[vector<16xi32>, vector<16xi32>], vector<16xf32>,
        %gather3A_435 = arith.constant 0 : i32
        %gather3A_436 = arith.constant 0 : i32
        %gather3A_437 = tpu.memref_slice %arg10[%scan3A_122, %gather3A_435, %gather3A_436] : memref<3x80x128xf32, #tpu.memory_space<vmem>> -> memref<1x80x128xf32, #tpu.memory_space<vmem>>
        %gather3A_438 = tpu.memref_squeeze %gather3A_437 : memref<1x80x128xf32, #tpu.memory_space<vmem>> -> memref<80x128xf32, #tpu.memory_space<vmem>>
        %gather3A_439 = tpu.vector_load_idx %gather3A_438[%add3A_132, %and3A_429] : memref<80x128xf32, #tpu.memory_space<vmem>>[vector<16xi32>, vector<16xi32>], vector<16xf32>,
        %mul3A_440 = arith.mulf %gather3A_434, %gather3A_439 : vector<16xf32>
        %add3A_441 = arith.addf %add3A_369, %mul3A_440 : vector<16xf32>
        %add3A_442 = arith.constant 1 : i32
        %add3A_443 = vector.broadcast %add3A_442 : i32 to vector<16xi32>
        %add3A_444 = arith.addi %and3A_429, %add3A_443 : vector<16xi32>
        %and3A_445 = arith.constant 127 : i32
        %and3A_446 = vector.broadcast %and3A_445 : i32 to vector<16xi32>
        %and3A_447 = arith.andi %add3A_444, %and3A_446 : vector<16xi32>
        scf.yield %add3A_387, %add3A_405, %add3A_423, %add3A_441, %and3A_447 : vector<16xf32>, vector<16xf32>, vector<16xf32>, vector<16xf32>, vector<16xi32>
      }
      %scan3A_139 = arith.constant 8 : i32
      %add3A_140 = arith.addf %scan3A_138#0, %scan3A_138#1 : vector<16xf32>
      %add3A_141 = arith.addf %scan3A_138#2, %scan3A_138#3 : vector<16xf32>
      %add3A_142 = arith.addf %add3A_140, %add3A_141 : vector<16xf32>
      %lt3A = arith.constant 1.000000e-01 : f32
      %lt3A_143 = vector.broadcast %lt3A : f32 to vector<16xf32>
      %lt3A_144 = arith.cmpf olt, %add3A_142, %lt3A_143 : vector<16xf32>
      %jit3A = arith.constant 0.000000e+00 : f32
      %broadcast_in_dim3A_145 = vector.broadcast %jit3A : f32 to vector<16xf32>
      %select_n3A = arith.select %lt3A_144, %broadcast_in_dim3A_145, %add3A_142 : vector<16xi1>, vector<16xf32>
      %mul3A_146 = arith.constant 16 : i32
      %mul3A_147 = arith.muli %scan3A_128, %mul3A_146 : i32
      %add3A_148 = arith.constant 9920 : i32
      %add3A_149 = arith.addi %add3A_148, %mul3A_147 : i32
      %swap3A = arith.index_cast %add3A_149 : i32 to index
      %swap3A_150 = tpu.vector_load %arg11[%swap3A] {strides = array<i32>} : memref<10000xf32, #tpu.memory_space<vmem>>, vector<16xf32>,
      tpu.vector_store %arg11[%swap3A], %select_n3A {strides = array<i32>} : memref<10000xf32, #tpu.memory_space<vmem>>, vector<16xf32>,
      %mul3A_151 = arith.constant 16 : i32
      %mul3A_152 = arith.muli %scan3A_128, %mul3A_151 : i32
      %add3A_153 = arith.constant 9920 : i32
      %add3A_154 = arith.addi %add3A_153, %mul3A_152 : i32
      %get3A = arith.index_cast %add3A_154 : i32 to index
      %get3A_155 = tpu.vector_load %arg7[%get3A] {strides = array<i32>} : memref<10000xi32, #tpu.memory_space<vmem>>, vector<16xi32>,
      tpu.vector_store_idx %arg12[%get3A_155], %select_n3A {add = true} : memref<10000xf32, #tpu.memory_space<vmem>>[vector<16xi32>], vector<16xf32>,
    }
    %scan3A_127 = arith.constant 5 : i32
    "tpu.region"() ({
      %run_scoped3A = tpu.sem_alloc : memref<!tpu.dma_semaphore, #tpu.memory_space<semaphore_mem>>
      %dma_start3A_128 = tpu.memref_slice %arg5[%mul3A_2] : memref<320000xf32, #tpu.memory_space<hbm>> -> memref<10000xf32, #tpu.memory_space<hbm>>
      %dma_start3A_129 = tpu.memref_slice %arg5[%mul3A_2] : memref<320000xf32, #tpu.memory_space<hbm>> -> memref<10000xf32, #tpu.memory_space<hbm>>
      tpu.enqueue_dma source(%arg11 : memref<10000xf32, #tpu.memory_space<vmem>>) target(%dma_start3A_129 : memref<10000xf32, #tpu.memory_space<hbm>>) target_semaphore(%run_scoped3A : memref<!tpu.dma_semaphore, #tpu.memory_space<semaphore_mem>>)
      %dma_wait3A_130 = tpu.memref_slice %arg5[%mul3A_2] : memref<320000xf32, #tpu.memory_space<hbm>> -> memref<10000xf32, #tpu.memory_space<hbm>>
      %dma_wait3A_131 = tpu.memref_slice %arg5[%mul3A_2] : memref<320000xf32, #tpu.memory_space<hbm>> -> memref<10000xf32, #tpu.memory_space<hbm>>
      tpu.wait_dma2 semaphore(%run_scoped3A : memref<!tpu.dma_semaphore, #tpu.memory_space<semaphore_mem>>) src(%arg11 : memref<10000xf32, #tpu.memory_space<vmem>>) dst(%dma_wait3A_131 : memref<10000xf32, #tpu.memory_space<hbm>>)
      tpu.yield
    }) : () -> ()
    "tpu.region"() ({
      %run_scoped3A = tpu.sem_alloc : memref<!tpu.dma_semaphore, #tpu.memory_space<semaphore_mem>>
      %dma_start3A_128 = arith.constant 0 : i32
      %dma_start3A_129 = tpu.memref_slice %arg6[%add3A, %dma_start3A_128] : memref<32x10000xf32, #tpu.memory_space<hbm>> -> memref<1x10000xf32, #tpu.memory_space<hbm>>
      %dma_start3A_130 = tpu.memref_squeeze %dma_start3A_129 : memref<1x10000xf32, #tpu.memory_space<hbm>> -> memref<10000xf32, #tpu.memory_space<hbm>>
      %dma_start3A_131 = arith.constant 0 : i32
      %dma_start3A_132 = tpu.memref_slice %arg6[%add3A, %dma_start3A_131] : memref<32x10000xf32, #tpu.memory_space<hbm>> -> memref<1x10000xf32, #tpu.memory_space<hbm>>
      %dma_start3A_133 = tpu.memref_squeeze %dma_start3A_132 : memref<1x10000xf32, #tpu.memory_space<hbm>> -> memref<10000xf32, #tpu.memory_space<hbm>>
      tpu.enqueue_dma source(%arg12 : memref<10000xf32, #tpu.memory_space<vmem>>) target(%dma_start3A_133 : memref<10000xf32, #tpu.memory_space<hbm>>) target_semaphore(%run_scoped3A : memref<!tpu.dma_semaphore, #tpu.memory_space<semaphore_mem>>)
      %dma_wait3A_134 = arith.constant 0 : i32
      %dma_wait3A_135 = tpu.memref_slice %arg6[%add3A, %dma_wait3A_134] : memref<32x10000xf32, #tpu.memory_space<hbm>> -> memref<1x10000xf32, #tpu.memory_space<hbm>>
      %dma_wait3A_136 = tpu.memref_squeeze %dma_wait3A_135 : memref<1x10000xf32, #tpu.memory_space<hbm>> -> memref<10000xf32, #tpu.memory_space<hbm>>
      %dma_wait3A_137 = arith.constant 0 : i32
      %dma_wait3A_138 = tpu.memref_slice %arg6[%add3A, %dma_wait3A_137] : memref<32x10000xf32, #tpu.memory_space<hbm>> -> memref<1x10000xf32, #tpu.memory_space<hbm>>
      %dma_wait3A_139 = tpu.memref_squeeze %dma_wait3A_138 : memref<1x10000xf32, #tpu.memory_space<hbm>> -> memref<10000xf32, #tpu.memory_space<hbm>>
      tpu.wait_dma2 semaphore(%run_scoped3A : memref<!tpu.dma_semaphore, #tpu.memory_space<semaphore_mem>>) src(%arg12 : memref<10000xf32, #tpu.memory_space<vmem>>) dst(%dma_wait3A_139 : memref<10000xf32, #tpu.memory_space<hbm>>)
      tpu.yield
    }) : () -> ()
    return
  }
}

module attributes {stable_mosaic.version = 14 : i64} {
  func.func @_norm_body(%arg0: i32, %arg1: memref<2000x128xf32, #tpu.memory_space<vmem>>, %arg2: memref<2000x128xf32, #tpu.memory_space<vmem>>) attributes {dimension_semantics = [#tpu.dimension_semantics<arbitrary>], iteration_bounds = array<i64: 5>, scalar_prefetch = 0 : i64, scratch_operands = 0 : i64, tpu.core_type = #tpu.core_type<tc>, window_params = [{transform_indices = @transform_0, window_bounds = array<i64: 2000, 128>}, {transform_indices = @transform_1, window_bounds = array<i64: 2000, 128>}]} {
    %get3A = arith.constant 0 : index
    %get3A_0 = arith.constant 0 : index
    %get3A_1 = vector.load %arg1[%get3A, %get3A_0] : memref<2000x128xf32, #tpu.memory_space<vmem>>, vector<2000x128xf32>
    %mul3A = arith.mulf %get3A_1, %get3A_1 : vector<2000x128xf32>
    %reduce_sum3A = arith.constant dense<0.000000e+00> : vector<2000xf32>
    %reduce_sum3A_2 = vector.multi_reduction <add>, %mul3A, %reduce_sum3A [1] : vector<2000x128xf32> to vector<2000xf32>
    %broadcast_in_dim3A = vector.shape_cast %reduce_sum3A_2 : vector<2000xf32> to vector<2000x1xf32>
    %sqrt3A = math.sqrt %broadcast_in_dim3A : vector<2000x1xf32>
    %max3A = arith.constant 9.99999993E-9 : f32
    %max3A_3 = vector.broadcast %max3A : f32 to vector<2000x1xf32>
    %max3A_4 = arith.maximumf %sqrt3A, %max3A_3 : vector<2000x1xf32>
    %div3A = arith.constant 1.000000e+00 : f32
    %div3A_5 = vector.broadcast %div3A : f32 to vector<2000x1xf32>
    %div3A_6 = arith.divf %div3A_5, %max3A_4 : vector<2000x1xf32>
    %mul3A_7 = vector.broadcast %div3A_6 : vector<2000x1xf32> to vector<2000x128xf32>
    %mul3A_8 = arith.mulf %get3A_1, %mul3A_7 : vector<2000x128xf32>
    %swap3A = arith.constant 0 : index
    %swap3A_9 = arith.constant 0 : index
    %swap3A_10 = vector.load %arg2[%swap3A, %swap3A_9] : memref<2000x128xf32, #tpu.memory_space<vmem>>, vector<2000x128xf32>
    tpu.vector_store %arg2[%swap3A, %swap3A_9], %mul3A_8 {strides = array<i32>} : memref<2000x128xf32, #tpu.memory_space<vmem>>, vector<2000x128xf32>,
    return
  }
  func.func @transform_0(%arg0: i32) -> (i32, i32) {
    %c0_i32 = arith.constant 0 : i32
    %c0_i32_0 = arith.constant 0 : i32
    return %arg0, %c0_i32 : i32, i32
  }
  func.func @transform_1(%arg0: i32) -> (i32, i32) {
    %c0_i32 = arith.constant 0 : i32
    %c0_i32_0 = arith.constant 0 : i32
    return %arg0, %c0_i32 : i32, i32
  }
}

module attributes {stable_mosaic.version = 14 : i64} {
  func.func @_denom_body(%arg0: memref<32x10000xf32, #tpu.memory_space<vmem>>, %arg1: memref<1x10000xf32, #tpu.memory_space<vmem>>) attributes {dimension_semantics = [], scalar_prefetch = 0 : i64, scratch_operands = 0 : i64, tpu.core_type = #tpu.core_type<tc>} {
    %get3A = arith.constant 0 : index
    %get3A_0 = arith.constant 0 : index
    %get3A_1 = vector.load %arg0[%get3A, %get3A_0] : memref<32x10000xf32, #tpu.memory_space<vmem>>, vector<32x10000xf32>
    %reduce_sum3A = arith.constant dense<0.000000e+00> : vector<10000xf32>
    %reduce_sum3A_2 = vector.multi_reduction <add>, %get3A_1, %reduce_sum3A [0] : vector<32x10000xf32> to vector<10000xf32>
    %broadcast_in_dim3A = vector.shape_cast %reduce_sum3A_2 : vector<10000xf32> to vector<1x10000xf32>
    %eq3A = arith.constant 0.000000e+00 : f32
    %eq3A_3 = vector.broadcast %eq3A : f32 to vector<1x10000xf32>
    %eq3A_4 = arith.cmpf oeq, %broadcast_in_dim3A, %eq3A_3 : vector<1x10000xf32>
    %jit3A = arith.constant 1.000000e+00 : f32
    %broadcast_in_dim3A_5 = vector.broadcast %jit3A : f32 to vector<1x10000xf32>
    %select_n3A = arith.select %eq3A_4, %broadcast_in_dim3A_5, %broadcast_in_dim3A : vector<1x10000xi1>, vector<1x10000xf32>
    %swap3A = arith.constant 0 : index
    %swap3A_6 = arith.constant 0 : index
    %swap3A_7 = vector.load %arg1[%swap3A, %swap3A_6] : memref<1x10000xf32, #tpu.memory_space<vmem>>, vector<1x10000xf32>
    tpu.vector_store %arg1[%swap3A, %swap3A_6], %select_n3A {strides = array<i32>} : memref<1x10000xf32, #tpu.memory_space<vmem>>, vector<1x10000xf32>,
    return
  }
}

</mosaic_0001>

<sc_bundles>
// kernel: kernel.6.cloned.1.call-start
scs
__scs_entry_jumppad:
0x0: {  	(pc) =	sbr.rel $0x88, $3  }
0x1: {  	(tag) =	ssettag $0x0;
	lr =	simm.s32 $0x1  }
0x2: {  	[smem:$0x3F9F] =	sst lr;
	_ =	strace $0xD0000000  }
0x3: {  	_ = 	snop  }
0x4: {  	_ = 	snop  }
0x5: {  	_ = 	snop  }
0x6: {  	_ = 	snop  }
0x7: {  	_ = 	snop  }
__scs_overlays_trampoline_lowered:
0x8: {  	[smem:$0x3FAE] =	sst s0  }
0x9: {  	[smem:$0x3FAF] =	sst s1  }
0xa: {  	[smem:$0x3FB0] =	sst s2  }
0xb: {  	[smem:$0x3FB1] =	sst s3  }
0xc: {  	[smem:$0x3FB2] =	sst s4  }
0xd: {  	[smem:$0x3FB3] =	sst s5  }
0xe: {  	[smem:$0x3FB4] =	sst s6  }
0xf: {  	[smem:$0x3FB5] =	sst s7  }
0x10: {  	[smem:$0x3FB6] =	sst s8  }
0x11: {  	[smem:$0x3FB7] =	sst s9;
	s0 =	simm.s32 @!p0 $0x0  }
0x12: {  	s1 =	sld [smem:$0x3F9D];
	s0 =	simm.s32 @p0 $0x1  }
0x13: {  	[smem:$0x3FB8] =	sst s0;
	s0 =	simm.s32 @!p1 $0x0  }
0x14: {  	s2 =	sld [smem:$0x3F9C];
	s0 =	simm.s32 @p1 $0x1  }
0x15: {  	[smem:$0x3FB9] =	sst s0;
	s0 =	simm.s32 @!p2 $0x0  }
0x16: {  	s3 =	sld [smem:$0x3FDB];
	s0 =	simm.s32 @p2 $0x1  }
0x17: {  	s4 =	simm.s32 $0x1BF5;
	[smem:$0x3FBB] =	sst s0  }
0x18: {  	s0 =	sld [smem:$0x3F9E];
	_ =	swait.ge [sflag:s4], $0x0  }
0x19: {  	s7 =	sld [smem:$0x3F9F]  }
0x1a: {  	s8 =	sadd.s32 $0xFFFFE003, lr  }
0x1b: {  	s9 =	sadd.s32 $0xFFFFFEF7, lr;
	s5 =	simm.s32 $0xFFFFFFFF;
	p2 =	slt.u32 s8, $0xFFFFF086  }
0x1c: {  	p1 =	slt.u32 s9, $0xF7A;
	s5 =	simm.s32 @!p2 $0x0  }
0x1d: {  	s5 =	simm.s32 @p1 $0x1;
	p0 =	seq.s32 s7, s2  }
0x1e: {  	s7 =	smul.u32 @!p0 $0xF7A, s2;
	p2 =	seq.s32 @!p0 s5, $0x0  }
0x1f: {  	s9 =	smul.u32 $0xF7A, s1;
	s8 =	simm.s32 @!p0 $0x1BF5;
	p2 =	por !p2, p0  }
0x20: {  	[sflag:s8] =	ssyncset.s32 @!p0 $0xFFFFF086;
	s6 =	sadd.s32 @!p0 s3, s7;
	s7 =	simm.s32 @!p0 $0x108  }
0x21: {  	s3 =	sadd.s32 s3, s9;
	s6 =	sadd.s32 @!p0 $0x88, s6;
	s7 =	simm.s32 @p2 $0x1082  }
0x22: {  	[simem:s7], [sflag:s8] =	dma.local @!p0 [hbm:s6], $0xF7A  }
0x23: {  	s9 =	sor.u32 $0xD0000000, s2;
	s6 =	simm.s32 $0x108;
	_ =	swait.ge @!p0 [sflag:s8], $0x0  }
0x24: {  	s3 =	sadd.s32 $0x88, s3;
	s6 =	simm.s32 @!p1 $0x1082;
	[sflag:s4] =	ssyncset.s32 $0xFFFFF086  }
0x25: {  	[simem:s6], [sflag:s4] =	dma.local [hbm:s3], $0xF7A  }
0x26: {  	[smem:$0x3F9F] =	sst s1;
	(tag) =	ssettag s2;
	_ =	strace s9  }
0x27: {  	s1 =	sld [smem:$0x3FAF]  }
0x28: {  	s2 =	sld [smem:$0x3FB0]  }
0x29: {  	s4 =	sld [smem:$0x3FB2]  }
0x2a: {  	p0 =	seq.s32 s5, $0x0;
	s5 =	sld [smem:$0x3FB3]  }
0x2b: {  	s6 =	sld [smem:$0x3FB4]  }
0x2c: {  	s7 =	sld [smem:$0x3FB5]  }
0x2d: {  	s3 =	simm.s32 $0x108;
	s8 =	sld [smem:$0x3FB6]  }
0x2e: {  	s3 =	simm.s32 @!p0 $0x1082;
	s9 =	sld [smem:$0x3FB7]  }
0x2f: {  	lr =	sadd.s32 s0, s3;
	s0 =	sld [smem:$0x3FAE]  }
0x30: {  	s3 =	sld [smem:$0x3FB1]  }
0x31: {  	[smem:$0x3FBA] =	sst s10  }
0x32: {  	s10 =	sld [smem:$0x3FB8];
	_ =	sdelay $0x3  }
0x33: {  	p0 =	seq.s32 s10, $0x1;
	s10 =	sld [smem:$0x3FBA];
	_ =	sdelay $0x3  }
0x34: {  	[smem:$0x3FBA] =	sst s10  }
0x35: {  	s10 =	sld [smem:$0x3FB9];
	_ =	sdelay $0x3  }
0x36: {  	p1 =	seq.s32 s10, $0x1;
	s10 =	sld [smem:$0x3FBA];
	_ =	sdelay $0x3  }
0x37: {  	[smem:$0x3FBA] =	sst s10  }
0x38: {  	s10 =	sld [smem:$0x3FBB]  }
0x39: {  	_ = 	snop;
	(pc) =	sbr.ind lr, $3  }
0x3a: {  	_ = 	snop  }
0x3b: {  	_ = 	snop  }
0x3c: {  	p2 =	seq.s32 s10, $0x1;
	s10 =	sld [smem:$0x3FBA]  }
0x3d: {  	_ =	shalt  }
0x3e: {  	_ =	shalt  }
0x3f: {  	_ =	shalt  }
0x40: {  	_ =	shalt  }
0x41: {  	_ =	shalt  }
0x42: {  	_ =	shalt  }
0x43: {  	_ =	shalt  }
0x44: {  	_ =	shalt  }
0x45: {  	_ =	shalt  }
0x46: {  	_ =	shalt  }
0x47: {  	_ =	shalt  }
0x48: {  	_ =	shalt  }
0x49: {  	_ =	shalt  }
0x4a: {  	_ =	shalt  }
0x4b: {  	_ =	shalt  }
0x4c: {  	_ =	shalt  }
0x4d: {  	_ =	shalt  }
0x4e: {  	_ =	shalt  }
0x4f: {  	_ =	shalt  }
0x50: {  	_ =	shalt  }
0x51: {  	_ =	shalt  }
0x52: {  	_ =	shalt  }
0x53: {  	_ =	shalt  }
0x54: {  	_ =	shalt  }
0x55: {  	_ =	shalt  }
0x56: {  	_ =	shalt  }
0x57: {  	_ =	shalt  }
0x58: {  	_ =	shalt  }
0x59: {  	_ =	shalt  }
0x5a: {  	_ =	shalt  }
0x5b: {  	_ =	shalt  }
0x5c: {  	_ =	shalt  }
0x5d: {  	_ =	shalt  }
0x5e: {  	_ =	shalt  }
0x5f: {  	_ =	shalt  }
0x60: {  	_ =	shalt  }
0x61: {  	_ =	shalt  }
0x62: {  	_ =	shalt  }
0x63: {  	_ =	shalt  }
0x64: {  	_ =	shalt  }
0x65: {  	_ =	shalt  }
0x66: {  	_ =	shalt  }
0x67: {  	_ =	shalt  }
0x68: {  	_ =	shalt  }
0x69: {  	_ =	shalt  }
0x6a: {  	_ =	shalt  }
0x6b: {  	_ =	shalt  }
0x6c: {  	_ =	shalt  }
0x6d: {  	_ =	shalt  }
0x6e: {  	_ =	shalt  }
0x6f: {  	_ =	shalt  }
0x70: {  	_ =	shalt  }
0x71: {  	_ =	shalt  }
0x72: {  	_ =	shalt  }
0x73: {  	_ =	shalt  }
0x74: {  	_ =	shalt  }
0x75: {  	_ =	shalt  }
0x76: {  	_ =	shalt  }
0x77: {  	_ =	shalt  }
0x78: {  	_ =	shalt  }
0x79: {  	_ =	shalt  }
0x7a: {  	_ =	shalt  }
0x7b: {  	_ =	shalt  }
0x7c: {  	_ =	shalt  }
0x7d: {  	_ =	shalt  }
0x7e: {  	_ =	shalt  }
0x7f: {  	_ =	shalt  }
0x80: {  	_ =	shalt  }
0x81: {  	_ =	shalt  }
0x82: {  	_ =	shalt  }
0x83: {  	_ =	shalt  }
0x84: {  	_ =	shalt  }
0x85: {  	_ =	shalt  }
0x86: {  	_ =	shalt  }
0x87: {  	_ =	shalt  }
.Lfunc_end0:
.L_simem_size_0:
called_computation_lowered:
.L_overlay_start_0:
0x88: {  	s2 =	sld [smem:$0x3FD9]  }
0x89: {  	s3 =	sld [smem:$0x3FFE];
	_ =	sdelay $0x1  }
0x8a: {  	s1 =	srdreg.scid  }
0x8b: {  	s0 =	sand.u32 $0x1, s1  }
0x8c: {  	s17 =	sshll.u32 s0, $0xA;
	s2 =	sadd.s32 s3, s2  }
0x8d: {  	s2 =	sadd.s32 s2, s17  }
0x8e: {  	[smem:$0x3FC6] =	sst s2  }
0x8f: {  	_ = 	snop  }
0x90: {  	s2 =	sld [smem:$0x3FD0];
	(tm) =	ssettm $0x1  }
0x91: {  	s18 =	sld [smem:$0x3FFB];
	_ =	sdelay $0x3  }
0x92: {  	_ =	strace s18  }
0x93: {  	s3 =	sld [smem:$0x3FFC];
	_ =	sdelay $0x3  }
0x94: {  	_ =	strace s3  }
0x95: {  	s3 =	sld [smem:$0x3FFD];
	_ =	sdelay $0x3  }
0x96: {  	_ =	strace s3  }
0x97: {  	_ =	strace $0x8FFFFFFF  }
0x98: {  	s19 =	sld [smem:$0x3FDB];
	_ =	sdelay $0x1  }
0x99: {  	s4 =	simm.s32 $_scs_section_size  }
0x9a: {  	s5 =	simm.s32 $_size__tile_overlayer_lowered;
	s6 =	simm.s32 $_tile_overlayer_lowered  }
0x9b: {  	s22 =	simm.s32 $0x1BFF;
	s21 =	sshll.u32 s6, $0x1;
	s3 =	sadd.s32 s4, s19  }
0x9c: {  	s7 =	simm.s32 $0x0;
	s20 =	sshll.u32 s5, $0x1;
	s5 =	sadd.s32 s21, s3  }
0x9d: {  	[timem:s7], [sflag:s22] =	dma.local [hbm:s5], s20  }
0x9e: {  	_ =	swait.ge [sflag:s22], s20  }
0x9f: {  	s4 =	ssub.s32 $0x0, s20;
	[sflag:s22] =	ssyncset.done $0x0  }
0xa0: {  	[sflag:s22] =	ssyncadd.s32 s4;
	_ =	sdelay $0x1  }
0xa1: {  	s23 =	simm.s32 $0x1B8B  }
0xa2: {  	_ =	swait.ge [sflag:s23], $0x1  }
0xa3: {  	[sflag:s23] =	ssyncset.done $0x0  }
0xa4: {  	s25 =	simm.s32 $0x1B8E;
	s24 =	sld [smem:$0x3FFE];
	[sflag:s23] =	ssyncadd.s32 $0xFFFFFFFF  }
0xa5: {  	s26 =	simm.s32 $execute0_lowered;
	[smem:$0x3FD2] =	sst s25  }
0xa6: {  	s5 =	sshll.u32 s26, $0x1;
	_ =	strace $0x80000046;
	[dreg:$0x1] =	wrdreg $0xFFFFFFFF  }
0xa7: {  	s28 =	simm.s32 $_size_execute0_lowered;
	s3 =	sadd.s32 s3, s5;
	[dreg:$0x0] =	wrdreg $0x0  }
0xa8: {  	s5 =	sshll.u32 s28, $0x1;
	[dreg:$0x2] =	wrdreg s3  }
0xa9: {  	[dreg:$0x3] =	wrdreg s5  }
0xaa: {  	[dreg:$0x4] =	wrdreg $0xC0  }
0xab: {  	_ =	task [dreg:s7], $0x5FFFF  }
0xac: {  	[dreg:$0x1] =	wrdreg $0xFFFFFFFF  }
0xad: {  	[dreg:$0x0] =	wrdreg $0x60  }
0xae: {  	[dreg:$0x2] =	wrdreg s24  }
0xaf: {  	[dreg:$0x3] =	wrdreg s2  }
0xb0: {  	[dreg:$0x4] =	wrdreg $0x9  }
0xb1: {  	_ =	task.clear_ibuf [dreg:s7], $0x5FFFF;
	_ =	strace $0x90000046  }
0xb2: {  	s29 =	simm.s32 $0x9;
	_ =	strace $0x80000048  }
0xb3: {  	_ =	swait.ge [sflag:s29], $0x1  }
0xb4: {  	[sflag:s29] =	ssyncadd.s32 $0xFFFFFFFF  }
0xb5: {  	_ =	strace $0x90000048  }
0xb6: {  	_ =	sfence  }
0xb7: {  	s30 =	sld [smem:$0x0];
	_ =	sdelay $0x2  }
0xb8: {  	s31 =	sshll.u32 s1, $0xD;
	s1 =	sshrl.u32 s1, $0x2  }
0xb9: {  	s3 =	sand.u32 $0x4000, s31;
	s1 =	sadd.s32 s1, s30  }
0xba: {  	s0 =	sor.u32 s3, s0;
	s1 =	sshll.u32 s1, $0x11  }
0xbb: {  	s0 =	sor.u32 s1, s0  }
0xbc: {  	s0 =	sadd.s32 $0x8F2B, s0  }
0xbd: {  	[sflag:s0] =	ssyncadd.remote.s32 $0x1  }
0xbe: {  	_ =	sfence.sel $0xFFFF  }
0xbf: {  	[dreg:$0x0] =	wrdreg $0xFFFFFFFF;
	(pc) =	sbr.abs _section_cstart, $3  }
0xc0: {  	[dreg:$0x1] =	wrdreg $0xFFFFFFFF  }
0xc1: {  	_ =	task.clear_ibuf [dreg:s7], $0x2FFFF;
	_ =	strace $0x9FFFFFFF  }
0xc2: {  	(tm) =	ssettm $0x7FFFFFFF  }
0xc3: {  	_ =	shalt  }
tec
execute0_lowered:
.L_overlay_start_1:
0x0: {  	(tag) =	ssettag $0x1  }
0x1: {  	s0 =	rddreg [dreg:$0x0]  }
0x2: {  	s1 =	rddreg [dreg:$0x1]  }
0x3: {  	s2 =	srdreg.scid;
	s5 =	stileid.u32;
	s9 =	simm.s32 $0x7  }
0x4: {  	s10 =	simm.s32 $0x2780;
	s11 =	simm.s32 $0x50;
	s12 =	simm.s32 $0x4F00  }
0x5: {  	s13 =	simm.s32 $0xC700;
	s14 =	simm.s32 $0x7700;
	s16 =	simm.s32 $0xEF00  }
0x6: {  	s18 =	simm.s32 $0x9F00;
	s20 =	simm.s32 $0x11700;
	s21 =	simm.s32 $0x1  }
0x7: {  	s22 =	simm.s32 $0x4;
	s23 =	simm.s32 $0x16680;
	s24 =	simm.s32 $0x2  }
0x8: {  	s25 =	simm.s32 $0x5;
	s26 =	simm.s32 $0x3;
	s28 =	simm.s32 $0x6  }
0x9: {  	s30 =	simm.s32 $0x80;
	s31 =	simm.s32 $0x400;
	s4 =	sand.u32 $0x1, s2  }
0xa: {  	s3 =	sshll.u32 s5, $0x1;
	s2 =	simm.s32 $0x0;
	s5 =	sshrl.u32 s5, $0x2  }
0xb: {  	s3 =	sor.u32 s4, s3;
	[smem:$0x7FF] =	sst s2;
	s5 =	smul.u32 $0x13C00, s5  }
0xc: {  	s4 =	ssub.s32 $0x2, s4;
	s6 =	sshll.u32 s3, $0x7;
	_ =	strace $0x80000047  }
0xd: {  	s7 =	smul.u32 $0x4E2, s3;
	s8 =	sshrl.u32 s4, $0x1;
	s6 =	sand.u32 $0x380, s6  }
0xe: {  	s3 =	sadd.s32 $0xA200, s0;
	s8 =	ssub.s32 s4, s8;
	s5 =	sor.u32 s5, s6  }
0xf: {  	s29 =	sadd.s32 s7, s0;
	s8 =	smax.u32 s8, $0x1;
	s5 =	sshrl.u32 s5, $0x3  }
0x10: {  	s4 =	sadd.s32 $0x400, s29;
	s6 =	sadd.s32 $0x3B200, s29;
	s0 =	sadd.s32 s5, s0  }
0x11: {  	v0 =	vimm.f32 $0.0e+00;
	s5 =	sadd.s32 s1, s7;
	s7 =	sadd.s32 $0x31400, s0;
	s0 =	simm.s32 $0x0  }
.LBB2_1:
0x12: {  	s1 =	simm.s32 $0x40;
	s15 =	simm.s32 $0x0  }
.LBB2_2:
0x13: {  	p0 =	sne.s32 s1, $0x9C00;
	[tilespmem:s15+$0x16680] =	vst v0;
	s15 =	smov.u32 s1;
	s1 =	sadd.s32 $0x40, s1  }
.Ltmp0:
0x14: {  	(pc) =	sbr.rel @p0 .LBB2_2-.Ltmp0, $2  }
0x15: {  	_ =	sdelay $0x2  }
0x16: {  	s15 =	sshra.s32 s15, $0x2  }
0x17: {  	[tilespmem:s15+$0x16680] =	vst v0;
	s1 =	simm.s32 $0x0  }
0x18: {  	[tilespmem:s1], [sflag:$0x7] =	stream.linear.gather [hbm4b:s4+s1], $0x2710, $0x38;
	[tilespmem:$0x18E00] =	vst v63  }
0x19: {  	_ =	swait.ge [sflag:s9], $0x2710  }
0x1a: {  	[sflag:s9] =	ssyncset.done $0x0  }
0x1b: {  	[sflag:s9] =	ssyncadd.s32 $0xFFFFD8F0  }
0x1c: {  	[tilespmem:s10], [sflag:$0x7] =	stream.linear.gather [hbm4b:s5+s1], $0x2710, $0x38;
	[tilespmem:$0x18E00] =	vst v63  }
0x1d: {  	_ =	swait.ge [sflag:s9], $0x2710  }
0x1e: {  	[sflag:s9] =	ssyncset.done $0x0  }
0x1f: {  	[sflag:s9] =	ssyncadd.s32 $0xFFFFD8F0  }
0x20: {  	[tilespmem:s12], [sflag:$0x1] =	stream.indirect.gather [hbm4b:s3+s11], $0x80, s1, s11, $0xb8;
	[tilespmem:$0x18E00] =	vst v63  }
0x21: {  	_ = 	snop  }
0x22: {  	[tilespmem:s13], [sflag:$0x4] =	stream.indirect.gather [hbm4b:s3+s11], $0x80, s10, s11, $0xb8;
	[tilespmem:$0x18E00] =	vst v63  }
0x23: {  	_ = 	snop  }
0x24: {  	[tilespmem:s14], [sflag:$0x2] =	stream.indirect.gather [hbm4b:s3+s11], $0x80, s11, s11, $0xb8;
	[tilespmem:$0x18E00] =	vst v63  }
0x25: {  	s17 =	simm.s32 $0x27D0  }
0x26: {  	[tilespmem:s16], [sflag:$0x5] =	stream.indirect.gather [hbm4b:s3+s11], $0x80, s17, s11, $0xb8;
	[tilespmem:$0x18E00] =	vst v63  }
0x27: {  	s19 =	simm.s32 $0xA0  }
0x28: {  	[tilespmem:s18], [sflag:$0x3] =	stream.indirect.gather [hbm4b:s3+s11], $0x80, s19, s11, $0xb8;
	[tilespmem:$0x18E00] =	vst v63  }
0x29: {  	s29 =	simm.s32 $0x2820  }
0x2a: {  	[tilespmem:s20], [sflag:$0x6] =	stream.indirect.gather [hbm4b:s3+s11], $0x80, s29, s11, $0xb8;
	[tilespmem:$0x18E00] =	vst v63  }
.LBB2_4:
0x2b: {  	_ =	swait.ge [sflag:s21], $0x2800  }
0x2c: {  	[sflag:s21] =	ssyncset.done $0x0  }
0x2d: {  	[sflag:s21] =	ssyncadd.s32 $0xFFFFD800  }
0x2e: {  	s15 =	smul.u32 $0xF0, s1;
	_ =	swait.ge [sflag:s22], $0x2800  }
0x2f: {  	[sflag:s22] =	ssyncset.done $0x0  }
0x30: {  	s17 =	simm.s32 $0x0;
	v1 =	vmov s15;
	[sflag:s22] =	ssyncadd.s32 $0xFFFFD800  }
.LBB2_5:
0x31: {  	s19 =	sshll.u32 s17, $0x4;
	v8 =	vlaneseq.u32  }
0x32: {  	v2 =	vmov s19;
	v3 =	vmul.u32 $0x80, v8  }
0x33: {  	v4 =	vadd.s32 $0x1, v8;
	v2 =	vshll.u32 v2, $0x7  }
0x34: {  	v2 =	vor.u32 v3, v2;
	v3 =	vand.u32 $0x7F, v4  }
0x35: {  	v3 =	vor.u32 v2, v3;
	_ =	sdelay $0x1  }
0x36: {  	v6 =	vadd.s32 $0x2, v8;
	v5 =	vor.u32 v2, v8  }
0x37: {  	v6 =	vand.u32 $0x7F, v6  }
0x38: {  	v22 =	vadd.s32 $0xB, v8;
	v9 =	vor.u32 v2, v6  }
0x39: {  	v22 =	vand.u32 $0x7F, v22;
	v10 =	vld.idx.msk [tilespmem:v3+s12+$0x0], $0xffff  }
0x3a: {  	v4 =	vadd.s32 $0xA, v8;
	v22 =	vor.u32 v2, v22;
	v13 =	vld.idx.msk [tilespmem:v3+s13+$0x0], $0xffff  }
0x3b: {  	v7 =	vadd.s32 $0x8, v8;
	v4 =	vand.u32 $0x7F, v4;
	v15 =	vld.idx.msk [tilespmem:v5+s13+$0x0], $0xffff  }
0x3c: {  	v12 =	vor.u32 v2, v4;
	v4 =	vand.u32 $0x7F, v7;
	v7 =	vadd.s32 $0x3, v8;
	v5 =	vld.idx.msk [tilespmem:v5+s12+$0x0], $0xffff  }
0x3d: {  	v11 =	vor.u32 v2, v4;
	v4 =	vand.u32 $0x7F, v7;
	v17 =	vld.idx.msk [tilespmem:v9+s12+$0x0], $0xffff  }
0x3e: {  	v14 =	vor.u32 v2, v4;
	v4 =	vadd.s32 $0x5, v8;
	v9 =	vld.idx.msk [tilespmem:v9+s13+$0x0], $0xffff  }
0x3f: {  	v7 =	vadd.s32 $0x4, v8;
	v4 =	vand.u32 $0x7F, v4;
	v3 =	vadd.s32 $0x9, v8;
	v29 =	vld.idx.msk [tilespmem:v22+s12+$0x0], $0xffff  }
0x40: {  	v16 =	vor.u32 v2, v4;
	v4 =	vand.u32 $0x7F, v7;
	v22 =	vld.idx.msk [tilespmem:v22+s13+$0x0], $0xffff;
	v3 =	vand.u32 $0x7F, v3  }
0x41: {  	v19 =	vor.u32 v2, v4;
	v6 =	vor.u32 v2, v3;
	v3 =	vld.idx.msk [tilespmem:v12+s12+$0x0], $0xffff  }
0x42: {  	v7 =	vadd.s32 $0x7, v8;
	v18 =	vld.idx.msk [tilespmem:v11+s13+$0x0], $0xffff  }
0x43: {  	v21 =	vand.u32 $0x7F, v7;
	v11 =	vld.idx.msk [tilespmem:v11+s12+$0x0], $0xffff  }
0x44: {  	v21 =	vor.u32 v2, v21;
	v20 =	vld.idx.msk [tilespmem:v14+s13+$0x0], $0xffff  }
0x45: {  	v14 =	vld.idx.msk [tilespmem:v14+s12+$0x0], $0xffff  }
0x46: {  	v24 =	vadd.s32 $0x6, v8;
	v23 =	vld.idx.msk [tilespmem:v19+s13+$0x0], $0xffff  }
0x47: {  	v25 =	vimm.f32 $0.0e+00;
	v24 =	vand.u32 $0x7F, v24;
	v19 =	vld.idx.msk [tilespmem:v19+s12+$0x0], $0xffff  }
0x48: {  	v24 =	vor.u32 v2, v24;
	v12 =	vld.idx.msk [tilespmem:v12+s13+$0x0], $0xffff;
	v5 =	vmul.f32 v15, v5;
	v15 =	vadd.s32 $0xC, v8  }
0x49: {  	v28 =	vadd.s32 $0xD, v8;
	v27 =	vmul.f32 v9, v17;
	v9 =	vand.u32 $0x7F, v15;
	v26 =	vld.idx.msk [tilespmem:v21+s12+$0x0], $0xffff  }
0x4a: {  	v17 =	vadd.s32 $0xF, v8;
	v21 =	vld.idx.msk [tilespmem:v21+s13+$0x0], $0xffff;
	v14 =	vmul.f32 v20, v14;
	v20 =	vor.u32 v2, v9  }
0x4b: {  	v7 =	vld.idx.msk [tilespmem:v16+s13+$0x0], $0xffff;
	v30 =	vadd.f32 v5, v25;
	v9 =	vadd.s32 $0x10, v8;
	v8 =	vadd.s32 $0xE, v8  }
0x4c: {  	v16 =	vld.idx.msk [tilespmem:v16+s12+$0x0], $0xffff;
	v5 =	vand.u32 $0x7F, v9;
	v9 =	vmul.f32 v13, v10;
	v10 =	vmul.f32 v23, v19  }
0x4d: {  	v15 =	vld.idx.msk [tilespmem:v24+s12+$0x0], $0xffff;
	v11 =	vmul.f32 v18, v11;
	v13 =	vand.u32 $0x7F, v28;
	v63 =	vand.u32 $0x7F, v8  }
0x4e: {  	v23 =	vand.u32 $0x7F, v17;
	v17 =	vld.idx.msk [tilespmem:v24+s13+$0x0], $0xffff;
	v19 =	vor.u32 v2, v13;
	v18 =	vadd.f32 v10, v30  }
0x4f: {  	v9 =	vadd.f32 v9, v25;
	v13 =	vadd.f32 v14, v25;
	v21 =	vmul.f32 v21, v26;
	v14 =	vld.idx.msk [tilespmem:v20+s12+$0x0], $0xffff  }
0x50: {  	v10 =	vadd.f32 v27, v25;
	v8 =	vadd.f32 v11, v18;
	v18 =	vld.idx.msk [tilespmem:v20+s13+$0x0], $0xffff;
	v20 =	vor.u32 v2, v63  }
0x51: {  	s29 =	simm.s32 $0x7;
	v4 =	vld.idx.msk [tilespmem:v6+s13+$0x0], $0xffff;
	v11 =	vadd.f32 v21, v13;
	v13 =	vmul.f32 v22, v29;
	v21 =	vor.u32 v2, v23  }
.LBB2_6:
0x52: {  	v22 =	vadd.s32 $0x1, v5;
	v23 =	vadd.s32 $0x5, v5;
	v24 =	vadd.s32 $0x8, v5;
	p0 =	sne.s32 s29, $0x1;
	s29 =	sadd.s32 $0xFFFFFFFF, s29;
	v6 =	vld.idx.msk [tilespmem:v6+s12+$0x0], $0xffff;
	v25 =	vmovc v5  }
0x53: {  	v15 =	vmul.f32 v17, v15;
	v22 =	vand.u32 $0x7F, v22;
	v24 =	vand.u32 $0x7F, v24;
	v17 =	vld.idx.msk [tilespmem:v19+s12+$0x0], $0xffff  }
0x54: {  	v26 =	vadd.s32 $0xA, v5;
	v22 =	vor.u32 v2, v22;
	v24 =	vor.u32 v2, v24;
	v19 =	vld.idx.msk [tilespmem:v19+s13+$0x0], $0xffff  }
0x55: {  	v27 =	vor.u32 v2, v5;
	v28 =	vadd.s32 $0x2, v5;
	v26 =	vand.u32 $0x7F, v26;
	v29 =	vld.idx.msk [tilespmem:v20+s12+$0x0], $0xffff  }
0x56: {  	v30 =	vadd.s32 $0x3, v5;
	v28 =	vand.u32 $0x7F, v28;
	v26 =	vor.u32 v2, v26;
	v31 =	vld.idx.msk [tilespmem:v21+s12+$0x0], $0xffff  }
0x57: {  	v30 =	vand.u32 $0x7F, v30;
	v7 =	vmul.f32 v7, v16;
	v28 =	vor.u32 v2, v28;
	v16 =	vld.idx.msk [tilespmem:v20+s13+$0x0], $0xffff  }
0x58: {  	v14 =	vmul.f32 v18, v14;
	v20 =	vor.u32 v2, v30;
	v30 =	vadd.s32 $0x4, v5;
	v18 =	vld.idx.msk [tilespmem:v21+s13+$0x0], $0xffff  }
0x59: {  	v32 =	vadd.s32 $0x7, v5;
	v4 =	vmul.f32 v4, v6;
	v30 =	vand.u32 $0x7F, v30;
	v21 =	vld.idx.msk [tilespmem:v22+s12+$0x0], $0xffff  }
0x5a: {  	v32 =	vand.u32 $0x7F, v32;
	v6 =	vadd.s32 $0x9, v5;
	v30 =	vor.u32 v2, v30;
	v22 =	vld.idx.msk [tilespmem:v22+s13+$0x0], $0xffff  }
0x5b: {  	v23 =	vand.u32 $0x7F, v23;
	v7 =	vadd.f32 v7, v9;
	v6 =	vand.u32 $0x7F, v6;
	v33 =	vld.idx.msk [tilespmem:v27+s13+$0x0], $0xffff  }
0x5c: {  	v23 =	vor.u32 v2, v23;
	v10 =	vadd.f32 v15, v10;
	v6 =	vor.u32 v2, v6;
	v9 =	vld.idx.msk [tilespmem:v27+s12+$0x0], $0xffff  }
0x5d: {  	v4 =	vadd.f32 v4, v7;
	v7 =	vadd.f32 v13, v11;
	v11 =	vmul.f32 v16, v29;
	v15 =	vld.idx.msk [tilespmem:v26+s12+$0x0], $0xffff  }
0x5e: {  	v3 =	vmul.f32 v12, v3;
	v8 =	vadd.f32 v14, v8;
	v12 =	vmul.f32 v19, v17;
	v13 =	vld.idx.msk [tilespmem:v28+s12+$0x0], $0xffff  }
0x5f: {  	v16 =	vmul.f32 v18, v31;
	v14 =	vld.idx.msk [tilespmem:v24+s13+$0x0], $0xffff  }
0x60: {  	v27 =	vadd.f32 v3, v10;
	v10 =	vadd.f32 v12, v4;
	v17 =	vld.idx.msk [tilespmem:v20+s13+$0x0], $0xffff  }
0x61: {  	v12 =	vadd.f32 v16, v7;
	v4 =	vld.idx.msk [tilespmem:v6+s13+$0x0], $0xffff  }
0x62: {  	v11 =	vadd.f32 v11, v27;
	v9 =	vmul.f32 v33, v9;
	v16 =	vld.idx.msk [tilespmem:v28+s13+$0x0], $0xffff  }
0x63: {  	v19 =	vadd.s32 $0xB, v5;
	v18 =	vor.u32 v2, v32;
	v3 =	vmov v15;
	v7 =	vld.idx.msk [tilespmem:v23+s13+$0x0], $0xffff  }
0x64: {  	v19 =	vand.u32 $0x7F, v19;
	v15 =	vld.idx.msk [tilespmem:v20+s12+$0x0], $0xffff  }
0x65: {  	v19 =	vor.u32 v2, v19;
	v27 =	vadd.s32 $0x6, v5;
	v20 =	vld.idx.msk [tilespmem:v30+s13+$0x0], $0xffff  }
0x66: {  	v27 =	vand.u32 $0x7F, v27;
	v28 =	vld.idx.msk [tilespmem:v30+s12+$0x0], $0xffff  }
0x67: {  	v27 =	vor.u32 v2, v27;
	v24 =	vld.idx.msk [tilespmem:v24+s12+$0x0], $0xffff  }
0x68: {  	v13 =	vmul.f32 v16, v13;
	v16 =	vadd.s32 $0xC, v5;
	v29 =	vld.idx.msk [tilespmem:v18+s12+$0x0], $0xffff  }
0x69: {  	v30 =	vadd.s32 $0xD, v5;
	v16 =	vand.u32 $0x7F, v16;
	v18 =	vld.idx.msk [tilespmem:v18+s13+$0x0], $0xffff  }
0x6a: {  	v5 =	vadd.s32 $0x10, v5;
	v31 =	vmul.f32 v17, v15;
	v33 =	vor.u32 v2, v16;
	v32 =	vld.idx.msk [tilespmem:v19+s12+$0x0], $0xffff  }
0x6b: {  	v8 =	vadd.f32 v9, v8;
	v9 =	vadd.s32 $0xF, v25;
	v5 =	vand.u32 $0x7F, v5;
	v34 =	vld.idx.msk [tilespmem:v19+s13+$0x0], $0xffff  }
0x6c: {  	v16 =	vmul.f32 v22, v21;
	v21 =	vand.u32 $0x7F, v9;
	v19 =	vmul.f32 v20, v28;
	v15 =	vld.idx.msk [tilespmem:v27+s12+$0x0], $0xffff  }
.Ltmp1:
0x6d: {  	v22 =	vadd.s32 $0xE, v25;
	v20 =	vmul.f32 v14, v24;
	v14 =	vand.u32 $0x7F, v30;
	v17 =	vld.idx.msk [tilespmem:v27+s13+$0x0], $0xffff;
	(pc) =	sbr.rel @p0 .LBB2_6-.Ltmp1, $4  }
0x6e: {  	v9 =	vadd.f32 v16, v10;
	v8 =	vadd.f32 v19, v8;
	v19 =	vor.u32 v2, v14;
	v16 =	vld.idx.msk [tilespmem:v23+s12+$0x0], $0xffff  }
0x6f: {  	v22 =	vand.u32 $0x7F, v22;
	v12 =	vadd.f32 v31, v12;
	v23 =	vmul.f32 v18, v29;
	v14 =	vld.idx.msk [tilespmem:v33+s12+$0x0], $0xffff  }
0x70: {  	v10 =	vadd.f32 v13, v11;
	v8 =	vadd.f32 v20, v8;
	v20 =	vor.u32 v2, v22;
	v18 =	vld.idx.msk [tilespmem:v33+s13+$0x0], $0xffff  }
0x71: {  	v21 =	vor.u32 v2, v21;
	v11 =	vadd.f32 v23, v12;
	v13 =	vmul.f32 v34, v32;
	v12 =	vld.idx.msk [tilespmem:v26+s13+$0x0], $0xffff  }
0x72: {  	_ =	sdelay $0x3  }
0x73: {  	v2 =	vld.idx.msk [tilespmem:v6+s12+$0x0], $0xffff  }
0x74: {  	v5 =	vld.idx.msk [tilespmem:v19+s12+$0x0], $0xffff  }
0x75: {  	v54 =	vld.idx.msk [tilespmem:v19+s13+$0x0], $0xffff  }
0x76: {  	v55 =	vld.idx.msk [tilespmem:v20+s12+$0x0], $0xffff  }
0x77: {  	v22 =	vld.idx.msk [tilespmem:v21+s12+$0x0], $0xffff  }
0x78: {  	v57 =	vld.idx.msk [tilespmem:v21+s13+$0x0], $0xffff  }
0x79: {  	v56 =	vld.idx.msk [tilespmem:v20+s13+$0x0], $0xffff;
	v15 =	vmul.f32 v17, v15  }
0x7a: {  	v7 =	vmul.f32 v7, v16  }
0x7b: {  	v60 =	vadd.f32 v15, v10;
	v59 =	vmul.f32 v18, v14  }
0x7c: {  	v58 =	vadd.f32 v7, v9;
	v3 =	vmul.f32 v12, v3;
	v2 =	vmul.f32 v4, v2  }
0x7d: {  	v61 =	vadd.f32 v13, v11;
	v5 =	vmul.f32 v54, v5;
	v63 =	vmul.f32 v57, v22  }
0x7e: {  	v62 =	vmul.f32 v56, v55;
	v3 =	vadd.f32 v3, v60;
	v2 =	vadd.f32 v2, v58  }
0x7f: {  	v7 =	vadd.f32 v59, v8;
	v4 =	vadd.f32 v63, v61  }
0x80: {  	v3 =	vadd.f32 v62, v3;
	v2 =	vadd.f32 v5, v2;
	_ =	sdelay $0x1  }
0x81: {  	v3 =	vadd.f32 v4, v3;
	v2 =	vadd.f32 v2, v7;
	_ =	sdelay $0x1  }
0x82: {  	v2 =	vadd.f32 v3, v2;
	_ =	sdelay $0x1  }
0x83: {  	vm0 =	vlt.f32 v2, $1.000000010e-01  }
0x84: {  	v2 =	vsel vm0, $0x0, v2  }
0x85: {  	[tilespmem:v1+s19+$0x13F00 ss:$0x1] =	vst.idx.msk $0xffff, v2  }
0x86: {  	v3 =	vld.idx.msk [tilespmem:v1+s19+$0x0 ss:$0x1], $0xffff;
	_ =	sdelay $0x1  }
0x87: {  	s17 =	sadd.s32 $0x1, s17  }
0x88: {  	p0 =	sne.s32 s17, $0x5  }
.Ltmp2:
0x89: {  	_ = 	snop;
	(pc) =	sbr.rel @p0 .LBB2_5-.Ltmp2, $2  }
0x8a: {  	_ =	sdelay $0x2  }
0x8b: {  	[tilespmem:v3+s23+$0x0] =	vst.idx.add.f32.msk $0xffff, v2  }
0x8c: {  	s17 =	sadd.s32 $0xF0, s15  }
0x8d: {  	[tilespmem:s12], [sflag:$0x1] =	stream.indirect.gather [hbm4b:s3+s11], $0x80, s17, s11, $0xb8;
	[tilespmem:$0x18E00] =	vst v63  }
0x8e: {  	s29 =	sadd.s32 $0x2870, s15  }
0x8f: {  	[tilespmem:s13], [sflag:$0x4] =	stream.indirect.gather [hbm4b:s3+s11], $0x80, s29, s11, $0xb8;
	[tilespmem:$0x18E00] =	vst v63  }
0x90: {  	_ =	swait.ge [sflag:s24], $0x2800  }
0x91: {  	[sflag:s24] =	ssyncset.done $0x0  }
0x92: {  	[sflag:s24] =	ssyncadd.s32 $0xFFFFD800  }
0x93: {  	_ =	swait.ge [sflag:s25], $0x2800  }
0x94: {  	s19 =	sadd.s32 $0x50, s15;
	[sflag:s25] =	ssyncset.done $0x0  }
0x95: {  	s17 =	simm.s32 $0x0;
	v1 =	vmov s19;
	[sflag:s25] =	ssyncadd.s32 $0xFFFFD800  }
.LBB2_9:
0x96: {  	s19 =	sshll.u32 s17, $0x4;
	v8 =	vlaneseq.u32  }
0x97: {  	v2 =	vmov s19;
	v3 =	vmul.u32 $0x80, v8  }
0x98: {  	v4 =	vadd.s32 $0x1, v8;
	v2 =	vshll.u32 v2, $0x7  }
0x99: {  	v2 =	vor.u32 v3, v2;
	v3 =	vand.u32 $0x7F, v4  }
0x9a: {  	v3 =	vor.u32 v2, v3;
	_ =	sdelay $0x1  }
0x9b: {  	v6 =	vadd.s32 $0x2, v8;
	v5 =	vor.u32 v2, v8  }
0x9c: {  	v6 =	vand.u32 $0x7F, v6  }
0x9d: {  	v22 =	vadd.s32 $0xB, v8;
	v9 =	vor.u32 v2, v6  }
0x9e: {  	v22 =	vand.u32 $0x7F, v22;
	v10 =	vld.idx.msk [tilespmem:v3+s14+$0x0], $0xffff  }
0x9f: {  	v4 =	vadd.s32 $0xA, v8;
	v22 =	vor.u32 v2, v22;
	v13 =	vld.idx.msk [tilespmem:v3+s16+$0x0], $0xffff  }
0xa0: {  	v7 =	vadd.s32 $0x8, v8;
	v4 =	vand.u32 $0x7F, v4;
	v15 =	vld.idx.msk [tilespmem:v5+s16+$0x0], $0xffff  }
0xa1: {  	v12 =	vor.u32 v2, v4;
	v4 =	vand.u32 $0x7F, v7;
	v7 =	vadd.s32 $0x3, v8;
	v5 =	vld.idx.msk [tilespmem:v5+s14+$0x0], $0xffff  }
0xa2: {  	v11 =	vor.u32 v2, v4;
	v4 =	vand.u32 $0x7F, v7;
	v17 =	vld.idx.msk [tilespmem:v9+s14+$0x0], $0xffff  }
0xa3: {  	v14 =	vor.u32 v2, v4;
	v4 =	vadd.s32 $0x5, v8;
	v9 =	vld.idx.msk [tilespmem:v9+s16+$0x0], $0xffff  }
0xa4: {  	v7 =	vadd.s32 $0x4, v8;
	v4 =	vand.u32 $0x7F, v4;
	v3 =	vadd.s32 $0x9, v8;
	v29 =	vld.idx.msk [tilespmem:v22+s14+$0x0], $0xffff  }
0xa5: {  	v16 =	vor.u32 v2, v4;
	v4 =	vand.u32 $0x7F, v7;
	v22 =	vld.idx.msk [tilespmem:v22+s16+$0x0], $0xffff;
	v3 =	vand.u32 $0x7F, v3  }
0xa6: {  	v19 =	vor.u32 v2, v4;
	v6 =	vor.u32 v2, v3;
	v3 =	vld.idx.msk [tilespmem:v12+s14+$0x0], $0xffff  }
0xa7: {  	v7 =	vadd.s32 $0x7, v8;
	v18 =	vld.idx.msk [tilespmem:v11+s16+$0x0], $0xffff  }
0xa8: {  	v21 =	vand.u32 $0x7F, v7;
	v11 =	vld.idx.msk [tilespmem:v11+s14+$0x0], $0xffff  }
0xa9: {  	v21 =	vor.u32 v2, v21;
	v20 =	vld.idx.msk [tilespmem:v14+s16+$0x0], $0xffff  }
0xaa: {  	v14 =	vld.idx.msk [tilespmem:v14+s14+$0x0], $0xffff  }
0xab: {  	v24 =	vadd.s32 $0x6, v8;
	v23 =	vld.idx.msk [tilespmem:v19+s16+$0x0], $0xffff  }
0xac: {  	v25 =	vimm.f32 $0.0e+00;
	v24 =	vand.u32 $0x7F, v24;
	v19 =	vld.idx.msk [tilespmem:v19+s14+$0x0], $0xffff  }
0xad: {  	v24 =	vor.u32 v2, v24;
	v12 =	vld.idx.msk [tilespmem:v12+s16+$0x0], $0xffff;
	v5 =	vmul.f32 v15, v5;
	v15 =	vadd.s32 $0xC, v8  }
0xae: {  	v28 =	vadd.s32 $0xD, v8;
	v27 =	vmul.f32 v9, v17;
	v9 =	vand.u32 $0x7F, v15;
	v26 =	vld.idx.msk [tilespmem:v21+s14+$0x0], $0xffff  }
0xaf: {  	v17 =	vadd.s32 $0xF, v8;
	v21 =	vld.idx.msk [tilespmem:v21+s16+$0x0], $0xffff;
	v14 =	vmul.f32 v20, v14;
	v20 =	vor.u32 v2, v9  }
0xb0: {  	v7 =	vld.idx.msk [tilespmem:v16+s16+$0x0], $0xffff;
	v30 =	vadd.f32 v5, v25;
	v9 =	vadd.s32 $0x10, v8;
	v8 =	vadd.s32 $0xE, v8  }
0xb1: {  	v16 =	vld.idx.msk [tilespmem:v16+s14+$0x0], $0xffff;
	v5 =	vand.u32 $0x7F, v9;
	v9 =	vmul.f32 v13, v10;
	v10 =	vmul.f32 v23, v19  }
0xb2: {  	v15 =	vld.idx.msk [tilespmem:v24+s14+$0x0], $0xffff;
	v11 =	vmul.f32 v18, v11;
	v13 =	vand.u32 $0x7F, v28;
	v63 =	vand.u32 $0x7F, v8  }
0xb3: {  	v23 =	vand.u32 $0x7F, v17;
	v17 =	vld.idx.msk [tilespmem:v24+s16+$0x0], $0xffff;
	v19 =	vor.u32 v2, v13;
	v18 =	vadd.f32 v10, v30  }
0xb4: {  	v9 =	vadd.f32 v9, v25;
	v13 =	vadd.f32 v14, v25;
	v21 =	vmul.f32 v21, v26;
	v14 =	vld.idx.msk [tilespmem:v20+s14+$0x0], $0xffff  }
0xb5: {  	v10 =	vadd.f32 v27, v25;
	v8 =	vadd.f32 v11, v18;
	v18 =	vld.idx.msk [tilespmem:v20+s16+$0x0], $0xffff;
	v20 =	vor.u32 v2, v63  }
0xb6: {  	s29 =	simm.s32 $0x7;
	v4 =	vld.idx.msk [tilespmem:v6+s16+$0x0], $0xffff;
	v11 =	vadd.f32 v21, v13;
	v13 =	vmul.f32 v22, v29;
	v21 =	vor.u32 v2, v23  }
.LBB2_10:
0xb7: {  	v22 =	vadd.s32 $0x1, v5;
	v23 =	vadd.s32 $0x5, v5;
	v24 =	vadd.s32 $0x8, v5;
	p0 =	sne.s32 s29, $0x1;
	s29 =	sadd.s32 $0xFFFFFFFF, s29;
	v6 =	vld.idx.msk [tilespmem:v6+s14+$0x0], $0xffff;
	v25 =	vmovc v5  }
0xb8: {  	v15 =	vmul.f32 v17, v15;
	v22 =	vand.u32 $0x7F, v22;
	v24 =	vand.u32 $0x7F, v24;
	v17 =	vld.idx.msk [tilespmem:v19+s14+$0x0], $0xffff  }
0xb9: {  	v26 =	vadd.s32 $0xA, v5;
	v22 =	vor.u32 v2, v22;
	v24 =	vor.u32 v2, v24;
	v19 =	vld.idx.msk [tilespmem:v19+s16+$0x0], $0xffff  }
0xba: {  	v27 =	vor.u32 v2, v5;
	v28 =	vadd.s32 $0x2, v5;
	v26 =	vand.u32 $0x7F, v26;
	v29 =	vld.idx.msk [tilespmem:v20+s14+$0x0], $0xffff  }
0xbb: {  	v30 =	vadd.s32 $0x3, v5;
	v28 =	vand.u32 $0x7F, v28;
	v26 =	vor.u32 v2, v26;
	v31 =	vld.idx.msk [tilespmem:v21+s14+$0x0], $0xffff  }
0xbc: {  	v30 =	vand.u32 $0x7F, v30;
	v7 =	vmul.f32 v7, v16;
	v28 =	vor.u32 v2, v28;
	v16 =	vld.idx.msk [tilespmem:v20+s16+$0x0], $0xffff  }
0xbd: {  	v14 =	vmul.f32 v18, v14;
	v20 =	vor.u32 v2, v30;
	v30 =	vadd.s32 $0x4, v5;
	v18 =	vld.idx.msk [tilespmem:v21+s16+$0x0], $0xffff  }
0xbe: {  	v32 =	vadd.s32 $0x7, v5;
	v4 =	vmul.f32 v4, v6;
	v30 =	vand.u32 $0x7F, v30;
	v21 =	vld.idx.msk [tilespmem:v22+s14+$0x0], $0xffff  }
0xbf: {  	v32 =	vand.u32 $0x7F, v32;
	v6 =	vadd.s32 $0x9, v5;
	v30 =	vor.u32 v2, v30;
	v22 =	vld.idx.msk [tilespmem:v22+s16+$0x0], $0xffff  }
0xc0: {  	v23 =	vand.u32 $0x7F, v23;
	v7 =	vadd.f32 v7, v9;
	v6 =	vand.u32 $0x7F, v6;
	v33 =	vld.idx.msk [tilespmem:v27+s16+$0x0], $0xffff  }
0xc1: {  	v23 =	vor.u32 v2, v23;
	v10 =	vadd.f32 v15, v10;
	v6 =	vor.u32 v2, v6;
	v9 =	vld.idx.msk [tilespmem:v27+s14+$0x0], $0xffff  }
0xc2: {  	v4 =	vadd.f32 v4, v7;
	v7 =	vadd.f32 v13, v11;
	v11 =	vmul.f32 v16, v29;
	v15 =	vld.idx.msk [tilespmem:v26+s14+$0x0], $0xffff  }
0xc3: {  	v3 =	vmul.f32 v12, v3;
	v8 =	vadd.f32 v14, v8;
	v12 =	vmul.f32 v19, v17;
	v13 =	vld.idx.msk [tilespmem:v28+s14+$0x0], $0xffff  }
0xc4: {  	v16 =	vmul.f32 v18, v31;
	v14 =	vld.idx.msk [tilespmem:v24+s16+$0x0], $0xffff  }
0xc5: {  	v27 =	vadd.f32 v3, v10;
	v10 =	vadd.f32 v12, v4;
	v17 =	vld.idx.msk [tilespmem:v20+s16+$0x0], $0xffff  }
0xc6: {  	v12 =	vadd.f32 v16, v7;
	v4 =	vld.idx.msk [tilespmem:v6+s16+$0x0], $0xffff  }
0xc7: {  	v11 =	vadd.f32 v11, v27;
	v9 =	vmul.f32 v33, v9;
	v16 =	vld.idx.msk [tilespmem:v28+s16+$0x0], $0xffff  }
0xc8: {  	v19 =	vadd.s32 $0xB, v5;
	v18 =	vor.u32 v2, v32;
	v3 =	vmov v15;
	v7 =	vld.idx.msk [tilespmem:v23+s16+$0x0], $0xffff  }
0xc9: {  	v19 =	vand.u32 $0x7F, v19;
	v15 =	vld.idx.msk [tilespmem:v20+s14+$0x0], $0xffff  }
0xca: {  	v19 =	vor.u32 v2, v19;
	v27 =	vadd.s32 $0x6, v5;
	v20 =	vld.idx.msk [tilespmem:v30+s16+$0x0], $0xffff  }
0xcb: {  	v27 =	vand.u32 $0x7F, v27;
	v28 =	vld.idx.msk [tilespmem:v30+s14+$0x0], $0xffff  }
0xcc: {  	v27 =	vor.u32 v2, v27;
	v24 =	vld.idx.msk [tilespmem:v24+s14+$0x0], $0xffff  }
0xcd: {  	v13 =	vmul.f32 v16, v13;
	v16 =	vadd.s32 $0xC, v5;
	v29 =	vld.idx.msk [tilespmem:v18+s14+$0x0], $0xffff  }
0xce: {  	v30 =	vadd.s32 $0xD, v5;
	v16 =	vand.u32 $0x7F, v16;
	v18 =	vld.idx.msk [tilespmem:v18+s16+$0x0], $0xffff  }
0xcf: {  	v5 =	vadd.s32 $0x10, v5;
	v31 =	vmul.f32 v17, v15;
	v33 =	vor.u32 v2, v16;
	v32 =	vld.idx.msk [tilespmem:v19+s14+$0x0], $0xffff  }
0xd0: {  	v8 =	vadd.f32 v9, v8;
	v9 =	vadd.s32 $0xF, v25;
	v5 =	vand.u32 $0x7F, v5;
	v34 =	vld.idx.msk [tilespmem:v19+s16+$0x0], $0xffff  }
0xd1: {  	v16 =	vmul.f32 v22, v21;
	v21 =	vand.u32 $0x7F, v9;
	v19 =	vmul.f32 v20, v28;
	v15 =	vld.idx.msk [tilespmem:v27+s14+$0x0], $0xffff  }
.Ltmp3:
0xd2: {  	v22 =	vadd.s32 $0xE, v25;
	v20 =	vmul.f32 v14, v24;
	v14 =	vand.u32 $0x7F, v30;
	v17 =	vld.idx.msk [tilespmem:v27+s16+$0x0], $0xffff;
	(pc) =	sbr.rel @p0 .LBB2_10-.Ltmp3, $4  }
0xd3: {  	v9 =	vadd.f32 v16, v10;
	v8 =	vadd.f32 v19, v8;
	v19 =	vor.u32 v2, v14;
	v16 =	vld.idx.msk [tilespmem:v23+s14+$0x0], $0xffff  }
0xd4: {  	v22 =	vand.u32 $0x7F, v22;
	v12 =	vadd.f32 v31, v12;
	v23 =	vmul.f32 v18, v29;
	v14 =	vld.idx.msk [tilespmem:v33+s14+$0x0], $0xffff  }
0xd5: {  	v10 =	vadd.f32 v13, v11;
	v8 =	vadd.f32 v20, v8;
	v20 =	vor.u32 v2, v22;
	v18 =	vld.idx.msk [tilespmem:v33+s16+$0x0], $0xffff  }
0xd6: {  	v21 =	vor.u32 v2, v21;
	v11 =	vadd.f32 v23, v12;
	v13 =	vmul.f32 v34, v32;
	v12 =	vld.idx.msk [tilespmem:v26+s16+$0x0], $0xffff  }
0xd7: {  	_ =	sdelay $0x3  }
0xd8: {  	v2 =	vld.idx.msk [tilespmem:v6+s14+$0x0], $0xffff  }
0xd9: {  	v5 =	vld.idx.msk [tilespmem:v19+s14+$0x0], $0xffff  }
0xda: {  	v54 =	vld.idx.msk [tilespmem:v19+s16+$0x0], $0xffff  }
0xdb: {  	v55 =	vld.idx.msk [tilespmem:v20+s14+$0x0], $0xffff  }
0xdc: {  	v22 =	vld.idx.msk [tilespmem:v21+s14+$0x0], $0xffff  }
0xdd: {  	v57 =	vld.idx.msk [tilespmem:v21+s16+$0x0], $0xffff  }
0xde: {  	v56 =	vld.idx.msk [tilespmem:v20+s16+$0x0], $0xffff;
	v15 =	vmul.f32 v17, v15  }
0xdf: {  	v7 =	vmul.f32 v7, v16  }
0xe0: {  	v60 =	vadd.f32 v15, v10;
	v59 =	vmul.f32 v18, v14  }
0xe1: {  	v58 =	vadd.f32 v7, v9;
	v3 =	vmul.f32 v12, v3;
	v2 =	vmul.f32 v4, v2  }
0xe2: {  	v61 =	vadd.f32 v13, v11;
	v5 =	vmul.f32 v54, v5;
	v63 =	vmul.f32 v57, v22  }
0xe3: {  	v62 =	vmul.f32 v56, v55;
	v3 =	vadd.f32 v3, v60;
	v2 =	vadd.f32 v2, v58  }
0xe4: {  	v7 =	vadd.f32 v59, v8;
	v4 =	vadd.f32 v63, v61  }
0xe5: {  	v3 =	vadd.f32 v62, v3;
	v2 =	vadd.f32 v5, v2;
	_ =	sdelay $0x1  }
0xe6: {  	v3 =	vadd.f32 v4, v3;
	v2 =	vadd.f32 v2, v7;
	_ =	sdelay $0x1  }
0xe7: {  	v2 =	vadd.f32 v3, v2;
	_ =	sdelay $0x1  }
0xe8: {  	vm0 =	vlt.f32 v2, $1.000000010e-01  }
0xe9: {  	v2 =	vsel vm0, $0x0, v2  }
0xea: {  	[tilespmem:v1+s19+$0x13F00 ss:$0x1] =	vst.idx.msk $0xffff, v2  }
0xeb: {  	v3 =	vld.idx.msk [tilespmem:v1+s19+$0x0 ss:$0x1], $0xffff;
	_ =	sdelay $0x1  }
0xec: {  	s17 =	sadd.s32 $0x1, s17  }
0xed: {  	p0 =	sne.s32 s17, $0x5  }
.Ltmp4:
0xee: {  	_ = 	snop;
	(pc) =	sbr.rel @p0 .LBB2_9-.Ltmp4, $2  }
0xef: {  	_ =	sdelay $0x2  }
0xf0: {  	[tilespmem:v3+s23+$0x0] =	vst.idx.add.f32.msk $0xffff, v2  }
0xf1: {  	s17 =	sadd.s32 $0x140, s15  }
0xf2: {  	[tilespmem:s14], [sflag:$0x2] =	stream.indirect.gather [hbm4b:s3+s11], $0x80, s17, s11, $0xb8;
	[tilespmem:$0x18E00] =	vst v63  }
0xf3: {  	s29 =	sadd.s32 $0x28C0, s15  }
0xf4: {  	[tilespmem:s16], [sflag:$0x5] =	stream.indirect.gather [hbm4b:s3+s11], $0x80, s29, s11, $0xb8;
	[tilespmem:$0x18E00] =	vst v63  }
0xf5: {  	_ =	swait.ge [sflag:s26], $0x2800  }
0xf6: {  	[sflag:s26] =	ssyncset.done $0x0  }
0xf7: {  	[sflag:s26] =	ssyncadd.s32 $0xFFFFD800  }
0xf8: {  	_ =	swait.ge [sflag:s28], $0x2800  }
0xf9: {  	s19 =	sadd.s32 $0xA0, s15;
	[sflag:s28] =	ssyncset.done $0x0  }
0xfa: {  	s17 =	simm.s32 $0x0;
	v1 =	vmov s19;
	[sflag:s28] =	ssyncadd.s32 $0xFFFFD800  }
.LBB2_13:
0xfb: {  	s19 =	sshll.u32 s17, $0x4;
	v8 =	vlaneseq.u32  }
0xfc: {  	v2 =	vmov s19;
	v3 =	vmul.u32 $0x80, v8  }
0xfd: {  	v4 =	vadd.s32 $0x1, v8;
	v2 =	vshll.u32 v2, $0x7  }
0xfe: {  	v2 =	vor.u32 v3, v2;
	v3 =	vand.u32 $0x7F, v4  }
0xff: {  	v3 =	vor.u32 v2, v3;
	_ =	sdelay $0x1  }
0x100: {  	v6 =	vadd.s32 $0x2, v8;
	v5 =	vor.u32 v2, v8  }
0x101: {  	v6 =	vand.u32 $0x7F, v6  }
0x102: {  	v22 =	vadd.s32 $0xB, v8;
	v9 =	vor.u32 v2, v6  }
0x103: {  	v22 =	vand.u32 $0x7F, v22;
	v10 =	vld.idx.msk [tilespmem:v3+s18+$0x0], $0xffff  }
0x104: {  	v4 =	vadd.s32 $0xA, v8;
	v22 =	vor.u32 v2, v22;
	v13 =	vld.idx.msk [tilespmem:v3+s20+$0x0], $0xffff  }
0x105: {  	v7 =	vadd.s32 $0x8, v8;
	v4 =	vand.u32 $0x7F, v4;
	v15 =	vld.idx.msk [tilespmem:v5+s20+$0x0], $0xffff  }
0x106: {  	v12 =	vor.u32 v2, v4;
	v4 =	vand.u32 $0x7F, v7;
	v7 =	vadd.s32 $0x3, v8;
	v5 =	vld.idx.msk [tilespmem:v5+s18+$0x0], $0xffff  }
0x107: {  	v11 =	vor.u32 v2, v4;
	v4 =	vand.u32 $0x7F, v7;
	v17 =	vld.idx.msk [tilespmem:v9+s18+$0x0], $0xffff  }
0x108: {  	v14 =	vor.u32 v2, v4;
	v4 =	vadd.s32 $0x5, v8;
	v9 =	vld.idx.msk [tilespmem:v9+s20+$0x0], $0xffff  }
0x109: {  	v7 =	vadd.s32 $0x4, v8;
	v4 =	vand.u32 $0x7F, v4;
	v3 =	vadd.s32 $0x9, v8;
	v29 =	vld.idx.msk [tilespmem:v22+s18+$0x0], $0xffff  }
0x10a: {  	v16 =	vor.u32 v2, v4;
	v4 =	vand.u32 $0x7F, v7;
	v22 =	vld.idx.msk [tilespmem:v22+s20+$0x0], $0xffff;
	v3 =	vand.u32 $0x7F, v3  }
0x10b: {  	v19 =	vor.u32 v2, v4;
	v6 =	vor.u32 v2, v3;
	v3 =	vld.idx.msk [tilespmem:v12+s18+$0x0], $0xffff  }
0x10c: {  	v7 =	vadd.s32 $0x7, v8;
	v18 =	vld.idx.msk [tilespmem:v11+s20+$0x0], $0xffff  }
0x10d: {  	v21 =	vand.u32 $0x7F, v7;
	v11 =	vld.idx.msk [tilespmem:v11+s18+$0x0], $0xffff  }
0x10e: {  	v21 =	vor.u32 v2, v21;
	v20 =	vld.idx.msk [tilespmem:v14+s20+$0x0], $0xffff  }
0x10f: {  	v14 =	vld.idx.msk [tilespmem:v14+s18+$0x0], $0xffff  }
0x110: {  	v24 =	vadd.s32 $0x6, v8;
	v23 =	vld.idx.msk [tilespmem:v19+s20+$0x0], $0xffff  }
0x111: {  	v25 =	vimm.f32 $0.0e+00;
	v24 =	vand.u32 $0x7F, v24;
	v19 =	vld.idx.msk [tilespmem:v19+s18+$0x0], $0xffff  }
0x112: {  	v24 =	vor.u32 v2, v24;
	v12 =	vld.idx.msk [tilespmem:v12+s20+$0x0], $0xffff;
	v5 =	vmul.f32 v15, v5;
	v15 =	vadd.s32 $0xC, v8  }
0x113: {  	v28 =	vadd.s32 $0xD, v8;
	v27 =	vmul.f32 v9, v17;
	v9 =	vand.u32 $0x7F, v15;
	v26 =	vld.idx.msk [tilespmem:v21+s18+$0x0], $0xffff  }
0x114: {  	v17 =	vadd.s32 $0xF, v8;
	v21 =	vld.idx.msk [tilespmem:v21+s20+$0x0], $0xffff;
	v14 =	vmul.f32 v20, v14;
	v20 =	vor.u32 v2, v9  }
0x115: {  	v7 =	vld.idx.msk [tilespmem:v16+s20+$0x0], $0xffff;
	v30 =	vadd.f32 v5, v25;
	v9 =	vadd.s32 $0x10, v8;
	v8 =	vadd.s32 $0xE, v8  }
0x116: {  	v16 =	vld.idx.msk [tilespmem:v16+s18+$0x0], $0xffff;
	v5 =	vand.u32 $0x7F, v9;
	v9 =	vmul.f32 v13, v10;
	v10 =	vmul.f32 v23, v19  }
0x117: {  	v15 =	vld.idx.msk [tilespmem:v24+s18+$0x0], $0xffff;
	v11 =	vmul.f32 v18, v11;
	v13 =	vand.u32 $0x7F, v28;
	v63 =	vand.u32 $0x7F, v8  }
0x118: {  	v23 =	vand.u32 $0x7F, v17;
	v17 =	vld.idx.msk [tilespmem:v24+s20+$0x0], $0xffff;
	v19 =	vor.u32 v2, v13;
	v18 =	vadd.f32 v10, v30  }
0x119: {  	v9 =	vadd.f32 v9, v25;
	v13 =	vadd.f32 v14, v25;
	v21 =	vmul.f32 v21, v26;
	v14 =	vld.idx.msk [tilespmem:v20+s18+$0x0], $0xffff  }
0x11a: {  	v10 =	vadd.f32 v27, v25;
	v8 =	vadd.f32 v11, v18;
	v18 =	vld.idx.msk [tilespmem:v20+s20+$0x0], $0xffff;
	v20 =	vor.u32 v2, v63  }
0x11b: {  	s29 =	simm.s32 $0x7;
	v4 =	vld.idx.msk [tilespmem:v6+s20+$0x0], $0xffff;
	v11 =	vadd.f32 v21, v13;
	v13 =	vmul.f32 v22, v29;
	v21 =	vor.u32 v2, v23  }
.LBB2_14:
0x11c: {  	v22 =	vadd.s32 $0x1, v5;
	v23 =	vadd.s32 $0x5, v5;
	v24 =	vadd.s32 $0x8, v5;
	p0 =	sne.s32 s29, $0x1;
	s29 =	sadd.s32 $0xFFFFFFFF, s29;
	v6 =	vld.idx.msk [tilespmem:v6+s18+$0x0], $0xffff;
	v25 =	vmovc v5  }
0x11d: {  	v15 =	vmul.f32 v17, v15;
	v22 =	vand.u32 $0x7F, v22;
	v24 =	vand.u32 $0x7F, v24;
	v17 =	vld.idx.msk [tilespmem:v19+s18+$0x0], $0xffff  }
0x11e: {  	v26 =	vadd.s32 $0xA, v5;
	v22 =	vor.u32 v2, v22;
	v24 =	vor.u32 v2, v24;
	v19 =	vld.idx.msk [tilespmem:v19+s20+$0x0], $0xffff  }
0x11f: {  	v27 =	vor.u32 v2, v5;
	v28 =	vadd.s32 $0x2, v5;
	v26 =	vand.u32 $0x7F, v26;
	v29 =	vld.idx.msk [tilespmem:v20+s18+$0x0], $0xffff  }
0x120: {  	v30 =	vadd.s32 $0x3, v5;
	v28 =	vand.u32 $0x7F, v28;
	v26 =	vor.u32 v2, v26;
	v31 =	vld.idx.msk [tilespmem:v21+s18+$0x0], $0xffff  }
0x121: {  	v30 =	vand.u32 $0x7F, v30;
	v7 =	vmul.f32 v7, v16;
	v28 =	vor.u32 v2, v28;
	v16 =	vld.idx.msk [tilespmem:v20+s20+$0x0], $0xffff  }
0x122: {  	v14 =	vmul.f32 v18, v14;
	v20 =	vor.u32 v2, v30;
	v30 =	vadd.s32 $0x4, v5;
	v18 =	vld.idx.msk [tilespmem:v21+s20+$0x0], $0xffff  }
0x123: {  	v32 =	vadd.s32 $0x7, v5;
	v4 =	vmul.f32 v4, v6;
	v30 =	vand.u32 $0x7F, v30;
	v21 =	vld.idx.msk [tilespmem:v22+s18+$0x0], $0xffff  }
0x124: {  	v32 =	vand.u32 $0x7F, v32;
	v6 =	vadd.s32 $0x9, v5;
	v30 =	vor.u32 v2, v30;
	v22 =	vld.idx.msk [tilespmem:v22+s20+$0x0], $0xffff  }
0x125: {  	v23 =	vand.u32 $0x7F, v23;
	v7 =	vadd.f32 v7, v9;
	v6 =	vand.u32 $0x7F, v6;
	v33 =	vld.idx.msk [tilespmem:v27+s20+$0x0], $0xffff  }
0x126: {  	v23 =	vor.u32 v2, v23;
	v10 =	vadd.f32 v15, v10;
	v6 =	vor.u32 v2, v6;
	v9 =	vld.idx.msk [tilespmem:v27+s18+$0x0], $0xffff  }
0x127: {  	v4 =	vadd.f32 v4, v7;
	v7 =	vadd.f32 v13, v11;
	v11 =	vmul.f32 v16, v29;
	v15 =	vld.idx.msk [tilespmem:v26+s18+$0x0], $0xffff  }
0x128: {  	v3 =	vmul.f32 v12, v3;
	v8 =	vadd.f32 v14, v8;
	v12 =	vmul.f32 v19, v17;
	v13 =	vld.idx.msk [tilespmem:v28+s18+$0x0], $0xffff  }
0x129: {  	v16 =	vmul.f32 v18, v31;
	v14 =	vld.idx.msk [tilespmem:v24+s20+$0x0], $0xffff  }
0x12a: {  	v27 =	vadd.f32 v3, v10;
	v10 =	vadd.f32 v12, v4;
	v17 =	vld.idx.msk [tilespmem:v20+s20+$0x0], $0xffff  }
0x12b: {  	v12 =	vadd.f32 v16, v7;
	v4 =	vld.idx.msk [tilespmem:v6+s20+$0x0], $0xffff  }
0x12c: {  	v11 =	vadd.f32 v11, v27;
	v9 =	vmul.f32 v33, v9;
	v16 =	vld.idx.msk [tilespmem:v28+s20+$0x0], $0xffff  }
0x12d: {  	v19 =	vadd.s32 $0xB, v5;
	v18 =	vor.u32 v2, v32;
	v3 =	vmov v15;
	v7 =	vld.idx.msk [tilespmem:v23+s20+$0x0], $0xffff  }
0x12e: {  	v19 =	vand.u32 $0x7F, v19;
	v15 =	vld.idx.msk [tilespmem:v20+s18+$0x0], $0xffff  }
0x12f: {  	v19 =	vor.u32 v2, v19;
	v27 =	vadd.s32 $0x6, v5;
	v20 =	vld.idx.msk [tilespmem:v30+s20+$0x0], $0xffff  }
0x130: {  	v27 =	vand.u32 $0x7F, v27;
	v28 =	vld.idx.msk [tilespmem:v30+s18+$0x0], $0xffff  }
0x131: {  	v27 =	vor.u32 v2, v27;
	v24 =	vld.idx.msk [tilespmem:v24+s18+$0x0], $0xffff  }
0x132: {  	v13 =	vmul.f32 v16, v13;
	v16 =	vadd.s32 $0xC, v5;
	v29 =	vld.idx.msk [tilespmem:v18+s18+$0x0], $0xffff  }
0x133: {  	v30 =	vadd.s32 $0xD, v5;
	v16 =	vand.u32 $0x7F, v16;
	v18 =	vld.idx.msk [tilespmem:v18+s20+$0x0], $0xffff  }
0x134: {  	v5 =	vadd.s32 $0x10, v5;
	v31 =	vmul.f32 v17, v15;
	v33 =	vor.u32 v2, v16;
	v32 =	vld.idx.msk [tilespmem:v19+s18+$0x0], $0xffff  }
0x135: {  	v8 =	vadd.f32 v9, v8;
	v9 =	vadd.s32 $0xF, v25;
	v5 =	vand.u32 $0x7F, v5;
	v34 =	vld.idx.msk [tilespmem:v19+s20+$0x0], $0xffff  }
0x136: {  	v16 =	vmul.f32 v22, v21;
	v21 =	vand.u32 $0x7F, v9;
	v19 =	vmul.f32 v20, v28;
	v15 =	vld.idx.msk [tilespmem:v27+s18+$0x0], $0xffff  }
.Ltmp5:
0x137: {  	v22 =	vadd.s32 $0xE, v25;
	v20 =	vmul.f32 v14, v24;
	v14 =	vand.u32 $0x7F, v30;
	v17 =	vld.idx.msk [tilespmem:v27+s20+$0x0], $0xffff;
	(pc) =	sbr.rel @p0 .LBB2_14-.Ltmp5, $4  }
0x138: {  	v9 =	vadd.f32 v16, v10;
	v8 =	vadd.f32 v19, v8;
	v19 =	vor.u32 v2, v14;
	v16 =	vld.idx.msk [tilespmem:v23+s18+$0x0], $0xffff  }
0x139: {  	v22 =	vand.u32 $0x7F, v22;
	v12 =	vadd.f32 v31, v12;
	v23 =	vmul.f32 v18, v29;
	v14 =	vld.idx.msk [tilespmem:v33+s18+$0x0], $0xffff  }
0x13a: {  	v10 =	vadd.f32 v13, v11;
	v8 =	vadd.f32 v20, v8;
	v20 =	vor.u32 v2, v22;
	v18 =	vld.idx.msk [tilespmem:v33+s20+$0x0], $0xffff  }
0x13b: {  	v21 =	vor.u32 v2, v21;
	v11 =	vadd.f32 v23, v12;
	v13 =	vmul.f32 v34, v32;
	v12 =	vld.idx.msk [tilespmem:v26+s20+$0x0], $0xffff  }
0x13c: {  	_ =	sdelay $0x3  }
0x13d: {  	v2 =	vld.idx.msk [tilespmem:v6+s18+$0x0], $0xffff  }
0x13e: {  	v5 =	vld.idx.msk [tilespmem:v19+s18+$0x0], $0xffff  }
0x13f: {  	v54 =	vld.idx.msk [tilespmem:v19+s20+$0x0], $0xffff  }
0x140: {  	v55 =	vld.idx.msk [tilespmem:v20+s18+$0x0], $0xffff  }
0x141: {  	v22 =	vld.idx.msk [tilespmem:v21+s18+$0x0], $0xffff  }
0x142: {  	v57 =	vld.idx.msk [tilespmem:v21+s20+$0x0], $0xffff  }
0x143: {  	v56 =	vld.idx.msk [tilespmem:v20+s20+$0x0], $0xffff;
	v15 =	vmul.f32 v17, v15  }
0x144: {  	v7 =	vmul.f32 v7, v16  }
0x145: {  	v60 =	vadd.f32 v15, v10;
	v59 =	vmul.f32 v18, v14  }
0x146: {  	v58 =	vadd.f32 v7, v9;
	v3 =	vmul.f32 v12, v3;
	v2 =	vmul.f32 v4, v2  }
0x147: {  	v61 =	vadd.f32 v13, v11;
	v5 =	vmul.f32 v54, v5;
	v63 =	vmul.f32 v57, v22  }
0x148: {  	v62 =	vmul.f32 v56, v55;
	v3 =	vadd.f32 v3, v60;
	v2 =	vadd.f32 v2, v58  }
0x149: {  	v7 =	vadd.f32 v59, v8;
	v4 =	vadd.f32 v63, v61  }
0x14a: {  	v3 =	vadd.f32 v62, v3;
	v2 =	vadd.f32 v5, v2;
	_ =	sdelay $0x1  }
0x14b: {  	v3 =	vadd.f32 v4, v3;
	v2 =	vadd.f32 v2, v7;
	_ =	sdelay $0x1  }
0x14c: {  	v2 =	vadd.f32 v3, v2;
	_ =	sdelay $0x1  }
0x14d: {  	vm0 =	vlt.f32 v2, $1.000000010e-01  }
0x14e: {  	v2 =	vsel vm0, $0x0, v2  }
0x14f: {  	[tilespmem:v1+s19+$0x13F00 ss:$0x1] =	vst.idx.msk $0xffff, v2  }
0x150: {  	v3 =	vld.idx.msk [tilespmem:v1+s19+$0x0 ss:$0x1], $0xffff;
	_ =	sdelay $0x1  }
0x151: {  	s17 =	sadd.s32 $0x1, s17  }
0x152: {  	p0 =	sne.s32 s17, $0x5  }
.Ltmp6:
0x153: {  	_ = 	snop;
	(pc) =	sbr.rel @p0 .LBB2_13-.Ltmp6, $2  }
0x154: {  	_ =	sdelay $0x2  }
0x155: {  	[tilespmem:v3+s23+$0x0] =	vst.idx.add.f32.msk $0xffff, v2  }
0x156: {  	p0 =	seq.s32 s1, $0x28  }
.Ltmp7:
0x157: {  	_ = 	snop;
	(pc) =	sbr.rel @p0 .LBB2_18-.Ltmp7, $1  }
0x158: {  	_ =	sdelay $0x3  }
.Ltmp8:
0x159: {  	(pc) =	sbr.rel .LBB2_4-.Ltmp8, $4  }
0x15a: {  	s17 =	sadd.s32 $0x190, s15  }
0x15b: {  	[tilespmem:s18], [sflag:$0x3] =	stream.indirect.gather [hbm4b:s3+s11], $0x80, s17, s11, $0xb8;
	[tilespmem:$0x18E00] =	vst v63  }
0x15c: {  	s29 =	sadd.s32 $0x2910, s15;
	s1 =	sadd.s32 $0x1, s1  }
0x15d: {  	[tilespmem:s20], [sflag:$0x6] =	stream.indirect.gather [hbm4b:s3+s11], $0x80, s29, s11, $0xb8;
	[tilespmem:$0x18E00] =	vst v63  }
.LBB2_18:
0x15e: {  	_ =	swait.ge [sflag:s21], $0x2800  }
0x15f: {  	[sflag:s21] =	ssyncset.done $0x0  }
0x160: {  	[sflag:s21] =	ssyncadd.s32 $0xFFFFD800  }
0x161: {  	_ =	swait.ge [sflag:s22], $0x2800  }
0x162: {  	[sflag:s22] =	ssyncset.done $0x0  }
0x163: {  	s1 =	simm.s32 $0x0;
	[sflag:s22] =	ssyncadd.s32 $0xFFFFD800  }
.LBB2_19:
0x164: {  	s15 =	sshll.u32 s1, $0x4;
	v7 =	vlaneseq.u32  }
0x165: {  	v1 =	vmov s15;
	v2 =	vmul.u32 $0x80, v7  }
0x166: {  	v3 =	vadd.s32 $0x1, v7;
	v1 =	vshll.u32 v1, $0x7  }
0x167: {  	v1 =	vor.u32 v2, v1;
	v2 =	vand.u32 $0x7F, v3  }
0x168: {  	v2 =	vor.u32 v1, v2;
	_ =	sdelay $0x1  }
0x169: {  	v5 =	vadd.s32 $0x2, v7;
	v4 =	vor.u32 v1, v7  }
0x16a: {  	v5 =	vand.u32 $0x7F, v5  }
0x16b: {  	v21 =	vadd.s32 $0xB, v7;
	v8 =	vor.u32 v1, v5  }
0x16c: {  	v21 =	vand.u32 $0x7F, v21;
	v9 =	vld.idx.msk [tilespmem:v2+s12+$0x0], $0xffff  }
0x16d: {  	v3 =	vadd.s32 $0xA, v7;
	v21 =	vor.u32 v1, v21;
	v12 =	vld.idx.msk [tilespmem:v2+s13+$0x0], $0xffff  }
0x16e: {  	v6 =	vadd.s32 $0x8, v7;
	v3 =	vand.u32 $0x7F, v3;
	v14 =	vld.idx.msk [tilespmem:v4+s13+$0x0], $0xffff  }
0x16f: {  	v11 =	vor.u32 v1, v3;
	v3 =	vand.u32 $0x7F, v6;
	v6 =	vadd.s32 $0x3, v7;
	v4 =	vld.idx.msk [tilespmem:v4+s12+$0x0], $0xffff  }
0x170: {  	v10 =	vor.u32 v1, v3;
	v3 =	vand.u32 $0x7F, v6;
	v16 =	vld.idx.msk [tilespmem:v8+s12+$0x0], $0xffff  }
0x171: {  	v13 =	vor.u32 v1, v3;
	v3 =	vadd.s32 $0x5, v7;
	v8 =	vld.idx.msk [tilespmem:v8+s13+$0x0], $0xffff  }
0x172: {  	v6 =	vadd.s32 $0x4, v7;
	v3 =	vand.u32 $0x7F, v3;
	v2 =	vadd.s32 $0x9, v7;
	v28 =	vld.idx.msk [tilespmem:v21+s12+$0x0], $0xffff  }
0x173: {  	v15 =	vor.u32 v1, v3;
	v3 =	vand.u32 $0x7F, v6;
	v21 =	vld.idx.msk [tilespmem:v21+s13+$0x0], $0xffff;
	v2 =	vand.u32 $0x7F, v2  }
0x174: {  	v18 =	vor.u32 v1, v3;
	v5 =	vor.u32 v1, v2;
	v2 =	vld.idx.msk [tilespmem:v11+s12+$0x0], $0xffff  }
0x175: {  	v6 =	vadd.s32 $0x7, v7;
	v17 =	vld.idx.msk [tilespmem:v10+s13+$0x0], $0xffff  }
0x176: {  	v20 =	vand.u32 $0x7F, v6;
	v10 =	vld.idx.msk [tilespmem:v10+s12+$0x0], $0xffff  }
0x177: {  	v20 =	vor.u32 v1, v20;
	v19 =	vld.idx.msk [tilespmem:v13+s13+$0x0], $0xffff  }
0x178: {  	v13 =	vld.idx.msk [tilespmem:v13+s12+$0x0], $0xffff  }
0x179: {  	v23 =	vadd.s32 $0x6, v7;
	v22 =	vld.idx.msk [tilespmem:v18+s13+$0x0], $0xffff  }
0x17a: {  	v24 =	vimm.f32 $0.0e+00;
	v23 =	vand.u32 $0x7F, v23;
	v18 =	vld.idx.msk [tilespmem:v18+s12+$0x0], $0xffff  }
0x17b: {  	v23 =	vor.u32 v1, v23;
	v11 =	vld.idx.msk [tilespmem:v11+s13+$0x0], $0xffff;
	v4 =	vmul.f32 v14, v4;
	v14 =	vadd.s32 $0xC, v7  }
0x17c: {  	v27 =	vadd.s32 $0xD, v7;
	v26 =	vmul.f32 v8, v16;
	v8 =	vand.u32 $0x7F, v14;
	v25 =	vld.idx.msk [tilespmem:v20+s12+$0x0], $0xffff  }
0x17d: {  	v16 =	vadd.s32 $0xF, v7;
	v20 =	vld.idx.msk [tilespmem:v20+s13+$0x0], $0xffff;
	v13 =	vmul.f32 v19, v13;
	v19 =	vor.u32 v1, v8  }
0x17e: {  	v6 =	vld.idx.msk [tilespmem:v15+s13+$0x0], $0xffff;
	v29 =	vadd.f32 v4, v24;
	v10 =	vmul.f32 v17, v10;
	v8 =	vadd.s32 $0x10, v7  }
0x17f: {  	v15 =	vld.idx.msk [tilespmem:v15+s12+$0x0], $0xffff;
	v4 =	vand.u32 $0x7F, v8;
	v8 =	vmul.f32 v12, v9;
	v9 =	vmul.f32 v22, v18  }
0x180: {  	v14 =	vld.idx.msk [tilespmem:v23+s12+$0x0], $0xffff;
	v7 =	vadd.s32 $0xE, v7;
	v12 =	vand.u32 $0x7F, v27;
	v22 =	vand.u32 $0x7F, v16  }
0x181: {  	v16 =	vld.idx.msk [tilespmem:v23+s13+$0x0], $0xffff;
	v8 =	vadd.f32 v8, v24;
	v18 =	vor.u32 v1, v12;
	v17 =	vadd.f32 v9, v29  }
0x182: {  	v12 =	vadd.f32 v13, v24;
	v23 =	vand.u32 $0x7F, v7;
	v20 =	vmul.f32 v20, v25;
	v13 =	vld.idx.msk [tilespmem:v19+s12+$0x0], $0xffff  }
0x183: {  	v9 =	vadd.f32 v26, v24;
	v7 =	vadd.f32 v10, v17;
	v17 =	vld.idx.msk [tilespmem:v19+s13+$0x0], $0xffff;
	v19 =	vor.u32 v1, v23  }
0x184: {  	s17 =	simm.s32 $0x7;
	v3 =	vld.idx.msk [tilespmem:v5+s13+$0x0], $0xffff;
	v10 =	vadd.f32 v20, v12;
	v12 =	vmul.f32 v21, v28;
	v20 =	vor.u32 v1, v22  }
.LBB2_20:
0x185: {  	v21 =	vadd.s32 $0x1, v4;
	v22 =	vadd.s32 $0x5, v4;
	v23 =	vadd.s32 $0x8, v4;
	p0 =	sne.s32 s17, $0x1;
	s17 =	sadd.s32 $0xFFFFFFFF, s17;
	v5 =	vld.idx.msk [tilespmem:v5+s12+$0x0], $0xffff;
	v24 =	vmovc v4  }
0x186: {  	v14 =	vmul.f32 v16, v14;
	v21 =	vand.u32 $0x7F, v21;
	v23 =	vand.u32 $0x7F, v23;
	v16 =	vld.idx.msk [tilespmem:v18+s12+$0x0], $0xffff  }
0x187: {  	v25 =	vadd.s32 $0xA, v4;
	v21 =	vor.u32 v1, v21;
	v23 =	vor.u32 v1, v23;
	v18 =	vld.idx.msk [tilespmem:v18+s13+$0x0], $0xffff  }
0x188: {  	v26 =	vor.u32 v1, v4;
	v27 =	vadd.s32 $0x2, v4;
	v25 =	vand.u32 $0x7F, v25;
	v28 =	vld.idx.msk [tilespmem:v19+s12+$0x0], $0xffff  }
0x189: {  	v29 =	vadd.s32 $0x3, v4;
	v27 =	vand.u32 $0x7F, v27;
	v25 =	vor.u32 v1, v25;
	v30 =	vld.idx.msk [tilespmem:v20+s12+$0x0], $0xffff  }
0x18a: {  	v29 =	vand.u32 $0x7F, v29;
	v6 =	vmul.f32 v6, v15;
	v27 =	vor.u32 v1, v27;
	v15 =	vld.idx.msk [tilespmem:v19+s13+$0x0], $0xffff  }
0x18b: {  	v13 =	vmul.f32 v17, v13;
	v19 =	vor.u32 v1, v29;
	v29 =	vadd.s32 $0x4, v4;
	v17 =	vld.idx.msk [tilespmem:v20+s13+$0x0], $0xffff  }
0x18c: {  	v31 =	vadd.s32 $0x7, v4;
	v3 =	vmul.f32 v3, v5;
	v29 =	vand.u32 $0x7F, v29;
	v20 =	vld.idx.msk [tilespmem:v21+s12+$0x0], $0xffff  }
0x18d: {  	v31 =	vand.u32 $0x7F, v31;
	v5 =	vadd.s32 $0x9, v4;
	v29 =	vor.u32 v1, v29;
	v21 =	vld.idx.msk [tilespmem:v21+s13+$0x0], $0xffff  }
0x18e: {  	v22 =	vand.u32 $0x7F, v22;
	v6 =	vadd.f32 v6, v8;
	v5 =	vand.u32 $0x7F, v5;
	v32 =	vld.idx.msk [tilespmem:v26+s13+$0x0], $0xffff  }
0x18f: {  	v22 =	vor.u32 v1, v22;
	v9 =	vadd.f32 v14, v9;
	v5 =	vor.u32 v1, v5;
	v8 =	vld.idx.msk [tilespmem:v26+s12+$0x0], $0xffff  }
0x190: {  	v3 =	vadd.f32 v3, v6;
	v6 =	vadd.f32 v12, v10;
	v10 =	vmul.f32 v15, v28;
	v14 =	vld.idx.msk [tilespmem:v25+s12+$0x0], $0xffff  }
0x191: {  	v2 =	vmul.f32 v11, v2;
	v7 =	vadd.f32 v13, v7;
	v11 =	vmul.f32 v18, v16;
	v12 =	vld.idx.msk [tilespmem:v27+s12+$0x0], $0xffff  }
0x192: {  	v15 =	vmul.f32 v17, v30;
	v13 =	vld.idx.msk [tilespmem:v23+s13+$0x0], $0xffff  }
0x193: {  	v26 =	vadd.f32 v2, v9;
	v9 =	vadd.f32 v11, v3;
	v16 =	vld.idx.msk [tilespmem:v19+s13+$0x0], $0xffff  }
0x194: {  	v11 =	vadd.f32 v15, v6;
	v3 =	vld.idx.msk [tilespmem:v5+s13+$0x0], $0xffff  }
0x195: {  	v10 =	vadd.f32 v10, v26;
	v8 =	vmul.f32 v32, v8;
	v15 =	vld.idx.msk [tilespmem:v27+s13+$0x0], $0xffff  }
0x196: {  	v18 =	vadd.s32 $0xB, v4;
	v17 =	vor.u32 v1, v31;
	v2 =	vmov v14;
	v6 =	vld.idx.msk [tilespmem:v22+s13+$0x0], $0xffff  }
0x197: {  	v18 =	vand.u32 $0x7F, v18;
	v14 =	vld.idx.msk [tilespmem:v19+s12+$0x0], $0xffff  }
0x198: {  	v18 =	vor.u32 v1, v18;
	v26 =	vadd.s32 $0x6, v4;
	v19 =	vld.idx.msk [tilespmem:v29+s13+$0x0], $0xffff  }
0x199: {  	v26 =	vand.u32 $0x7F, v26;
	v27 =	vld.idx.msk [tilespmem:v29+s12+$0x0], $0xffff  }
0x19a: {  	v26 =	vor.u32 v1, v26;
	v23 =	vld.idx.msk [tilespmem:v23+s12+$0x0], $0xffff  }
0x19b: {  	v12 =	vmul.f32 v15, v12;
	v15 =	vadd.s32 $0xC, v4;
	v28 =	vld.idx.msk [tilespmem:v17+s12+$0x0], $0xffff  }
0x19c: {  	v29 =	vadd.s32 $0xD, v4;
	v15 =	vand.u32 $0x7F, v15;
	v17 =	vld.idx.msk [tilespmem:v17+s13+$0x0], $0xffff  }
0x19d: {  	v4 =	vadd.s32 $0x10, v4;
	v30 =	vmul.f32 v16, v14;
	v32 =	vor.u32 v1, v15;
	v31 =	vld.idx.msk [tilespmem:v18+s12+$0x0], $0xffff  }
0x19e: {  	v7 =	vadd.f32 v8, v7;
	v8 =	vadd.s32 $0xF, v24;
	v4 =	vand.u32 $0x7F, v4;
	v33 =	vld.idx.msk [tilespmem:v18+s13+$0x0], $0xffff  }
0x19f: {  	v15 =	vmul.f32 v21, v20;
	v20 =	vand.u32 $0x7F, v8;
	v18 =	vmul.f32 v19, v27;
	v14 =	vld.idx.msk [tilespmem:v26+s12+$0x0], $0xffff  }
.Ltmp9:
0x1a0: {  	v21 =	vadd.s32 $0xE, v24;
	v19 =	vmul.f32 v13, v23;
	v13 =	vand.u32 $0x7F, v29;
	v16 =	vld.idx.msk [tilespmem:v26+s13+$0x0], $0xffff;
	(pc) =	sbr.rel @p0 .LBB2_20-.Ltmp9, $4  }
0x1a1: {  	v8 =	vadd.f32 v15, v9;
	v7 =	vadd.f32 v18, v7;
	v18 =	vor.u32 v1, v13;
	v15 =	vld.idx.msk [tilespmem:v22+s12+$0x0], $0xffff  }
0x1a2: {  	v21 =	vand.u32 $0x7F, v21;
	v11 =	vadd.f32 v30, v11;
	v22 =	vmul.f32 v17, v28;
	v13 =	vld.idx.msk [tilespmem:v32+s12+$0x0], $0xffff  }
0x1a3: {  	v9 =	vadd.f32 v12, v10;
	v7 =	vadd.f32 v19, v7;
	v19 =	vor.u32 v1, v21;
	v17 =	vld.idx.msk [tilespmem:v32+s13+$0x0], $0xffff  }
0x1a4: {  	v20 =	vor.u32 v1, v20;
	v10 =	vadd.f32 v22, v11;
	v12 =	vmul.f32 v33, v31;
	v11 =	vld.idx.msk [tilespmem:v25+s13+$0x0], $0xffff  }
0x1a5: {  	_ =	sdelay $0x3  }
0x1a6: {  	v1 =	vld.idx.msk [tilespmem:v5+s12+$0x0], $0xffff  }
0x1a7: {  	v4 =	vld.idx.msk [tilespmem:v18+s12+$0x0], $0xffff  }
0x1a8: {  	v55 =	vld.idx.msk [tilespmem:v18+s13+$0x0], $0xffff  }
0x1a9: {  	v56 =	vld.idx.msk [tilespmem:v19+s12+$0x0], $0xffff  }
0x1aa: {  	v21 =	vld.idx.msk [tilespmem:v20+s12+$0x0], $0xffff  }
0x1ab: {  	v57 =	vld.idx.msk [tilespmem:v19+s13+$0x0], $0xffff  }
0x1ac: {  	v58 =	vld.idx.msk [tilespmem:v20+s13+$0x0], $0xffff;
	v14 =	vmul.f32 v16, v14  }
0x1ad: {  	v6 =	vmul.f32 v6, v15  }
0x1ae: {  	v60 =	vadd.f32 v14, v9;
	v2 =	vmul.f32 v11, v2  }
0x1af: {  	v59 =	vmul.f32 v17, v13;
	v1 =	vmul.f32 v3, v1;
	v3 =	vadd.f32 v6, v8  }
0x1b0: {  	v4 =	vmul.f32 v55, v4;
	v61 =	vmul.f32 v57, v56;
	v2 =	vadd.f32 v2, v60  }
0x1b1: {  	v62 =	vmul.f32 v58, v21;
	v1 =	vadd.f32 v1, v3;
	v3 =	vadd.f32 v12, v10  }
0x1b2: {  	v6 =	vadd.f32 v59, v7;
	v2 =	vadd.f32 v61, v2  }
0x1b3: {  	v1 =	vadd.f32 v4, v1;
	v3 =	vadd.f32 v62, v3  }
0x1b4: {  	v63 =	vld [tilespmem:s15+$0x2670]  }
0x1b5: {  	v1 =	vadd.f32 v1, v6;
	v2 =	vadd.f32 v3, v2  }
0x1b6: {  	s1 =	sadd.s32 $0x1, s1  }
0x1b7: {  	p0 =	sne.s32 s1, $0x5;
	v1 =	vadd.f32 v2, v1  }
.Ltmp10:
0x1b8: {  	_ = 	snop;
	(pc) =	sbr.rel @p0 .LBB2_19-.Ltmp10, $4  }
0x1b9: {  	vm0 =	vlt.f32 v1, $1.000000010e-01  }
0x1ba: {  	v1 =	vsel vm0, $0x0, v1  }
0x1bb: {  	[tilespmem:s15+$0x16570] =	vst v1  }
0x1bc: {  	[tilespmem:v63+s23+$0x0] =	vst.idx.add.f32.msk $0xffff, v1  }
0x1bd: {  	_ =	swait.ge [sflag:s24], $0x2800  }
0x1be: {  	[sflag:s24] =	ssyncset.done $0x0  }
0x1bf: {  	[sflag:s24] =	ssyncadd.s32 $0xFFFFD800  }
0x1c0: {  	_ =	swait.ge [sflag:s25], $0x2800  }
0x1c1: {  	[sflag:s25] =	ssyncset.done $0x0  }
0x1c2: {  	s1 =	simm.s32 $0x0;
	[sflag:s25] =	ssyncadd.s32 $0xFFFFD800  }
.LBB2_23:
0x1c3: {  	s15 =	sshll.u32 s1, $0x4;
	v7 =	vlaneseq.u32  }
0x1c4: {  	v1 =	vmov s15;
	v2 =	vmul.u32 $0x80, v7  }
0x1c5: {  	v3 =	vadd.s32 $0x1, v7;
	v1 =	vshll.u32 v1, $0x7  }
0x1c6: {  	v1 =	vor.u32 v2, v1;
	v2 =	vand.u32 $0x7F, v3  }
0x1c7: {  	v2 =	vor.u32 v1, v2;
	_ =	sdelay $0x1  }
0x1c8: {  	v5 =	vadd.s32 $0x2, v7;
	v4 =	vor.u32 v1, v7  }
0x1c9: {  	v5 =	vand.u32 $0x7F, v5  }
0x1ca: {  	v21 =	vadd.s32 $0xB, v7;
	v8 =	vor.u32 v1, v5  }
0x1cb: {  	v21 =	vand.u32 $0x7F, v21;
	v9 =	vld.idx.msk [tilespmem:v2+s14+$0x0], $0xffff  }
0x1cc: {  	v3 =	vadd.s32 $0xA, v7;
	v21 =	vor.u32 v1, v21;
	v12 =	vld.idx.msk [tilespmem:v2+s16+$0x0], $0xffff  }
0x1cd: {  	v6 =	vadd.s32 $0x8, v7;
	v3 =	vand.u32 $0x7F, v3;
	v14 =	vld.idx.msk [tilespmem:v4+s16+$0x0], $0xffff  }
0x1ce: {  	v11 =	vor.u32 v1, v3;
	v3 =	vand.u32 $0x7F, v6;
	v6 =	vadd.s32 $0x3, v7;
	v4 =	vld.idx.msk [tilespmem:v4+s14+$0x0], $0xffff  }
0x1cf: {  	v10 =	vor.u32 v1, v3;
	v3 =	vand.u32 $0x7F, v6;
	v16 =	vld.idx.msk [tilespmem:v8+s14+$0x0], $0xffff  }
0x1d0: {  	v13 =	vor.u32 v1, v3;
	v3 =	vadd.s32 $0x5, v7;
	v8 =	vld.idx.msk [tilespmem:v8+s16+$0x0], $0xffff  }
0x1d1: {  	v6 =	vadd.s32 $0x4, v7;
	v3 =	vand.u32 $0x7F, v3;
	v2 =	vadd.s32 $0x9, v7;
	v28 =	vld.idx.msk [tilespmem:v21+s14+$0x0], $0xffff  }
0x1d2: {  	v15 =	vor.u32 v1, v3;
	v3 =	vand.u32 $0x7F, v6;
	v21 =	vld.idx.msk [tilespmem:v21+s16+$0x0], $0xffff;
	v2 =	vand.u32 $0x7F, v2  }
0x1d3: {  	v18 =	vor.u32 v1, v3;
	v5 =	vor.u32 v1, v2;
	v2 =	vld.idx.msk [tilespmem:v11+s14+$0x0], $0xffff  }
0x1d4: {  	v6 =	vadd.s32 $0x7, v7;
	v17 =	vld.idx.msk [tilespmem:v10+s16+$0x0], $0xffff  }
0x1d5: {  	v20 =	vand.u32 $0x7F, v6;
	v10 =	vld.idx.msk [tilespmem:v10+s14+$0x0], $0xffff  }
0x1d6: {  	v20 =	vor.u32 v1, v20;
	v19 =	vld.idx.msk [tilespmem:v13+s16+$0x0], $0xffff  }
0x1d7: {  	v13 =	vld.idx.msk [tilespmem:v13+s14+$0x0], $0xffff  }
0x1d8: {  	v23 =	vadd.s32 $0x6, v7;
	v22 =	vld.idx.msk [tilespmem:v18+s16+$0x0], $0xffff  }
0x1d9: {  	v24 =	vimm.f32 $0.0e+00;
	v23 =	vand.u32 $0x7F, v23;
	v18 =	vld.idx.msk [tilespmem:v18+s14+$0x0], $0xffff  }
0x1da: {  	v23 =	vor.u32 v1, v23;
	v11 =	vld.idx.msk [tilespmem:v11+s16+$0x0], $0xffff;
	v4 =	vmul.f32 v14, v4;
	v14 =	vadd.s32 $0xC, v7  }
0x1db: {  	v27 =	vadd.s32 $0xD, v7;
	v26 =	vmul.f32 v8, v16;
	v8 =	vand.u32 $0x7F, v14;
	v25 =	vld.idx.msk [tilespmem:v20+s14+$0x0], $0xffff  }
0x1dc: {  	v16 =	vadd.s32 $0xF, v7;
	v20 =	vld.idx.msk [tilespmem:v20+s16+$0x0], $0xffff;
	v13 =	vmul.f32 v19, v13;
	v19 =	vor.u32 v1, v8  }
0x1dd: {  	v6 =	vld.idx.msk [tilespmem:v15+s16+$0x0], $0xffff;
	v29 =	vadd.f32 v4, v24;
	v10 =	vmul.f32 v17, v10;
	v8 =	vadd.s32 $0x10, v7  }
0x1de: {  	v15 =	vld.idx.msk [tilespmem:v15+s14+$0x0], $0xffff;
	v4 =	vand.u32 $0x7F, v8;
	v8 =	vmul.f32 v12, v9;
	v9 =	vmul.f32 v22, v18  }
0x1df: {  	v14 =	vld.idx.msk [tilespmem:v23+s14+$0x0], $0xffff;
	v7 =	vadd.s32 $0xE, v7;
	v12 =	vand.u32 $0x7F, v27;
	v22 =	vand.u32 $0x7F, v16  }
0x1e0: {  	v16 =	vld.idx.msk [tilespmem:v23+s16+$0x0], $0xffff;
	v8 =	vadd.f32 v8, v24;
	v18 =	vor.u32 v1, v12;
	v17 =	vadd.f32 v9, v29  }
0x1e1: {  	v12 =	vadd.f32 v13, v24;
	v23 =	vand.u32 $0x7F, v7;
	v20 =	vmul.f32 v20, v25;
	v13 =	vld.idx.msk [tilespmem:v19+s14+$0x0], $0xffff  }
0x1e2: {  	v9 =	vadd.f32 v26, v24;
	v7 =	vadd.f32 v10, v17;
	v17 =	vld.idx.msk [tilespmem:v19+s16+$0x0], $0xffff;
	v19 =	vor.u32 v1, v23  }
0x1e3: {  	s17 =	simm.s32 $0x7;
	v3 =	vld.idx.msk [tilespmem:v5+s16+$0x0], $0xffff;
	v10 =	vadd.f32 v20, v12;
	v12 =	vmul.f32 v21, v28;
	v20 =	vor.u32 v1, v22  }
.LBB2_24:
0x1e4: {  	v21 =	vadd.s32 $0x1, v4;
	v22 =	vadd.s32 $0x5, v4;
	v23 =	vadd.s32 $0x8, v4;
	p0 =	sne.s32 s17, $0x1;
	s17 =	sadd.s32 $0xFFFFFFFF, s17;
	v5 =	vld.idx.msk [tilespmem:v5+s14+$0x0], $0xffff;
	v24 =	vmovc v4  }
0x1e5: {  	v14 =	vmul.f32 v16, v14;
	v21 =	vand.u32 $0x7F, v21;
	v23 =	vand.u32 $0x7F, v23;
	v16 =	vld.idx.msk [tilespmem:v18+s14+$0x0], $0xffff  }
0x1e6: {  	v25 =	vadd.s32 $0xA, v4;
	v21 =	vor.u32 v1, v21;
	v23 =	vor.u32 v1, v23;
	v18 =	vld.idx.msk [tilespmem:v18+s16+$0x0], $0xffff  }
0x1e7: {  	v26 =	vor.u32 v1, v4;
	v27 =	vadd.s32 $0x2, v4;
	v25 =	vand.u32 $0x7F, v25;
	v28 =	vld.idx.msk [tilespmem:v19+s14+$0x0], $0xffff  }
0x1e8: {  	v29 =	vadd.s32 $0x3, v4;
	v27 =	vand.u32 $0x7F, v27;
	v25 =	vor.u32 v1, v25;
	v30 =	vld.idx.msk [tilespmem:v20+s14+$0x0], $0xffff  }
0x1e9: {  	v29 =	vand.u32 $0x7F, v29;
	v6 =	vmul.f32 v6, v15;
	v27 =	vor.u32 v1, v27;
	v15 =	vld.idx.msk [tilespmem:v19+s16+$0x0], $0xffff  }
0x1ea: {  	v13 =	vmul.f32 v17, v13;
	v19 =	vor.u32 v1, v29;
	v29 =	vadd.s32 $0x4, v4;
	v17 =	vld.idx.msk [tilespmem:v20+s16+$0x0], $0xffff  }
0x1eb: {  	v31 =	vadd.s32 $0x7, v4;
	v3 =	vmul.f32 v3, v5;
	v29 =	vand.u32 $0x7F, v29;
	v20 =	vld.idx.msk [tilespmem:v21+s14+$0x0], $0xffff  }
0x1ec: {  	v31 =	vand.u32 $0x7F, v31;
	v5 =	vadd.s32 $0x9, v4;
	v29 =	vor.u32 v1, v29;
	v21 =	vld.idx.msk [tilespmem:v21+s16+$0x0], $0xffff  }
0x1ed: {  	v22 =	vand.u32 $0x7F, v22;
	v6 =	vadd.f32 v6, v8;
	v5 =	vand.u32 $0x7F, v5;
	v32 =	vld.idx.msk [tilespmem:v26+s16+$0x0], $0xffff  }
0x1ee: {  	v22 =	vor.u32 v1, v22;
	v9 =	vadd.f32 v14, v9;
	v5 =	vor.u32 v1, v5;
	v8 =	vld.idx.msk [tilespmem:v26+s14+$0x0], $0xffff  }
0x1ef: {  	v3 =	vadd.f32 v3, v6;
	v6 =	vadd.f32 v12, v10;
	v10 =	vmul.f32 v15, v28;
	v14 =	vld.idx.msk [tilespmem:v25+s14+$0x0], $0xffff  }
0x1f0: {  	v2 =	vmul.f32 v11, v2;
	v7 =	vadd.f32 v13, v7;
	v11 =	vmul.f32 v18, v16;
	v12 =	vld.idx.msk [tilespmem:v27+s14+$0x0], $0xffff  }
0x1f1: {  	v15 =	vmul.f32 v17, v30;
	v13 =	vld.idx.msk [tilespmem:v23+s16+$0x0], $0xffff  }
0x1f2: {  	v26 =	vadd.f32 v2, v9;
	v9 =	vadd.f32 v11, v3;
	v16 =	vld.idx.msk [tilespmem:v19+s16+$0x0], $0xffff  }
0x1f3: {  	v11 =	vadd.f32 v15, v6;
	v3 =	vld.idx.msk [tilespmem:v5+s16+$0x0], $0xffff  }
0x1f4: {  	v10 =	vadd.f32 v10, v26;
	v8 =	vmul.f32 v32, v8;
	v15 =	vld.idx.msk [tilespmem:v27+s16+$0x0], $0xffff  }
0x1f5: {  	v18 =	vadd.s32 $0xB, v4;
	v17 =	vor.u32 v1, v31;
	v2 =	vmov v14;
	v6 =	vld.idx.msk [tilespmem:v22+s16+$0x0], $0xffff  }
0x1f6: {  	v18 =	vand.u32 $0x7F, v18;
	v14 =	vld.idx.msk [tilespmem:v19+s14+$0x0], $0xffff  }
0x1f7: {  	v18 =	vor.u32 v1, v18;
	v26 =	vadd.s32 $0x6, v4;
	v19 =	vld.idx.msk [tilespmem:v29+s16+$0x0], $0xffff  }
0x1f8: {  	v26 =	vand.u32 $0x7F, v26;
	v27 =	vld.idx.msk [tilespmem:v29+s14+$0x0], $0xffff  }
0x1f9: {  	v26 =	vor.u32 v1, v26;
	v23 =	vld.idx.msk [tilespmem:v23+s14+$0x0], $0xffff  }
0x1fa: {  	v12 =	vmul.f32 v15, v12;
	v15 =	vadd.s32 $0xC, v4;
	v28 =	vld.idx.msk [tilespmem:v17+s14+$0x0], $0xffff  }
0x1fb: {  	v29 =	vadd.s32 $0xD, v4;
	v15 =	vand.u32 $0x7F, v15;
	v17 =	vld.idx.msk [tilespmem:v17+s16+$0x0], $0xffff  }
0x1fc: {  	v4 =	vadd.s32 $0x10, v4;
	v30 =	vmul.f32 v16, v14;
	v32 =	vor.u32 v1, v15;
	v31 =	vld.idx.msk [tilespmem:v18+s14+$0x0], $0xffff  }
0x1fd: {  	v7 =	vadd.f32 v8, v7;
	v8 =	vadd.s32 $0xF, v24;
	v4 =	vand.u32 $0x7F, v4;
	v33 =	vld.idx.msk [tilespmem:v18+s16+$0x0], $0xffff  }
0x1fe: {  	v15 =	vmul.f32 v21, v20;
	v20 =	vand.u32 $0x7F, v8;
	v18 =	vmul.f32 v19, v27;
	v14 =	vld.idx.msk [tilespmem:v26+s14+$0x0], $0xffff  }
.Ltmp11:
0x1ff: {  	v21 =	vadd.s32 $0xE, v24;
	v19 =	vmul.f32 v13, v23;
	v13 =	vand.u32 $0x7F, v29;
	v16 =	vld.idx.msk [tilespmem:v26+s16+$0x0], $0xffff;
	(pc) =	sbr.rel @p0 .LBB2_24-.Ltmp11, $4  }
0x200: {  	v8 =	vadd.f32 v15, v9;
	v7 =	vadd.f32 v18, v7;
	v18 =	vor.u32 v1, v13;
	v15 =	vld.idx.msk [tilespmem:v22+s14+$0x0], $0xffff  }
0x201: {  	v21 =	vand.u32 $0x7F, v21;
	v11 =	vadd.f32 v30, v11;
	v22 =	vmul.f32 v17, v28;
	v13 =	vld.idx.msk [tilespmem:v32+s14+$0x0], $0xffff  }
0x202: {  	v9 =	vadd.f32 v12, v10;
	v7 =	vadd.f32 v19, v7;
	v19 =	vor.u32 v1, v21;
	v17 =	vld.idx.msk [tilespmem:v32+s16+$0x0], $0xffff  }
0x203: {  	v20 =	vor.u32 v1, v20;
	v10 =	vadd.f32 v22, v11;
	v12 =	vmul.f32 v33, v31;
	v11 =	vld.idx.msk [tilespmem:v25+s16+$0x0], $0xffff  }
0x204: {  	_ =	sdelay $0x3  }
0x205: {  	v1 =	vld.idx.msk [tilespmem:v5+s14+$0x0], $0xffff  }
0x206: {  	v4 =	vld.idx.msk [tilespmem:v18+s14+$0x0], $0xffff  }
0x207: {  	v55 =	vld.idx.msk [tilespmem:v18+s16+$0x0], $0xffff  }
0x208: {  	v56 =	vld.idx.msk [tilespmem:v19+s14+$0x0], $0xffff  }
0x209: {  	v21 =	vld.idx.msk [tilespmem:v20+s14+$0x0], $0xffff  }
0x20a: {  	v57 =	vld.idx.msk [tilespmem:v19+s16+$0x0], $0xffff  }
0x20b: {  	v58 =	vld.idx.msk [tilespmem:v20+s16+$0x0], $0xffff;
	v14 =	vmul.f32 v16, v14  }
0x20c: {  	v6 =	vmul.f32 v6, v15  }
0x20d: {  	v60 =	vadd.f32 v14, v9;
	v2 =	vmul.f32 v11, v2  }
0x20e: {  	v59 =	vmul.f32 v17, v13;
	v1 =	vmul.f32 v3, v1;
	v3 =	vadd.f32 v6, v8  }
0x20f: {  	v4 =	vmul.f32 v55, v4;
	v61 =	vmul.f32 v57, v56;
	v2 =	vadd.f32 v2, v60  }
0x210: {  	v62 =	vmul.f32 v58, v21;
	v1 =	vadd.f32 v1, v3;
	v3 =	vadd.f32 v12, v10  }
0x211: {  	v6 =	vadd.f32 v59, v7;
	v2 =	vadd.f32 v61, v2  }
0x212: {  	v1 =	vadd.f32 v4, v1;
	v3 =	vadd.f32 v62, v3  }
0x213: {  	v63 =	vld [tilespmem:s15+$0x26C0]  }
0x214: {  	v1 =	vadd.f32 v1, v6;
	v2 =	vadd.f32 v3, v2  }
0x215: {  	s1 =	sadd.s32 $0x1, s1  }
0x216: {  	p0 =	sne.s32 s1, $0x5;
	v1 =	vadd.f32 v2, v1  }
.Ltmp12:
0x217: {  	_ = 	snop;
	(pc) =	sbr.rel @p0 .LBB2_23-.Ltmp12, $4  }
0x218: {  	vm0 =	vlt.f32 v1, $1.000000010e-01  }
0x219: {  	v1 =	vsel vm0, $0x0, v1  }
0x21a: {  	[tilespmem:s15+$0x165C0] =	vst v1  }
0x21b: {  	[tilespmem:v63+s23+$0x0] =	vst.idx.add.f32.msk $0xffff, v1  }
0x21c: {  	s1 =	simm.s32 $0x13F00  }
0x21d: {  	[hbm4b:s6+s2] =	stream.linear.scatter [tilespmem:s1], [sflag:$0x7], $0x2710, $0x38;
	[tilespmem:$0x18E00] =	vst v63  }
0x21e: {  	s0 =	sadd.s32 $0x1, s0;
	_ =	swait.ge [sflag:s9], $0x2710  }
0x21f: {  	p0 =	sne.s32 s0, s8;
	[sflag:s9] =	ssyncset.done $0x0  }
.Ltmp13:
0x220: {  	[sflag:s9] =	ssyncadd.s32 $0xFFFFD8F0;
	(pc) =	sbr.rel @p0 .LBB2_1-.Ltmp13, $4  }
0x221: {  	[hbm4b:s7+s30] =	stream.strided.scatter [tilespmem:s23], [sflag:$0x7], $0x2780, s31, s30, $0x38;
	[tilespmem:$0x18E00] =	vst v63  }
0x222: {  	_ =	swait.ge [sflag:s9], $0x2780  }
0x223: {  	[sflag:s9] =	ssyncset.done $0x0  }
0x224: {  	[sflag:s9] =	ssyncadd.s32 $0xFFFFD880  }
0x225: {  	_ =	sfence.sel $0x180000  }
0x226: {  	[bflag:$0x0] =	sbarrier.arrive $0xFFFF  }
0x227: {  	_ =	strace $0x90000047  }
0x228: {  	s0 =	stileid.u32;
	[bflag:$0x2] =	sbarrier.arrive $0xFFFF  }
0x229: {  	p0 =	sne.s32 s0, $0x0;
	s0 =	rddreg [dreg:$0x2]  }
0x22a: {  	s0 =	sadd.s32 @!p0 $0x100000, s0  }
0x22b: {  	[sflag:s0] =	ssyncadd.tile.s32 @!p0 $0x1;
	_ =	shalt  }
.Lfunc_end2:
_tile_overlayer_lowered:
.L_overlay_start_2:
0x22c: {  	(tag) =	ssettag $0x2  }
0x22d: {  	s0 =	rddreg [dreg:$0x0];
	s2 =	stileid.u32  }
0x22e: {  	s1 =	rddreg [dreg:$0x1];
	p0 =	sne.s32 s2, $0x0  }
0x22f: {  	s3 =	rddreg [dreg:$0x2];
	[bflag:$0x3] =	sbarrier.arrive $0xFFFF;
	s2 =	simm.s32 @!p0 $0x1C07  }
0x230: {  	[timem:s3], [sflag:s2] =	dma.local @!p0 [hbm:s0], s1  }
0x231: {  	s0 =	simm.s32 @!p0 $0x7  }
0x232: {  	_ =	swait.ge @!p0 [sflag:s0], s1  }
0x233: {  	s1 =	ssub.s32 @!p0 $0x0, s1;
	[sflag:s0] =	ssyncset.done @!p0 $0x0  }
0x234: {  	[sflag:s0] =	ssyncadd.s32 @!p0 s1  }
0x235: {  	[bflag:$0x3] =	sbarrier.arrive $0xFFFF  }
0x236: {  	_ =	shalt  }

// kernel: kernel.9.cloned.1.call-start
scs
__scs_entry_jumppad:
0x0: {  	(pc) =	sbr.rel $0x88, $3  }
0x1: {  	(tag) =	ssettag $0x0;
	lr =	simm.s32 $0x1  }
0x2: {  	[smem:$0x3F9F] =	sst lr;
	_ =	strace $0xD0000000  }
0x3: {  	_ = 	snop  }
0x4: {  	_ = 	snop  }
0x5: {  	_ = 	snop  }
0x6: {  	_ = 	snop  }
0x7: {  	_ = 	snop  }
__scs_overlays_trampoline_lowered:
0x8: {  	[smem:$0x3FAE] =	sst s0  }
0x9: {  	[smem:$0x3FAF] =	sst s1  }
0xa: {  	[smem:$0x3FB0] =	sst s2  }
0xb: {  	[smem:$0x3FB1] =	sst s3  }
0xc: {  	[smem:$0x3FB2] =	sst s4  }
0xd: {  	[smem:$0x3FB3] =	sst s5  }
0xe: {  	[smem:$0x3FB4] =	sst s6  }
0xf: {  	[smem:$0x3FB5] =	sst s7  }
0x10: {  	[smem:$0x3FB6] =	sst s8  }
0x11: {  	[smem:$0x3FB7] =	sst s9;
	s0 =	simm.s32 @!p0 $0x0  }
0x12: {  	s1 =	sld [smem:$0x3F9D];
	s0 =	simm.s32 @p0 $0x1  }
0x13: {  	[smem:$0x3FB8] =	sst s0;
	s0 =	simm.s32 @!p1 $0x0  }
0x14: {  	s2 =	sld [smem:$0x3F9C];
	s0 =	simm.s32 @p1 $0x1  }
0x15: {  	[smem:$0x3FB9] =	sst s0;
	s0 =	simm.s32 @!p2 $0x0  }
0x16: {  	s3 =	sld [smem:$0x3FDB];
	s0 =	simm.s32 @p2 $0x1  }
0x17: {  	s4 =	simm.s32 $0x1BF5;
	[smem:$0x3FBB] =	sst s0  }
0x18: {  	s0 =	sld [smem:$0x3F9E];
	_ =	swait.ge [sflag:s4], $0x0  }
0x19: {  	s7 =	sld [smem:$0x3F9F]  }
0x1a: {  	s8 =	sadd.s32 $0xFFFFE003, lr  }
0x1b: {  	s9 =	sadd.s32 $0xFFFFFEF7, lr;
	s5 =	simm.s32 $0xFFFFFFFF;
	p2 =	slt.u32 s8, $0xFFFFF086  }
0x1c: {  	p1 =	slt.u32 s9, $0xF7A;
	s5 =	simm.s32 @!p2 $0x0  }
0x1d: {  	s5 =	simm.s32 @p1 $0x1;
	p0 =	seq.s32 s7, s2  }
0x1e: {  	s7 =	smul.u32 @!p0 $0xF7A, s2;
	p2 =	seq.s32 @!p0 s5, $0x0  }
0x1f: {  	s9 =	smul.u32 $0xF7A, s1;
	s8 =	simm.s32 @!p0 $0x1BF5;
	p2 =	por !p2, p0  }
0x20: {  	[sflag:s8] =	ssyncset.s32 @!p0 $0xFFFFF086;
	s6 =	sadd.s32 @!p0 s3, s7;
	s7 =	simm.s32 @!p0 $0x108  }
0x21: {  	s3 =	sadd.s32 s3, s9;
	s6 =	sadd.s32 @!p0 $0x88, s6;
	s7 =	simm.s32 @p2 $0x1082  }
0x22: {  	[simem:s7], [sflag:s8] =	dma.local @!p0 [hbm:s6], $0xF7A  }
0x23: {  	s9 =	sor.u32 $0xD0000000, s2;
	s6 =	simm.s32 $0x108;
	_ =	swait.ge @!p0 [sflag:s8], $0x0  }
0x24: {  	s3 =	sadd.s32 $0x88, s3;
	s6 =	simm.s32 @!p1 $0x1082;
	[sflag:s4] =	ssyncset.s32 $0xFFFFF086  }
0x25: {  	[simem:s6], [sflag:s4] =	dma.local [hbm:s3], $0xF7A  }
0x26: {  	[smem:$0x3F9F] =	sst s1;
	(tag) =	ssettag s2;
	_ =	strace s9  }
0x27: {  	s1 =	sld [smem:$0x3FAF]  }
0x28: {  	s2 =	sld [smem:$0x3FB0]  }
0x29: {  	s4 =	sld [smem:$0x3FB2]  }
0x2a: {  	p0 =	seq.s32 s5, $0x0;
	s5 =	sld [smem:$0x3FB3]  }
0x2b: {  	s6 =	sld [smem:$0x3FB4]  }
0x2c: {  	s7 =	sld [smem:$0x3FB5]  }
0x2d: {  	s3 =	simm.s32 $0x108;
	s8 =	sld [smem:$0x3FB6]  }
0x2e: {  	s3 =	simm.s32 @!p0 $0x1082;
	s9 =	sld [smem:$0x3FB7]  }
0x2f: {  	lr =	sadd.s32 s0, s3;
	s0 =	sld [smem:$0x3FAE]  }
0x30: {  	s3 =	sld [smem:$0x3FB1]  }
0x31: {  	[smem:$0x3FBA] =	sst s10  }
0x32: {  	s10 =	sld [smem:$0x3FB8];
	_ =	sdelay $0x3  }
0x33: {  	p0 =	seq.s32 s10, $0x1;
	s10 =	sld [smem:$0x3FBA];
	_ =	sdelay $0x3  }
0x34: {  	[smem:$0x3FBA] =	sst s10  }
0x35: {  	s10 =	sld [smem:$0x3FB9];
	_ =	sdelay $0x3  }
0x36: {  	p1 =	seq.s32 s10, $0x1;
	s10 =	sld [smem:$0x3FBA];
	_ =	sdelay $0x3  }
0x37: {  	[smem:$0x3FBA] =	sst s10  }
0x38: {  	s10 =	sld [smem:$0x3FBB]  }
0x39: {  	_ = 	snop;
	(pc) =	sbr.ind lr, $3  }
0x3a: {  	_ = 	snop  }
0x3b: {  	_ = 	snop  }
0x3c: {  	p2 =	seq.s32 s10, $0x1;
	s10 =	sld [smem:$0x3FBA]  }
0x3d: {  	_ =	shalt  }
0x3e: {  	_ =	shalt  }
0x3f: {  	_ =	shalt  }
0x40: {  	_ =	shalt  }
0x41: {  	_ =	shalt  }
0x42: {  	_ =	shalt  }
0x43: {  	_ =	shalt  }
0x44: {  	_ =	shalt  }
0x45: {  	_ =	shalt  }
0x46: {  	_ =	shalt  }
0x47: {  	_ =	shalt  }
0x48: {  	_ =	shalt  }
0x49: {  	_ =	shalt  }
0x4a: {  	_ =	shalt  }
0x4b: {  	_ =	shalt  }
0x4c: {  	_ =	shalt  }
0x4d: {  	_ =	shalt  }
0x4e: {  	_ =	shalt  }
0x4f: {  	_ =	shalt  }
0x50: {  	_ =	shalt  }
0x51: {  	_ =	shalt  }
0x52: {  	_ =	shalt  }
0x53: {  	_ =	shalt  }
0x54: {  	_ =	shalt  }
0x55: {  	_ =	shalt  }
0x56: {  	_ =	shalt  }
0x57: {  	_ =	shalt  }
0x58: {  	_ =	shalt  }
0x59: {  	_ =	shalt  }
0x5a: {  	_ =	shalt  }
0x5b: {  	_ =	shalt  }
0x5c: {  	_ =	shalt  }
0x5d: {  	_ =	shalt  }
0x5e: {  	_ =	shalt  }
0x5f: {  	_ =	shalt  }
0x60: {  	_ =	shalt  }
0x61: {  	_ =	shalt  }
0x62: {  	_ =	shalt  }
0x63: {  	_ =	shalt  }
0x64: {  	_ =	shalt  }
0x65: {  	_ =	shalt  }
0x66: {  	_ =	shalt  }
0x67: {  	_ =	shalt  }
0x68: {  	_ =	shalt  }
0x69: {  	_ =	shalt  }
0x6a: {  	_ =	shalt  }
0x6b: {  	_ =	shalt  }
0x6c: {  	_ =	shalt  }
0x6d: {  	_ =	shalt  }
0x6e: {  	_ =	shalt  }
0x6f: {  	_ =	shalt  }
0x70: {  	_ =	shalt  }
0x71: {  	_ =	shalt  }
0x72: {  	_ =	shalt  }
0x73: {  	_ =	shalt  }
0x74: {  	_ =	shalt  }
0x75: {  	_ =	shalt  }
0x76: {  	_ =	shalt  }
0x77: {  	_ =	shalt  }
0x78: {  	_ =	shalt  }
0x79: {  	_ =	shalt  }
0x7a: {  	_ =	shalt  }
0x7b: {  	_ =	shalt  }
0x7c: {  	_ =	shalt  }
0x7d: {  	_ =	shalt  }
0x7e: {  	_ =	shalt  }
0x7f: {  	_ =	shalt  }
0x80: {  	_ =	shalt  }
0x81: {  	_ =	shalt  }
0x82: {  	_ =	shalt  }
0x83: {  	_ =	shalt  }
0x84: {  	_ =	shalt  }
0x85: {  	_ =	shalt  }
0x86: {  	_ =	shalt  }
0x87: {  	_ =	shalt  }
.Lfunc_end0:
.L_simem_size_0:
called_computation.1_lowered:
.L_overlay_start_0:
0x88: {  	s2 =	sld [smem:$0x3FD9]  }
0x89: {  	s3 =	sld [smem:$0x3FFE];
	_ =	sdelay $0x1  }
0x8a: {  	s1 =	srdreg.scid  }
0x8b: {  	s0 =	sand.u32 $0x1, s1  }
0x8c: {  	s17 =	sshll.u32 s0, $0xA;
	s2 =	sadd.s32 s3, s2  }
0x8d: {  	s2 =	sadd.s32 s2, s17  }
0x8e: {  	[smem:$0x3FC6] =	sst s2  }
0x8f: {  	_ = 	snop  }
0x90: {  	s2 =	sld [smem:$0x3FD0];
	(tm) =	ssettm $0x1  }
0x91: {  	s18 =	sld [smem:$0x3FFB];
	_ =	sdelay $0x3  }
0x92: {  	_ =	strace s18  }
0x93: {  	s3 =	sld [smem:$0x3FFC];
	_ =	sdelay $0x3  }
0x94: {  	_ =	strace s3  }
0x95: {  	s3 =	sld [smem:$0x3FFD];
	_ =	sdelay $0x3  }
0x96: {  	_ =	strace s3  }
0x97: {  	_ =	strace $0x8FFFFFFF  }
0x98: {  	s19 =	sld [smem:$0x3FDB];
	_ =	sdelay $0x1  }
0x99: {  	s4 =	simm.s32 $_scs_section_size  }
0x9a: {  	s5 =	simm.s32 $_size__tile_overlayer_lowered;
	s6 =	simm.s32 $_tile_overlayer_lowered  }
0x9b: {  	s22 =	simm.s32 $0x1BFF;
	s21 =	sshll.u32 s6, $0x1;
	s3 =	sadd.s32 s4, s19  }
0x9c: {  	s7 =	simm.s32 $0x0;
	s20 =	sshll.u32 s5, $0x1;
	s5 =	sadd.s32 s21, s3  }
0x9d: {  	[timem:s7], [sflag:s22] =	dma.local [hbm:s5], s20  }
0x9e: {  	_ =	swait.ge [sflag:s22], s20  }
0x9f: {  	s4 =	ssub.s32 $0x0, s20;
	[sflag:s22] =	ssyncset.done $0x0  }
0xa0: {  	[sflag:s22] =	ssyncadd.s32 s4;
	_ =	sdelay $0x1  }
0xa1: {  	s23 =	simm.s32 $0x1B8B  }
0xa2: {  	_ =	swait.ge [sflag:s23], $0x1  }
0xa3: {  	[sflag:s23] =	ssyncset.done $0x0  }
0xa4: {  	s25 =	simm.s32 $0x1B8E;
	s24 =	sld [smem:$0x3FFE];
	[sflag:s23] =	ssyncadd.s32 $0xFFFFFFFF  }
0xa5: {  	s26 =	simm.s32 $execute0_lowered;
	[smem:$0x3FD2] =	sst s25  }
0xa6: {  	s5 =	sshll.u32 s26, $0x1;
	_ =	strace $0x80000049;
	[dreg:$0x1] =	wrdreg $0xFFFFFFFF  }
0xa7: {  	s28 =	simm.s32 $_size_execute0_lowered;
	s3 =	sadd.s32 s3, s5;
	[dreg:$0x0] =	wrdreg $0x0  }
0xa8: {  	s5 =	sshll.u32 s28, $0x1;
	[dreg:$0x2] =	wrdreg s3  }
0xa9: {  	[dreg:$0x3] =	wrdreg s5  }
0xaa: {  	[dreg:$0x4] =	wrdreg $0xC0  }
0xab: {  	_ =	task [dreg:s7], $0x5FFFF  }
0xac: {  	[dreg:$0x1] =	wrdreg $0xFFFFFFFF  }
0xad: {  	[dreg:$0x0] =	wrdreg $0x60  }
0xae: {  	[dreg:$0x2] =	wrdreg s24  }
0xaf: {  	[dreg:$0x3] =	wrdreg s2  }
0xb0: {  	[dreg:$0x4] =	wrdreg $0x9  }
0xb1: {  	_ =	task.clear_ibuf [dreg:s7], $0x5FFFF;
	_ =	strace $0x90000049  }
0xb2: {  	s29 =	simm.s32 $0x9;
	_ =	strace $0x8000004B  }
0xb3: {  	_ =	swait.ge [sflag:s29], $0x1  }
0xb4: {  	[sflag:s29] =	ssyncadd.s32 $0xFFFFFFFF  }
0xb5: {  	_ =	strace $0x9000004B  }
0xb6: {  	_ =	sfence  }
0xb7: {  	s30 =	sld [smem:$0x0];
	_ =	sdelay $0x2  }
0xb8: {  	s31 =	sshll.u32 s1, $0xD;
	s1 =	sshrl.u32 s1, $0x2  }
0xb9: {  	s3 =	sand.u32 $0x4000, s31;
	s1 =	sadd.s32 s1, s30  }
0xba: {  	s0 =	sor.u32 s3, s0;
	s1 =	sshll.u32 s1, $0x11  }
0xbb: {  	s0 =	sor.u32 s1, s0  }
0xbc: {  	s0 =	sadd.s32 $0x8F2B, s0  }
0xbd: {  	[sflag:s0] =	ssyncadd.remote.s32 $0x1  }
0xbe: {  	_ =	sfence.sel $0xFFFF  }
0xbf: {  	[dreg:$0x0] =	wrdreg $0xFFFFFFFF;
	(pc) =	sbr.abs _section_cstart, $3  }
0xc0: {  	[dreg:$0x1] =	wrdreg $0xFFFFFFFF  }
0xc1: {  	_ =	task.clear_ibuf [dreg:s7], $0x2FFFF;
	_ =	strace $0x9FFFFFFF  }
0xc2: {  	(tm) =	ssettm $0x7FFFFFFF  }
0xc3: {  	_ =	shalt  }
tec
execute0_lowered:
.L_overlay_start_1:
0x0: {  	(tag) =	ssettag $0x1  }
0x1: {  	s3 =	rddreg [dreg:$0x0];
	s1 =	srdreg.scid  }
0x2: {  	s0 =	stileid.u32;
	s6 =	rddreg [dreg:$0x1];
	s2 =	simm.s32 $0x0  }
0x3: {  	s10 =	simm.s32 $0x4F00;
	s4 =	sand.u32 $0x1, s1;
	s5 =	sshll.u32 s0, $0x1  }
0x4: {  	s11 =	simm.s32 $0x7680;
	s12 =	simm.s32 $0x0;
	s5 =	sor.u32 s4, s5  }
0x5: {  	[smem:$0x7FF] =	sst s2;
	s4 =	ssub.s32 $0x2, s4;
	s7 =	smul.u32 $0x4E2, s5  }
0x6: {  	s1 =	rddreg [dreg:$0x2];
	_ =	strace $0x8000004A;
	s31 =	sshrl.u32 s4, $0x1  }
0x7: {  	s9 =	ssub.s32 s4, s31;
	s8 =	sadd.s32 s7, s3;
	s3 =	sadd.s32 $0xA200, s3  }
0x8: {  	s6 =	sadd.s32 s6, s7;
	s7 =	smax.u32 s9, $0x1;
	s9 =	simm.s32 $0x2780  }
0x9: {  	s4 =	sadd.s32 $0x400, s8;
	s5 =	sadd.s32 $0x3B200, s8;
	s8 =	simm.s32 $0x1  }
.LBB2_1:
0xa: {  	[tilespmem:s2], [sflag:$0x1] =	stream.linear.gather [hbm4b:s3+s2], $0x2780, $0x38;
	[tilespmem:$0x9E00] =	vst v63  }
0xb: {  	_ =	swait.ge [sflag:s8], $0x2780  }
0xc: {  	[sflag:s8] =	ssyncset.done $0x0  }
0xd: {  	[sflag:s8] =	ssyncadd.s32 $0xFFFFD880  }
0xe: {  	[tilespmem:s9], [sflag:$0x1] =	stream.linear.gather [hbm4b:s4+s2], $0x2710, $0x38;
	[tilespmem:$0x9E00] =	vst v63  }
0xf: {  	_ =	swait.ge [sflag:s8], $0x2710  }
0x10: {  	[sflag:s8] =	ssyncset.done $0x0  }
0x11: {  	[sflag:s8] =	ssyncadd.s32 $0xFFFFD8F0  }
0x12: {  	[tilespmem:s10], [sflag:$0x1] =	stream.linear.gather [hbm4b:s5+s2], $0x2710, $0x38;
	[tilespmem:$0x9E00] =	vst v63  }
0x13: {  	_ =	swait.ge [sflag:s8], $0x2710  }
0x14: {  	[sflag:s8] =	ssyncset.done $0x0  }
0x15: {  	s13 =	simm.s32 $0x0;
	[sflag:s8] =	ssyncadd.s32 $0xFFFFD8F0  }
0x16: {  	v0 =	vld [tilespmem:s13+$0x2780];
	_ =	sdelay $0x7  }
0x17: {  	v0 =	vld.idx.msk [tilespmem:v0+s2+$0x0], $0xffff;
	_ =	sdelay $0x4  }
0x18: {  	(erf) = vrcp.f32 v0;
	_ =	sdelay $0x4  }
0x19: {  	v63 =	vld [tilespmem:s13+$0x4F00];
	_ =	sdelay $0x3  }
0x1a: {  	v1 =	vpop (erf)  }
0x1b: {  	v0 =	vmul.f32 v1, v63;
	_ =	sdelay $0x1  }
0x1c: {  	v0 =	vmul.f32 $1.442695020e+00, v0;
	_ =	sdelay $0x1  }
0x1d: {  	(erf) = vpow2.f32 v0;
	_ =	sdelay $0x1  }
0x1e: {  	s15 =	simm.s32 $0x10;
	s14 =	simm.s32 $0x80  }
.LBB2_2:
0x1f: {  	p0 =	sne.s32 s14, $0x9C00;
	v0 =	vld [tilespmem:s15+$0x2780];
	_ =	sdelay $0x5  }
0x20: {  	v1 =	vpop (erf)  }
0x21: {  	[tilespmem:s13+$0x7680] =	vst v1;
	s13 =	smov.u32 s15  }
0x22: {  	v0 =	vld.idx.msk [tilespmem:v0+s2+$0x0], $0xffff;
	_ =	sdelay $0x5  }
0x23: {  	(erf) = vrcp.f32 v0;
	_ =	sdelay $0x4  }
0x24: {  	v0 =	vld [tilespmem:s13+$0x4F00];
	_ =	sdelay $0x3  }
0x25: {  	v1 =	vpop (erf)  }
0x26: {  	v0 =	vmul.f32 v1, v0;
	_ =	sdelay $0x1  }
.Ltmp0:
0x27: {  	v0 =	vmul.f32 $1.442695020e+00, v0;
	(pc) =	sbr.rel @p0 .LBB2_2-.Ltmp0, $3  }
0x28: {  	_ = 	snop  }
0x29: {  	(erf) = vpow2.f32 v0;
	_ =	sdelay $0x1  }
0x2a: {  	s15 =	sshra.s32 s14, $0x2;
	s14 =	sadd.s32 $0x40, s14  }
0x2b: {  	v0 =	vld [tilespmem:s15+$0x2780];
	_ =	sdelay $0x5  }
0x2c: {  	v1 =	vpop (erf)  }
0x2d: {  	[tilespmem:s13+$0x7680] =	vst v1  }
0x2e: {  	v0 =	vld.idx.msk [tilespmem:v0+s2+$0x0], $0xffff;
	_ =	sdelay $0x4  }
0x2f: {  	(erf) = vrcp.f32 v0;
	_ =	sdelay $0x4  }
0x30: {  	v62 =	vld [tilespmem:s15+$0x4F00];
	_ =	sdelay $0x3  }
0x31: {  	v63 =	vpop (erf)  }
0x32: {  	v0 =	vmul.f32 v63, v62;
	_ =	sdelay $0x1  }
0x33: {  	v0 =	vmul.f32 $1.442695020e+00, v0;
	_ =	sdelay $0x1  }
0x34: {  	(erf) = vpow2.f32 v0;
	_ =	sdelay $0x7  }
0x35: {  	s12 =	sadd.s32 $0x1, s12  }
0x36: {  	p0 =	sne.s32 s12, s7;
	v0 =	vpop (erf)  }
.Ltmp1:
0x37: {  	[tilespmem:s15+$0x7680] =	vst v0;
	(pc) =	sbr.rel @p0 .LBB2_1-.Ltmp1, $4  }
0x38: {  	[hbm4b:s6+s2] =	stream.linear.scatter [tilespmem:s11], [sflag:$0x1], $0x2710, $0x38;
	[tilespmem:$0x9E00] =	vst v63  }
0x39: {  	_ =	swait.ge [sflag:s8], $0x2710  }
0x3a: {  	[sflag:s8] =	ssyncset.done $0x0  }
0x3b: {  	[sflag:s8] =	ssyncadd.s32 $0xFFFFD8F0  }
0x3c: {  	_ =	sfence.sel $0x180000  }
0x3d: {  	[bflag:$0x0] =	sbarrier.arrive $0xFFFF  }
0x3e: {  	p0 =	sne.s32 s0, $0x0;
	_ =	strace $0x9000004A  }
0x3f: {  	s0 =	sadd.s32 @!p0 $0x100000, s1;
	[bflag:$0x2] =	sbarrier.arrive $0xFFFF  }
0x40: {  	[sflag:s0] =	ssyncadd.tile.s32 @!p0 $0x1;
	_ =	shalt  }
.Lfunc_end2:
_tile_overlayer_lowered:
.L_overlay_start_2:
0x41: {  	(tag) =	ssettag $0x2  }
0x42: {  	s0 =	rddreg [dreg:$0x0];
	s2 =	stileid.u32  }
0x43: {  	s1 =	rddreg [dreg:$0x1];
	p0 =	sne.s32 s2, $0x0  }
0x44: {  	s3 =	rddreg [dreg:$0x2];
	[bflag:$0x3] =	sbarrier.arrive $0xFFFF;
	s2 =	simm.s32 @!p0 $0x1C01  }
0x45: {  	[timem:s3], [sflag:s2] =	dma.local @!p0 [hbm:s0], s1  }
0x46: {  	s0 =	simm.s32 @!p0 $0x1  }
0x47: {  	_ =	swait.ge @!p0 [sflag:s0], s1  }
0x48: {  	s1 =	ssub.s32 @!p0 $0x0, s1;
	[sflag:s0] =	ssyncset.done @!p0 $0x0  }
0x49: {  	[sflag:s0] =	ssyncadd.s32 @!p0 s1  }
0x4a: {  	[bflag:$0x3] =	sbarrier.arrive $0xFFFF  }
0x4b: {  	_ =	shalt  }

</sc_bundles>
